<compile_context>
chip_gen: v7x
topology: tpu7x:2x2x1
jax: 0.10.2.dev20260603
libtpu: 0.0.44.dev20260713+nightly
codegen_flags: <defaults>
</compile_context>

<pallas_src>
import functools

import jax
import jax.numpy as jnp
from jax import lax
from jax.experimental import pallas as pl
from jax.experimental.pallas import tpu as pltpu
from jax.experimental.pallas import tpu_sc as plsc

N = 100000
D = 256
B = 16384
RAW = 4 * D
HID = 2 * D
MSG = 100

GRID = 32
BB = B // GRID
MB = 3200

NC = 2
NS = 16
NW = NC * NS
BPW = B // NW
GC = 64
NCH = BPW // GC
SPC = (B // 16) // NCH
RPW = N // NW
SCCH = 256
WL = 18432
EBITS = 14
INVALID = 0x7FFFFFFF

_sc_mesh = plsc.VectorSubcoreMesh(core_axis_name="c", subcore_axis_name="s")


@functools.partial(
    pl.kernel,
    out_type=(
        jax.ShapeDtypeStruct((B, D), jnp.float32),
        jax.ShapeDtypeStruct((NW * WL,), jnp.int32),
    ),
    mesh=_sc_mesh,
    scratch_types=[
        pltpu.VMEM((B,), jnp.int32),
        pltpu.VMEM((B + 16,), jnp.int32),
        pltpu.VMEM((WL,), jnp.int32),
        pltpu.VMEM((RPW + 16,), jnp.int32),
        pltpu.VMEM((GC, D), jnp.float32),
        pltpu.VMEM((GC, D), jnp.float32),
        pltpu.SemaphoreType.DMA,
        pltpu.SemaphoreType.DMA,
    ],
    compiler_params=pltpu.CompilerParams(needs_layout_passes=False),
)
def _sc_prep(mem_hbm, idx_hbm, h_hbm, wl_hbm, idx_v, plist, wlist, claim,
             buf0, buf1, gsem, osem):
    wid = lax.axis_index("s") * NC + lax.axis_index("c")
    base = wid * BPW
    lo = wid * RPW
    hi = lo + RPW
    lane = lax.iota(jnp.int32, 16)

    pltpu.sync_copy(idx_hbm, idx_v)

    def scan_body(j, cnt):
        v = idx_v[pl.ds(j * 16, 16)]
        m = (v >= lo) & (v < hi)
        pack = ((v - lo) << EBITS) | (lane + j * 16)
        c = plsc.cumsum(jnp.where(m, jnp.int32(1), jnp.int32(0)))
        plsc.store_scatter(plist, [cnt + c - 1], pack, mask=m)
        return cnt + c[15]

    bufs = (buf0, buf1)
    cnt = jnp.int32(0)
    outs = [None] * NCH
    for c in range(NCH):
        if c >= 2:
            outs[c - 2].wait()
        g = pltpu.make_async_copy(
            mem_hbm.at[idx_v.at[pl.ds(base + c * GC, GC)]], bufs[c % 2], gsem)
        g.start()
        cnt = lax.fori_loop(c * SPC, (c + 1) * SPC, scan_body, cnt)
        g.wait()
        o = pltpu.make_async_copy(
            bufs[c % 2], h_hbm.at[pl.ds(base + c * GC, GC)], osem)
        o.start()
        outs[c] = o

    nchunk = (cnt + 15) // 16

    def claim_body(t, _):
        p = t * 16
        pk = plist[pl.ds(p, 16)]
        valid = lane < (cnt - p)
        pk = jnp.where(valid, pk, INVALID)
        sk, _sv = plsc.sort_key_val(pk, pk)
        grp = lax.shift_right_logical(sk, EBITS)
        nxt = grp[jnp.minimum(lane + 1, 15)]
        win = ((grp != nxt) | (lane == 15)) & (sk != INVALID)
        plsc.store_scatter(claim, [grp], sk & (B - 1), mask=win)
        return 0

    lax.fori_loop(0, nchunk, claim_body, 0)

    def winner_body(t, wcnt):
        p = t * 16
        pk = plist[pl.ds(p, 16)]
        valid = lane < (cnt - p)
        rrel = jnp.where(valid, lax.shift_right_logical(pk, EBITS), 0)
        cl = plsc.load_gather(claim, [rrel])
        win = valid & (cl == (pk & (B - 1)))
        wc = plsc.cumsum(jnp.where(win, jnp.int32(1), jnp.int32(0)))
        plsc.store_scatter(wlist, [16 + wcnt + wc - 1], pk, mask=win)
        return wcnt + wc[15]

    wcnt = lax.fori_loop(0, nchunk, winner_body, jnp.int32(0))
    wlist[pl.ds(0, 16)] = jnp.broadcast_to(wcnt, (16,))

    pad = jnp.broadcast_to(wlist[pl.ds(16, 16)][0], (16,))

    def pad_body(t, _):
        wlist[pl.ds(16 + wcnt + t * 16, 16)] = pad
        return 0

    lax.fori_loop(0, SCCH // 16, pad_body, 0)

    nwords = 16 + ((wcnt + SCCH - 1) // SCCH) * SCCH

    def dump_body(t, _):
        pltpu.sync_copy(wlist.at[pl.ds(t * 2048, 2048)],
                        wl_hbm.at[pl.ds(wid * WL + t * 2048, 2048)])
        return 0

    lax.fori_loop(0, (nwords + 2047) // 2048, dump_body, 0)

    for c in range(max(0, NCH - 2), NCH):
        outs[c].wait()


def _tc_body(raw_ref, h_ref, mem_ref, W1_ref, b1_ref, W2_ref, b2_ref,
             Wx_ref, Wh_ref, bx_ref, bh_ref, out_mem_ref, h_new_ref):
    out_mem_ref[...] = mem_ref[...]
    f32 = jnp.float32
    bf = jnp.bfloat16
    x = jnp.maximum(
        lax.dot(raw_ref[...].astype(bf), W1_ref[...].astype(bf),
                preferred_element_type=f32) + b1_ref[...], 0.0)
    msg = lax.dot(x.astype(bf), W2_ref[...].astype(bf),
                  preferred_element_type=f32) + b2_ref[...]
    gx = lax.dot(msg.astype(bf), Wx_ref[...].astype(bf),
                 preferred_element_type=f32) + bx_ref[...]
    h = h_ref[...]
    gh = lax.dot(h.astype(bf), Wh_ref[...].astype(bf),
                 preferred_element_type=f32) + bh_ref[...]
    xr, xz, xn = gx[:, :D], gx[:, D:2 * D], gx[:, 2 * D:]
    hr, hz, hn = gh[:, :D], gh[:, D:2 * D], gh[:, 2 * D:]
    r = jax.nn.sigmoid(xr + hr)
    z = jax.nn.sigmoid(xz + hz)
    n = jnp.tanh(xn + r * hn)
    h_new_ref[...] = (1.0 - z) * n + z * h


def _tc_call(raw_msg, h, mem, W1, b1, W2, b2, Wx, Wh, bx, bh):
    full = lambda s: pl.BlockSpec(s, lambda b: (0, 0))
    return pl.pallas_call(
        _tc_body,
        grid=(GRID,),
        in_specs=[
            pl.BlockSpec((BB, RAW), lambda b: (b, 0)),
            pl.BlockSpec((BB, D), lambda b: (b, 0)),
            pl.BlockSpec((MB, D), lambda b: (b, 0)),
            full((RAW, HID)),
            full((1, HID)),
            full((HID, MSG)),
            full((1, MSG)),
            full((MSG, 3 * D)),
            full((D, 3 * D)),
            full((1, 3 * D)),
            full((1, 3 * D)),
        ],
        out_specs=[
            pl.BlockSpec((MB, D), lambda b: (b, 0)),
            pl.BlockSpec((BB, D), lambda b: (b, 0)),
        ],
        out_shape=[
            jax.ShapeDtypeStruct((N, D), jnp.float32),
            jax.ShapeDtypeStruct((B, D), jnp.float32),
        ],
        compiler_params=pltpu.CompilerParams(
            dimension_semantics=("arbitrary",),
        ),
    )(raw_msg, h, mem, W1, b1, W2, b2, Wx, Wh, bx, bh)


@functools.partial(
    pl.kernel,
    out_type=(),
    mesh=_sc_mesh,
    scratch_types=[
        pltpu.VMEM((16,), jnp.int32),
        pltpu.VMEM((SCCH,), jnp.int32),
        pltpu.VMEM((SCCH,), jnp.int32),
        pltpu.VMEM((SCCH,), jnp.int32),
        pltpu.VMEM((SCCH, D), jnp.float32),
    ],
    compiler_params=pltpu.CompilerParams(needs_layout_passes=False),
)
def _sc_scatter(out_hbm, hnew_hbm, wl_hbm, hdr, wchunk, eidx, ridx, rowbuf):
    wid = lax.axis_index("s") * NC + lax.axis_index("c")
    lo = wid * RPW

    pltpu.sync_copy(wl_hbm.at[pl.ds(wid * WL, 16)], hdr)
    wcnt = hdr[pl.ds(0, 16)][0]

    def chunk_body(t, _):
        pltpu.sync_copy(
            wl_hbm.at[pl.ds(wid * WL + 16 + t * SCCH, SCCH)], wchunk)

        def dec_body(k, _):
            pk = wchunk[pl.ds(k * 16, 16)]
            eidx[pl.ds(k * 16, 16)] = pk & (B - 1)
            ridx[pl.ds(k * 16, 16)] = lax.shift_right_logical(pk, EBITS) + lo
            return 0

        lax.fori_loop(0, SCCH // 16, dec_body, 0, unroll=True)
        pltpu.sync_copy(hnew_hbm.at[eidx], rowbuf)
        pltpu.sync_copy(rowbuf, out_hbm.at[ridx])
        return 0

    lax.fori_loop(0, (wcnt + SCCH - 1) // SCCH, chunk_body, 0)


def kernel(mem, idx, raw_msg, W1, b1, W2, b2, Wx, Wh, bx, bh):
    h, wl = _sc_prep(mem, idx)

    out_mem, h_new = _tc_call(raw_msg, h, mem, W1, b1.reshape(1, -1), W2,
                              b2.reshape(1, -1), Wx, Wh, bx.reshape(1, -1),
                              bh.reshape(1, -1))

    out_ref = jax.new_ref(out_mem)
    _sc_scatter(out_ref, h_new, wl)
    return out_ref[...]

# --- scband reference (transcript-rebuilt; emitter-appended) ---
"""Pipeline reference for scband-mtg-model-57638461112564 (READ-ONLY COPY).

The authoritative reference and input builder live on the scoring server;
editing this copy changes nothing except your own understanding.
"""

import jax, jax.numpy as jnp
import numpy as np

N = 100000
D = 256
B = 16384
RAW = 4 * D
HID = 2 * D
MSG = 100


def setup_inputs(seed: int = 0) -> dict:
    key = jax.random.key(seed)
    ks = jax.random.split(key, 12)
    mem = jax.random.normal(ks[0], (N, D), dtype=jnp.float32)
    idx = jax.random.randint(ks[1], (B,), 0, N, dtype=jnp.int32)
    raw_msg = jax.random.normal(ks[2], (B, RAW), dtype=jnp.float32)
    s1 = 1.0 / np.sqrt(RAW)
    s2 = 1.0 / np.sqrt(HID)
    sx = 1.0 / np.sqrt(MSG)
    sh = 1.0 / np.sqrt(D)
    W1 = jax.random.normal(ks[3], (RAW, HID), dtype=jnp.float32) * s1
    b1 = jnp.zeros((HID,), dtype=jnp.float32)
    W2 = jax.random.normal(ks[4], (HID, MSG), dtype=jnp.float32) * s2
    b2 = jnp.zeros((MSG,), dtype=jnp.float32)
    Wx = jax.random.normal(ks[5], (MSG, 3 * D), dtype=jnp.float32) * sx
    Wh = jax.random.normal(ks[6], (D, 3 * D), dtype=jnp.float32) * sh
    bx = jnp.zeros((3 * D,), dtype=jnp.float32)
    bh = jnp.zeros((3 * D,), dtype=jnp.float32)
    return {"mem": mem, "idx": idx, "raw_msg": raw_msg, "W1": W1, "b1": b1,
            "W2": W2, "b2": b2, "Wx": Wx, "Wh": Wh, "bx": bx, "bh": bh}


def _gru_cell(x, h, Wx, Wh, bx, bh):
    gx = x @ Wx + bx
    gh = h @ Wh + bh
    xr, xz, xn = jnp.split(gx, 3, axis=-1)
    hr, hz, hn = jnp.split(gh, 3, axis=-1)
    r = jax.nn.sigmoid(xr + hr)
    z = jax.nn.sigmoid(xz + hz)
    n = jnp.tanh(xn + r * hn)
    return (1.0 - z) * n + z * h


def reference(mem, idx, raw_msg, W1, b1, W2, b2, Wx, Wh, bx, bh):
    # MTG cache-update core: MLP message function over raw messages,
    # gather per-entity cache rows, GRU cache updater, scatter-overwrite back.
    msg = jax.nn.relu(raw_msg @ W1 + b1) @ W2 + b2
    h = jnp.take(mem, idx, axis=0)
    h_new = _gru_cell(msg, h, Wx, Wh, bx, bh)
    new_mem = mem.at[idx].set(h_new)
    return new_mem

if __name__ == "__main__":
    import jax
    _d = setup_inputs()
    print(jax.jit(kernel)(*tuple(_d.values())))

</pallas_src>

<mosaic_0001>
#map = affine_map<(d0, d1) -> (0, 0)>
#map1 = affine_map<(d0, d1) -> (0)>
module attributes {stable_mosaic.version = 14 : i64} {
  func.func @new_body(%arg0: i32, %arg1: i32, %arg2: memref<100000x256xf32, #tpu.memory_space<hbm>>, %arg3: memref<16384x256xf32, #tpu.memory_space<hbm>>, %arg4: memref<589824xi32, #tpu.memory_space<hbm>>, %arg5: memref<100000x256xf32, #tpu.memory_space<hbm>>, %arg6: memref<16xi32, #tpu.memory_space<vmem>>, %arg7: memref<256xi32, #tpu.memory_space<vmem>>, %arg8: memref<256xi32, #tpu.memory_space<vmem>>, %arg9: memref<256xi32, #tpu.memory_space<vmem>>, %arg10: memref<256x256xf32, #tpu.memory_space<vmem>>) attributes {dimension_semantics = [#tpu.dimension_semantics<core_parallel>, #tpu.dimension_semantics<subcore_parallel>], iteration_bounds = array<i64: 2, 16>, scalar_prefetch = 0 : i64, scratch_operands = 5 : i64, tpu.core_type = #tpu.core_type<sc_vector_subcore>, window_params = [{transform_indices = #map}, {transform_indices = #map}, {transform_indices = #map1}, {transform_indices = #map}]} {
    %mul3A = arith.constant 2 : i32
    %mul3A_0 = arith.muli %arg1, %mul3A : i32
    %add3A = arith.addi %mul3A_0, %arg0 : i32
    %mul3A_1 = arith.constant 3125 : i32
    %mul3A_2 = arith.muli %add3A, %mul3A_1 : i32
    %mul3A_3 = arith.constant 18432 : i32
    %mul3A_4 = arith.muli %add3A, %mul3A_3 : i32
    "tpu.region"() ({
      %run_scoped3A = tpu.sem_alloc : memref<!tpu.dma_semaphore, #tpu.memory_space<semaphore_mem>>
      %dma_start3A = tpu.memref_slice %arg4[%mul3A_4] : memref<589824xi32, #tpu.memory_space<hbm>> -> memref<16xi32, #tpu.memory_space<hbm>>
      %dma_start3A_37 = tpu.memref_slice %arg4[%mul3A_4] : memref<589824xi32, #tpu.memory_space<hbm>> -> memref<16xi32, #tpu.memory_space<hbm>>
      tpu.enqueue_dma source(%dma_start3A_37 : memref<16xi32, #tpu.memory_space<hbm>>) target(%arg6 : memref<16xi32, #tpu.memory_space<vmem>>) target_semaphore(%run_scoped3A : memref<!tpu.dma_semaphore, #tpu.memory_space<semaphore_mem>>)
      %dma_wait3A = tpu.memref_slice %arg4[%mul3A_4] : memref<589824xi32, #tpu.memory_space<hbm>> -> memref<16xi32, #tpu.memory_space<hbm>>
      %dma_wait3A_38 = tpu.memref_slice %arg4[%mul3A_4] : memref<589824xi32, #tpu.memory_space<hbm>> -> memref<16xi32, #tpu.memory_space<hbm>>
      tpu.wait_dma2 semaphore(%run_scoped3A : memref<!tpu.dma_semaphore, #tpu.memory_space<semaphore_mem>>) src(%dma_wait3A_38 : memref<16xi32, #tpu.memory_space<hbm>>) dst(%arg6 : memref<16xi32, #tpu.memory_space<vmem>>)
      tpu.yield
    }) : () -> ()
    %get3A = arith.constant 0 : index
    %get3A_5 = tpu.vector_load %arg6[%get3A] {strides = array<i32>} : memref<16xi32, #tpu.memory_space<vmem>>, vector<16xi32>,
    %slice3A = vector.extract_strided_slice %get3A_5 {offsets = [0], sizes = [1], strides = [1]} : vector<16xi32> to vector<1xi32>
    %squeeze3A = vector.extract %slice3A[0] : i32 from vector<1xi32>
    %add3A_6 = arith.constant 256 : i32
    %add3A_7 = arith.addi %squeeze3A, %add3A_6 : i32
    %sub3A = arith.constant 1 : i32
    %sub3A_8 = arith.subi %add3A_7, %sub3A : i32
    %jit3A = arith.constant 256 : i32
    %div3A = arith.divsi %sub3A_8, %jit3A : i32
    %sign3A = arith.constant 0 : i32
    %sign3A_9 = arith.cmpi sgt, %sub3A_8, %sign3A : i32
    %sign3A_10 = arith.extui %sign3A_9 : i1 to i32
    %sign3A_11 = arith.constant 0 : i32
    %sign3A_12 = arith.cmpi slt, %sub3A_8, %sign3A_11 : i32
    %sign3A_13 = arith.extui %sign3A_12 : i1 to i32
    %sign3A_14 = arith.subi %sign3A_10, %sign3A_13 : i32
    %sign3A_15 = arith.constant 0 : i32
    %sign3A_16 = arith.cmpi sgt, %jit3A, %sign3A_15 : i32
    %sign3A_17 = arith.extui %sign3A_16 : i1 to i32
    %sign3A_18 = arith.constant 0 : i32
    %sign3A_19 = arith.cmpi slt, %jit3A, %sign3A_18 : i32
    %sign3A_20 = arith.extui %sign3A_19 : i1 to i32
    %sign3A_21 = arith.subi %sign3A_17, %sign3A_20 : i32
    %ne3A = arith.cmpi ne, %sign3A_14, %sign3A_21 : i32
    %rem3A = arith.remsi %sub3A_8, %jit3A : i32
    %ne3A_22 = arith.constant 0 : i32
    %ne3A_23 = arith.cmpi ne, %rem3A, %ne3A_22 : i32
    %and3A = arith.andi %ne3A, %ne3A_23 : i1
    %sub3A_24 = arith.constant 1 : i32
    %sub3A_25 = arith.subi %div3A, %sub3A_24 : i32
    %select_n3A = arith.select %and3A, %sub3A_25, %div3A : i32
    %while3A = arith.constant 0 : i32
    %while3A_26 = arith.constant 0 : i32
    %while3A_27 = arith.subi %select_n3A, %while3A : i32
    %while3A_28 = arith.addi %while3A, %while3A_27 : i32
    %while3A_29 = arith.constant 1 : i32
    %while3A_30 = arith.divsi %while3A_27, %while3A_29 : i32
    %while3A_31 = arith.muli %while3A_30, %while3A_29 : i32
    %while3A_32 = arith.addi %while3A, %while3A_31 : i32
    %while3A_33 = arith.constant 1 : i32
    %while3A_34 = scf.for %while3A_37 = %while3A to %while3A_32 step %while3A_33 iter_args(%while3A_38 = %while3A_26) -> (i32)  : i32 {
      %mul3A_39 = arith.constant 18432 : i32
      %mul3A_40 = arith.muli %add3A, %mul3A_39 : i32
      %add3A_41 = arith.constant 16 : i32
      %add3A_42 = arith.addi %mul3A_40, %add3A_41 : i32
      %mul3A_43 = arith.constant 256 : i32
      %mul3A_44 = arith.muli %while3A_37, %mul3A_43 : i32
      %add3A_45 = arith.addi %add3A_42, %mul3A_44 : i32
      "tpu.region"() ({
        %run_scoped3A = tpu.sem_alloc : memref<!tpu.dma_semaphore, #tpu.memory_space<semaphore_mem>>
        %dma_start3A = tpu.memref_slice %arg4[%add3A_45] : memref<589824xi32, #tpu.memory_space<hbm>> -> memref<256xi32, #tpu.memory_space<hbm>>
        %dma_start3A_398 = tpu.memref_slice %arg4[%add3A_45] : memref<589824xi32, #tpu.memory_space<hbm>> -> memref<256xi32, #tpu.memory_space<hbm>>
        tpu.enqueue_dma source(%dma_start3A_398 : memref<256xi32, #tpu.memory_space<hbm>>) target(%arg7 : memref<256xi32, #tpu.memory_space<vmem>>) target_semaphore(%run_scoped3A : memref<!tpu.dma_semaphore, #tpu.memory_space<semaphore_mem>>)
        %dma_wait3A = tpu.memref_slice %arg4[%add3A_45] : memref<589824xi32, #tpu.memory_space<hbm>> -> memref<256xi32, #tpu.memory_space<hbm>>
        %dma_wait3A_399 = tpu.memref_slice %arg4[%add3A_45] : memref<589824xi32, #tpu.memory_space<hbm>> -> memref<256xi32, #tpu.memory_space<hbm>>
        tpu.wait_dma2 semaphore(%run_scoped3A : memref<!tpu.dma_semaphore, #tpu.memory_space<semaphore_mem>>) src(%dma_wait3A_399 : memref<256xi32, #tpu.memory_space<hbm>>) dst(%arg7 : memref<256xi32, #tpu.memory_space<vmem>>)
        tpu.yield
      }) : () -> ()
      %scan3A = arith.constant 0 : i32
      %scan3A_46 = arith.constant 0 : i32
      %mul3A_47 = arith.constant 16 : i32
      %mul3A_48 = arith.muli %scan3A_46, %mul3A_47 : i32
      %get3A_49 = arith.index_cast %mul3A_48 : i32 to index
      %get3A_50 = tpu.vector_load %arg7[%get3A_49] {strides = array<i32>} : memref<256xi32, #tpu.memory_space<vmem>>, vector<16xi32>,
      %and3A_51 = arith.constant 16383 : i32
      %and3A_52 = vector.broadcast %and3A_51 : i32 to vector<16xi32>
      %and3A_53 = arith.andi %get3A_50, %and3A_52 : vector<16xi32>
      %mul3A_54 = arith.constant 16 : i32
      %mul3A_55 = arith.muli %scan3A_46, %mul3A_54 : i32
      %swap3A = arith.index_cast %mul3A_55 : i32 to index
      %swap3A_56 = tpu.vector_load %arg8[%swap3A] {strides = array<i32>} : memref<256xi32, #tpu.memory_space<vmem>>, vector<16xi32>,
      tpu.vector_store %arg8[%swap3A], %and3A_53 {strides = array<i32>} : memref<256xi32, #tpu.memory_space<vmem>>, vector<16xi32>,
      %shift_right_logical3A = arith.constant 14 : i32
      %shift_right_logical3A_57 = vector.broadcast %shift_right_logical3A : i32 to vector<16xi32>
      %shift_right_logical3A_58 = arith.shrui %get3A_50, %shift_right_logical3A_57 : vector<16xi32>
      %add3A_59 = vector.broadcast %mul3A_2 : i32 to vector<16xi32>
      %add3A_60 = arith.addi %shift_right_logical3A_58, %add3A_59 : vector<16xi32>
      %mul3A_61 = arith.constant 16 : i32
      %mul3A_62 = arith.muli %scan3A_46, %mul3A_61 : i32
      %swap3A_63 = arith.index_cast %mul3A_62 : i32 to index
      %swap3A_64 = tpu.vector_load %arg9[%swap3A_63] {strides = array<i32>} : memref<256xi32, #tpu.memory_space<vmem>>, vector<16xi32>,
      tpu.vector_store %arg9[%swap3A_63], %add3A_60 {strides = array<i32>} : memref<256xi32, #tpu.memory_space<vmem>>, vector<16xi32>,
      %scan3A_65 = arith.constant 0 : i32
      %scan3A_66 = arith.constant 1 : i32
      %mul3A_67 = arith.constant 16 : i32
      %mul3A_68 = arith.muli %scan3A_66, %mul3A_67 : i32
      %get3A_69 = arith.index_cast %mul3A_68 : i32 to index
      %get3A_70 = tpu.vector_load %arg7[%get3A_69] {strides = array<i32>} : memref<256xi32, #tpu.memory_space<vmem>>, vector<16xi32>,
      %and3A_71 = arith.constant 16383 : i32
      %and3A_72 = vector.broadcast %and3A_71 : i32 to vector<16xi32>
      %and3A_73 = arith.andi %get3A_70, %and3A_72 : vector<16xi32>
      %mul3A_74 = arith.constant 16 : i32
      %mul3A_75 = arith.muli %scan3A_66, %mul3A_74 : i32
      %swap3A_76 = arith.index_cast %mul3A_75 : i32 to index
      %swap3A_77 = tpu.vector_load %arg8[%swap3A_76] {strides = array<i32>} : memref<256xi32, #tpu.memory_space<vmem>>, vector<16xi32>,
      tpu.vector_store %arg8[%swap3A_76], %and3A_73 {strides = array<i32>} : memref<256xi32, #tpu.memory_space<vmem>>, vector<16xi32>,
      %shift_right_logical3A_78 = arith.constant 14 : i32
      %shift_right_logical3A_79 = vector.broadcast %shift_right_logical3A_78 : i32 to vector<16xi32>
      %shift_right_logical3A_80 = arith.shrui %get3A_70, %shift_right_logical3A_79 : vector<16xi32>
      %add3A_81 = vector.broadcast %mul3A_2 : i32 to vector<16xi32>
      %add3A_82 = arith.addi %shift_right_logical3A_80, %add3A_81 : vector<16xi32>
      %mul3A_83 = arith.constant 16 : i32
      %mul3A_84 = arith.muli %scan3A_66, %mul3A_83 : i32
      %swap3A_85 = arith.index_cast %mul3A_84 : i32 to index
      %swap3A_86 = tpu.vector_load %arg9[%swap3A_85] {strides = array<i32>} : memref<256xi32, #tpu.memory_space<vmem>>, vector<16xi32>,
      tpu.vector_store %arg9[%swap3A_85], %add3A_82 {strides = array<i32>} : memref<256xi32, #tpu.memory_space<vmem>>, vector<16xi32>,
      %scan3A_87 = arith.constant 0 : i32
      %scan3A_88 = arith.constant 2 : i32
      %mul3A_89 = arith.constant 16 : i32
      %mul3A_90 = arith.muli %scan3A_88, %mul3A_89 : i32
      %get3A_91 = arith.index_cast %mul3A_90 : i32 to index
      %get3A_92 = tpu.vector_load %arg7[%get3A_91] {strides = array<i32>} : memref<256xi32, #tpu.memory_space<vmem>>, vector<16xi32>,
      %and3A_93 = arith.constant 16383 : i32
      %and3A_94 = vector.broadcast %and3A_93 : i32 to vector<16xi32>
      %and3A_95 = arith.andi %get3A_92, %and3A_94 : vector<16xi32>
      %mul3A_96 = arith.constant 16 : i32
      %mul3A_97 = arith.muli %scan3A_88, %mul3A_96 : i32
      %swap3A_98 = arith.index_cast %mul3A_97 : i32 to index
      %swap3A_99 = tpu.vector_load %arg8[%swap3A_98] {strides = array<i32>} : memref<256xi32, #tpu.memory_space<vmem>>, vector<16xi32>,
      tpu.vector_store %arg8[%swap3A_98], %and3A_95 {strides = array<i32>} : memref<256xi32, #tpu.memory_space<vmem>>, vector<16xi32>,
      %shift_right_logical3A_100 = arith.constant 14 : i32
      %shift_right_logical3A_101 = vector.broadcast %shift_right_logical3A_100 : i32 to vector<16xi32>
      %shift_right_logical3A_102 = arith.shrui %get3A_92, %shift_right_logical3A_101 : vector<16xi32>
      %add3A_103 = vector.broadcast %mul3A_2 : i32 to vector<16xi32>
      %add3A_104 = arith.addi %shift_right_logical3A_102, %add3A_103 : vector<16xi32>
      %mul3A_105 = arith.constant 16 : i32
      %mul3A_106 = arith.muli %scan3A_88, %mul3A_105 : i32
      %swap3A_107 = arith.index_cast %mul3A_106 : i32 to index
      %swap3A_108 = tpu.vector_load %arg9[%swap3A_107] {strides = array<i32>} : memref<256xi32, #tpu.memory_space<vmem>>, vector<16xi32>,
      tpu.vector_store %arg9[%swap3A_107], %add3A_104 {strides = array<i32>} : memref<256xi32, #tpu.memory_space<vmem>>, vector<16xi32>,
      %scan3A_109 = arith.constant 0 : i32
      %scan3A_110 = arith.constant 3 : i32
      %mul3A_111 = arith.constant 16 : i32
      %mul3A_112 = arith.muli %scan3A_110, %mul3A_111 : i32
      %get3A_113 = arith.index_cast %mul3A_112 : i32 to index
      %get3A_114 = tpu.vector_load %arg7[%get3A_113] {strides = array<i32>} : memref<256xi32, #tpu.memory_space<vmem>>, vector<16xi32>,
      %and3A_115 = arith.constant 16383 : i32
      %and3A_116 = vector.broadcast %and3A_115 : i32 to vector<16xi32>
      %and3A_117 = arith.andi %get3A_114, %and3A_116 : vector<16xi32>
      %mul3A_118 = arith.constant 16 : i32
      %mul3A_119 = arith.muli %scan3A_110, %mul3A_118 : i32
      %swap3A_120 = arith.index_cast %mul3A_119 : i32 to index
      %swap3A_121 = tpu.vector_load %arg8[%swap3A_120] {strides = array<i32>} : memref<256xi32, #tpu.memory_space<vmem>>, vector<16xi32>,
      tpu.vector_store %arg8[%swap3A_120], %and3A_117 {strides = array<i32>} : memref<256xi32, #tpu.memory_space<vmem>>, vector<16xi32>,
      %shift_right_logical3A_122 = arith.constant 14 : i32
      %shift_right_logical3A_123 = vector.broadcast %shift_right_logical3A_122 : i32 to vector<16xi32>
      %shift_right_logical3A_124 = arith.shrui %get3A_114, %shift_right_logical3A_123 : vector<16xi32>
      %add3A_125 = vector.broadcast %mul3A_2 : i32 to vector<16xi32>
      %add3A_126 = arith.addi %shift_right_logical3A_124, %add3A_125 : vector<16xi32>
      %mul3A_127 = arith.constant 16 : i32
      %mul3A_128 = arith.muli %scan3A_110, %mul3A_127 : i32
      %swap3A_129 = arith.index_cast %mul3A_128 : i32 to index
      %swap3A_130 = tpu.vector_load %arg9[%swap3A_129] {strides = array<i32>} : memref<256xi32, #tpu.memory_space<vmem>>, vector<16xi32>,
      tpu.vector_store %arg9[%swap3A_129], %add3A_126 {strides = array<i32>} : memref<256xi32, #tpu.memory_space<vmem>>, vector<16xi32>,
      %scan3A_131 = arith.constant 0 : i32
      %scan3A_132 = arith.constant 4 : i32
      %mul3A_133 = arith.constant 16 : i32
      %mul3A_134 = arith.muli %scan3A_132, %mul3A_133 : i32
      %get3A_135 = arith.index_cast %mul3A_134 : i32 to index
      %get3A_136 = tpu.vector_load %arg7[%get3A_135] {strides = array<i32>} : memref<256xi32, #tpu.memory_space<vmem>>, vector<16xi32>,
      %and3A_137 = arith.constant 16383 : i32
      %and3A_138 = vector.broadcast %and3A_137 : i32 to vector<16xi32>
      %and3A_139 = arith.andi %get3A_136, %and3A_138 : vector<16xi32>
      %mul3A_140 = arith.constant 16 : i32
      %mul3A_141 = arith.muli %scan3A_132, %mul3A_140 : i32
      %swap3A_142 = arith.index_cast %mul3A_141 : i32 to index
      %swap3A_143 = tpu.vector_load %arg8[%swap3A_142] {strides = array<i32>} : memref<256xi32, #tpu.memory_space<vmem>>, vector<16xi32>,
      tpu.vector_store %arg8[%swap3A_142], %and3A_139 {strides = array<i32>} : memref<256xi32, #tpu.memory_space<vmem>>, vector<16xi32>,
      %shift_right_logical3A_144 = arith.constant 14 : i32
      %shift_right_logical3A_145 = vector.broadcast %shift_right_logical3A_144 : i32 to vector<16xi32>
      %shift_right_logical3A_146 = arith.shrui %get3A_136, %shift_right_logical3A_145 : vector<16xi32>
      %add3A_147 = vector.broadcast %mul3A_2 : i32 to vector<16xi32>
      %add3A_148 = arith.addi %shift_right_logical3A_146, %add3A_147 : vector<16xi32>
      %mul3A_149 = arith.constant 16 : i32
      %mul3A_150 = arith.muli %scan3A_132, %mul3A_149 : i32
      %swap3A_151 = arith.index_cast %mul3A_150 : i32 to index
      %swap3A_152 = tpu.vector_load %arg9[%swap3A_151] {strides = array<i32>} : memref<256xi32, #tpu.memory_space<vmem>>, vector<16xi32>,
      tpu.vector_store %arg9[%swap3A_151], %add3A_148 {strides = array<i32>} : memref<256xi32, #tpu.memory_space<vmem>>, vector<16xi32>,
      %scan3A_153 = arith.constant 0 : i32
      %scan3A_154 = arith.constant 5 : i32
      %mul3A_155 = arith.constant 16 : i32
      %mul3A_156 = arith.muli %scan3A_154, %mul3A_155 : i32
      %get3A_157 = arith.index_cast %mul3A_156 : i32 to index
      %get3A_158 = tpu.vector_load %arg7[%get3A_157] {strides = array<i32>} : memref<256xi32, #tpu.memory_space<vmem>>, vector<16xi32>,
      %and3A_159 = arith.constant 16383 : i32
      %and3A_160 = vector.broadcast %and3A_159 : i32 to vector<16xi32>
      %and3A_161 = arith.andi %get3A_158, %and3A_160 : vector<16xi32>
      %mul3A_162 = arith.constant 16 : i32
      %mul3A_163 = arith.muli %scan3A_154, %mul3A_162 : i32
      %swap3A_164 = arith.index_cast %mul3A_163 : i32 to index
      %swap3A_165 = tpu.vector_load %arg8[%swap3A_164] {strides = array<i32>} : memref<256xi32, #tpu.memory_space<vmem>>, vector<16xi32>,
      tpu.vector_store %arg8[%swap3A_164], %and3A_161 {strides = array<i32>} : memref<256xi32, #tpu.memory_space<vmem>>, vector<16xi32>,
      %shift_right_logical3A_166 = arith.constant 14 : i32
      %shift_right_logical3A_167 = vector.broadcast %shift_right_logical3A_166 : i32 to vector<16xi32>
      %shift_right_logical3A_168 = arith.shrui %get3A_158, %shift_right_logical3A_167 : vector<16xi32>
      %add3A_169 = vector.broadcast %mul3A_2 : i32 to vector<16xi32>
      %add3A_170 = arith.addi %shift_right_logical3A_168, %add3A_169 : vector<16xi32>
      %mul3A_171 = arith.constant 16 : i32
      %mul3A_172 = arith.muli %scan3A_154, %mul3A_171 : i32
      %swap3A_173 = arith.index_cast %mul3A_172 : i32 to index
      %swap3A_174 = tpu.vector_load %arg9[%swap3A_173] {strides = array<i32>} : memref<256xi32, #tpu.memory_space<vmem>>, vector<16xi32>,
      tpu.vector_store %arg9[%swap3A_173], %add3A_170 {strides = array<i32>} : memref<256xi32, #tpu.memory_space<vmem>>, vector<16xi32>,
      %scan3A_175 = arith.constant 0 : i32
      %scan3A_176 = arith.constant 6 : i32
      %mul3A_177 = arith.constant 16 : i32
      %mul3A_178 = arith.muli %scan3A_176, %mul3A_177 : i32
      %get3A_179 = arith.index_cast %mul3A_178 : i32 to index
      %get3A_180 = tpu.vector_load %arg7[%get3A_179] {strides = array<i32>} : memref<256xi32, #tpu.memory_space<vmem>>, vector<16xi32>,
      %and3A_181 = arith.constant 16383 : i32
      %and3A_182 = vector.broadcast %and3A_181 : i32 to vector<16xi32>
      %and3A_183 = arith.andi %get3A_180, %and3A_182 : vector<16xi32>
      %mul3A_184 = arith.constant 16 : i32
      %mul3A_185 = arith.muli %scan3A_176, %mul3A_184 : i32
      %swap3A_186 = arith.index_cast %mul3A_185 : i32 to index
      %swap3A_187 = tpu.vector_load %arg8[%swap3A_186] {strides = array<i32>} : memref<256xi32, #tpu.memory_space<vmem>>, vector<16xi32>,
      tpu.vector_store %arg8[%swap3A_186], %and3A_183 {strides = array<i32>} : memref<256xi32, #tpu.memory_space<vmem>>, vector<16xi32>,
      %shift_right_logical3A_188 = arith.constant 14 : i32
      %shift_right_logical3A_189 = vector.broadcast %shift_right_logical3A_188 : i32 to vector<16xi32>
      %shift_right_logical3A_190 = arith.shrui %get3A_180, %shift_right_logical3A_189 : vector<16xi32>
      %add3A_191 = vector.broadcast %mul3A_2 : i32 to vector<16xi32>
      %add3A_192 = arith.addi %shift_right_logical3A_190, %add3A_191 : vector<16xi32>
      %mul3A_193 = arith.constant 16 : i32
      %mul3A_194 = arith.muli %scan3A_176, %mul3A_193 : i32
      %swap3A_195 = arith.index_cast %mul3A_194 : i32 to index
      %swap3A_196 = tpu.vector_load %arg9[%swap3A_195] {strides = array<i32>} : memref<256xi32, #tpu.memory_space<vmem>>, vector<16xi32>,
      tpu.vector_store %arg9[%swap3A_195], %add3A_192 {strides = array<i32>} : memref<256xi32, #tpu.memory_space<vmem>>, vector<16xi32>,
      %scan3A_197 = arith.constant 0 : i32
      %scan3A_198 = arith.constant 7 : i32
      %mul3A_199 = arith.constant 16 : i32
      %mul3A_200 = arith.muli %scan3A_198, %mul3A_199 : i32
      %get3A_201 = arith.index_cast %mul3A_200 : i32 to index
      %get3A_202 = tpu.vector_load %arg7[%get3A_201] {strides = array<i32>} : memref<256xi32, #tpu.memory_space<vmem>>, vector<16xi32>,
      %and3A_203 = arith.constant 16383 : i32
      %and3A_204 = vector.broadcast %and3A_203 : i32 to vector<16xi32>
      %and3A_205 = arith.andi %get3A_202, %and3A_204 : vector<16xi32>
      %mul3A_206 = arith.constant 16 : i32
      %mul3A_207 = arith.muli %scan3A_198, %mul3A_206 : i32
      %swap3A_208 = arith.index_cast %mul3A_207 : i32 to index
      %swap3A_209 = tpu.vector_load %arg8[%swap3A_208] {strides = array<i32>} : memref<256xi32, #tpu.memory_space<vmem>>, vector<16xi32>,
      tpu.vector_store %arg8[%swap3A_208], %and3A_205 {strides = array<i32>} : memref<256xi32, #tpu.memory_space<vmem>>, vector<16xi32>,
      %shift_right_logical3A_210 = arith.constant 14 : i32
      %shift_right_logical3A_211 = vector.broadcast %shift_right_logical3A_210 : i32 to vector<16xi32>
      %shift_right_logical3A_212 = arith.shrui %get3A_202, %shift_right_logical3A_211 : vector<16xi32>
      %add3A_213 = vector.broadcast %mul3A_2 : i32 to vector<16xi32>
      %add3A_214 = arith.addi %shift_right_logical3A_212, %add3A_213 : vector<16xi32>
      %mul3A_215 = arith.constant 16 : i32
      %mul3A_216 = arith.muli %scan3A_198, %mul3A_215 : i32
      %swap3A_217 = arith.index_cast %mul3A_216 : i32 to index
      %swap3A_218 = tpu.vector_load %arg9[%swap3A_217] {strides = array<i32>} : memref<256xi32, #tpu.memory_space<vmem>>, vector<16xi32>,
      tpu.vector_store %arg9[%swap3A_217], %add3A_214 {strides = array<i32>} : memref<256xi32, #tpu.memory_space<vmem>>, vector<16xi32>,
      %scan3A_219 = arith.constant 0 : i32
      %scan3A_220 = arith.constant 8 : i32
      %mul3A_221 = arith.constant 16 : i32
      %mul3A_222 = arith.muli %scan3A_220, %mul3A_221 : i32
      %get3A_223 = arith.index_cast %mul3A_222 : i32 to index
      %get3A_224 = tpu.vector_load %arg7[%get3A_223] {strides = array<i32>} : memref<256xi32, #tpu.memory_space<vmem>>, vector<16xi32>,
      %and3A_225 = arith.constant 16383 : i32
      %and3A_226 = vector.broadcast %and3A_225 : i32 to vector<16xi32>
      %and3A_227 = arith.andi %get3A_224, %and3A_226 : vector<16xi32>
      %mul3A_228 = arith.constant 16 : i32
      %mul3A_229 = arith.muli %scan3A_220, %mul3A_228 : i32
      %swap3A_230 = arith.index_cast %mul3A_229 : i32 to index
      %swap3A_231 = tpu.vector_load %arg8[%swap3A_230] {strides = array<i32>} : memref<256xi32, #tpu.memory_space<vmem>>, vector<16xi32>,
      tpu.vector_store %arg8[%swap3A_230], %and3A_227 {strides = array<i32>} : memref<256xi32, #tpu.memory_space<vmem>>, vector<16xi32>,
      %shift_right_logical3A_232 = arith.constant 14 : i32
      %shift_right_logical3A_233 = vector.broadcast %shift_right_logical3A_232 : i32 to vector<16xi32>
      %shift_right_logical3A_234 = arith.shrui %get3A_224, %shift_right_logical3A_233 : vector<16xi32>
      %add3A_235 = vector.broadcast %mul3A_2 : i32 to vector<16xi32>
      %add3A_236 = arith.addi %shift_right_logical3A_234, %add3A_235 : vector<16xi32>
      %mul3A_237 = arith.constant 16 : i32
      %mul3A_238 = arith.muli %scan3A_220, %mul3A_237 : i32
      %swap3A_239 = arith.index_cast %mul3A_238 : i32 to index
      %swap3A_240 = tpu.vector_load %arg9[%swap3A_239] {strides = array<i32>} : memref<256xi32, #tpu.memory_space<vmem>>, vector<16xi32>,
      tpu.vector_store %arg9[%swap3A_239], %add3A_236 {strides = array<i32>} : memref<256xi32, #tpu.memory_space<vmem>>, vector<16xi32>,
      %scan3A_241 = arith.constant 0 : i32
      %scan3A_242 = arith.constant 9 : i32
      %mul3A_243 = arith.constant 16 : i32
      %mul3A_244 = arith.muli %scan3A_242, %mul3A_243 : i32
      %get3A_245 = arith.index_cast %mul3A_244 : i32 to index
      %get3A_246 = tpu.vector_load %arg7[%get3A_245] {strides = array<i32>} : memref<256xi32, #tpu.memory_space<vmem>>, vector<16xi32>,
      %and3A_247 = arith.constant 16383 : i32
      %and3A_248 = vector.broadcast %and3A_247 : i32 to vector<16xi32>
      %and3A_249 = arith.andi %get3A_246, %and3A_248 : vector<16xi32>
      %mul3A_250 = arith.constant 16 : i32
      %mul3A_251 = arith.muli %scan3A_242, %mul3A_250 : i32
      %swap3A_252 = arith.index_cast %mul3A_251 : i32 to index
      %swap3A_253 = tpu.vector_load %arg8[%swap3A_252] {strides = array<i32>} : memref<256xi32, #tpu.memory_space<vmem>>, vector<16xi32>,
      tpu.vector_store %arg8[%swap3A_252], %and3A_249 {strides = array<i32>} : memref<256xi32, #tpu.memory_space<vmem>>, vector<16xi32>,
      %shift_right_logical3A_254 = arith.constant 14 : i32
      %shift_right_logical3A_255 = vector.broadcast %shift_right_logical3A_254 : i32 to vector<16xi32>
      %shift_right_logical3A_256 = arith.shrui %get3A_246, %shift_right_logical3A_255 : vector<16xi32>
      %add3A_257 = vector.broadcast %mul3A_2 : i32 to vector<16xi32>
      %add3A_258 = arith.addi %shift_right_logical3A_256, %add3A_257 : vector<16xi32>
      %mul3A_259 = arith.constant 16 : i32
      %mul3A_260 = arith.muli %scan3A_242, %mul3A_259 : i32
      %swap3A_261 = arith.index_cast %mul3A_260 : i32 to index
      %swap3A_262 = tpu.vector_load %arg9[%swap3A_261] {strides = array<i32>} : memref<256xi32, #tpu.memory_space<vmem>>, vector<16xi32>,
      tpu.vector_store %arg9[%swap3A_261], %add3A_258 {strides = array<i32>} : memref<256xi32, #tpu.memory_space<vmem>>, vector<16xi32>,
      %scan3A_263 = arith.constant 0 : i32
      %scan3A_264 = arith.constant 10 : i32
      %mul3A_265 = arith.constant 16 : i32
      %mul3A_266 = arith.muli %scan3A_264, %mul3A_265 : i32
      %get3A_267 = arith.index_cast %mul3A_266 : i32 to index
      %get3A_268 = tpu.vector_load %arg7[%get3A_267] {strides = array<i32>} : memref<256xi32, #tpu.memory_space<vmem>>, vector<16xi32>,
      %and3A_269 = arith.constant 16383 : i32
      %and3A_270 = vector.broadcast %and3A_269 : i32 to vector<16xi32>
      %and3A_271 = arith.andi %get3A_268, %and3A_270 : vector<16xi32>
      %mul3A_272 = arith.constant 16 : i32
      %mul3A_273 = arith.muli %scan3A_264, %mul3A_272 : i32
      %swap3A_274 = arith.index_cast %mul3A_273 : i32 to index
      %swap3A_275 = tpu.vector_load %arg8[%swap3A_274] {strides = array<i32>} : memref<256xi32, #tpu.memory_space<vmem>>, vector<16xi32>,
      tpu.vector_store %arg8[%swap3A_274], %and3A_271 {strides = array<i32>} : memref<256xi32, #tpu.memory_space<vmem>>, vector<16xi32>,
      %shift_right_logical3A_276 = arith.constant 14 : i32
      %shift_right_logical3A_277 = vector.broadcast %shift_right_logical3A_276 : i32 to vector<16xi32>
      %shift_right_logical3A_278 = arith.shrui %get3A_268, %shift_right_logical3A_277 : vector<16xi32>
      %add3A_279 = vector.broadcast %mul3A_2 : i32 to vector<16xi32>
      %add3A_280 = arith.addi %shift_right_logical3A_278, %add3A_279 : vector<16xi32>
      %mul3A_281 = arith.constant 16 : i32
      %mul3A_282 = arith.muli %scan3A_264, %mul3A_281 : i32
      %swap3A_283 = arith.index_cast %mul3A_282 : i32 to index
      %swap3A_284 = tpu.vector_load %arg9[%swap3A_283] {strides = array<i32>} : memref<256xi32, #tpu.memory_space<vmem>>, vector<16xi32>,
      tpu.vector_store %arg9[%swap3A_283], %add3A_280 {strides = array<i32>} : memref<256xi32, #tpu.memory_space<vmem>>, vector<16xi32>,
      %scan3A_285 = arith.constant 0 : i32
      %scan3A_286 = arith.constant 11 : i32
      %mul3A_287 = arith.constant 16 : i32
      %mul3A_288 = arith.muli %scan3A_286, %mul3A_287 : i32
      %get3A_289 = arith.index_cast %mul3A_288 : i32 to index
      %get3A_290 = tpu.vector_load %arg7[%get3A_289] {strides = array<i32>} : memref<256xi32, #tpu.memory_space<vmem>>, vector<16xi32>,
      %and3A_291 = arith.constant 16383 : i32
      %and3A_292 = vector.broadcast %and3A_291 : i32 to vector<16xi32>
      %and3A_293 = arith.andi %get3A_290, %and3A_292 : vector<16xi32>
      %mul3A_294 = arith.constant 16 : i32
      %mul3A_295 = arith.muli %scan3A_286, %mul3A_294 : i32
      %swap3A_296 = arith.index_cast %mul3A_295 : i32 to index
      %swap3A_297 = tpu.vector_load %arg8[%swap3A_296] {strides = array<i32>} : memref<256xi32, #tpu.memory_space<vmem>>, vector<16xi32>,
      tpu.vector_store %arg8[%swap3A_296], %and3A_293 {strides = array<i32>} : memref<256xi32, #tpu.memory_space<vmem>>, vector<16xi32>,
      %shift_right_logical3A_298 = arith.constant 14 : i32
      %shift_right_logical3A_299 = vector.broadcast %shift_right_logical3A_298 : i32 to vector<16xi32>
      %shift_right_logical3A_300 = arith.shrui %get3A_290, %shift_right_logical3A_299 : vector<16xi32>
      %add3A_301 = vector.broadcast %mul3A_2 : i32 to vector<16xi32>
      %add3A_302 = arith.addi %shift_right_logical3A_300, %add3A_301 : vector<16xi32>
      %mul3A_303 = arith.constant 16 : i32
      %mul3A_304 = arith.muli %scan3A_286, %mul3A_303 : i32
      %swap3A_305 = arith.index_cast %mul3A_304 : i32 to index
      %swap3A_306 = tpu.vector_load %arg9[%swap3A_305] {strides = array<i32>} : memref<256xi32, #tpu.memory_space<vmem>>, vector<16xi32>,
      tpu.vector_store %arg9[%swap3A_305], %add3A_302 {strides = array<i32>} : memref<256xi32, #tpu.memory_space<vmem>>, vector<16xi32>,
      %scan3A_307 = arith.constant 0 : i32
      %scan3A_308 = arith.constant 12 : i32
      %mul3A_309 = arith.constant 16 : i32
      %mul3A_310 = arith.muli %scan3A_308, %mul3A_309 : i32
      %get3A_311 = arith.index_cast %mul3A_310 : i32 to index
      %get3A_312 = tpu.vector_load %arg7[%get3A_311] {strides = array<i32>} : memref<256xi32, #tpu.memory_space<vmem>>, vector<16xi32>,
      %and3A_313 = arith.constant 16383 : i32
      %and3A_314 = vector.broadcast %and3A_313 : i32 to vector<16xi32>
      %and3A_315 = arith.andi %get3A_312, %and3A_314 : vector<16xi32>
      %mul3A_316 = arith.constant 16 : i32
      %mul3A_317 = arith.muli %scan3A_308, %mul3A_316 : i32
      %swap3A_318 = arith.index_cast %mul3A_317 : i32 to index
      %swap3A_319 = tpu.vector_load %arg8[%swap3A_318] {strides = array<i32>} : memref<256xi32, #tpu.memory_space<vmem>>, vector<16xi32>,
      tpu.vector_store %arg8[%swap3A_318], %and3A_315 {strides = array<i32>} : memref<256xi32, #tpu.memory_space<vmem>>, vector<16xi32>,
      %shift_right_logical3A_320 = arith.constant 14 : i32
      %shift_right_logical3A_321 = vector.broadcast %shift_right_logical3A_320 : i32 to vector<16xi32>
      %shift_right_logical3A_322 = arith.shrui %get3A_312, %shift_right_logical3A_321 : vector<16xi32>
      %add3A_323 = vector.broadcast %mul3A_2 : i32 to vector<16xi32>
      %add3A_324 = arith.addi %shift_right_logical3A_322, %add3A_323 : vector<16xi32>
      %mul3A_325 = arith.constant 16 : i32
      %mul3A_326 = arith.muli %scan3A_308, %mul3A_325 : i32
      %swap3A_327 = arith.index_cast %mul3A_326 : i32 to index
      %swap3A_328 = tpu.vector_load %arg9[%swap3A_327] {strides = array<i32>} : memref<256xi32, #tpu.memory_space<vmem>>, vector<16xi32>,
      tpu.vector_store %arg9[%swap3A_327], %add3A_324 {strides = array<i32>} : memref<256xi32, #tpu.memory_space<vmem>>, vector<16xi32>,
      %scan3A_329 = arith.constant 0 : i32
      %scan3A_330 = arith.constant 13 : i32
      %mul3A_331 = arith.constant 16 : i32
      %mul3A_332 = arith.muli %scan3A_330, %mul3A_331 : i32
      %get3A_333 = arith.index_cast %mul3A_332 : i32 to index
      %get3A_334 = tpu.vector_load %arg7[%get3A_333] {strides = array<i32>} : memref<256xi32, #tpu.memory_space<vmem>>, vector<16xi32>,
      %and3A_335 = arith.constant 16383 : i32
      %and3A_336 = vector.broadcast %and3A_335 : i32 to vector<16xi32>
      %and3A_337 = arith.andi %get3A_334, %and3A_336 : vector<16xi32>
      %mul3A_338 = arith.constant 16 : i32
      %mul3A_339 = arith.muli %scan3A_330, %mul3A_338 : i32
      %swap3A_340 = arith.index_cast %mul3A_339 : i32 to index
      %swap3A_341 = tpu.vector_load %arg8[%swap3A_340] {strides = array<i32>} : memref<256xi32, #tpu.memory_space<vmem>>, vector<16xi32>,
      tpu.vector_store %arg8[%swap3A_340], %and3A_337 {strides = array<i32>} : memref<256xi32, #tpu.memory_space<vmem>>, vector<16xi32>,
      %shift_right_logical3A_342 = arith.constant 14 : i32
      %shift_right_logical3A_343 = vector.broadcast %shift_right_logical3A_342 : i32 to vector<16xi32>
      %shift_right_logical3A_344 = arith.shrui %get3A_334, %shift_right_logical3A_343 : vector<16xi32>
      %add3A_345 = vector.broadcast %mul3A_2 : i32 to vector<16xi32>
      %add3A_346 = arith.addi %shift_right_logical3A_344, %add3A_345 : vector<16xi32>
      %mul3A_347 = arith.constant 16 : i32
      %mul3A_348 = arith.muli %scan3A_330, %mul3A_347 : i32
      %swap3A_349 = arith.index_cast %mul3A_348 : i32 to index
      %swap3A_350 = tpu.vector_load %arg9[%swap3A_349] {strides = array<i32>} : memref<256xi32, #tpu.memory_space<vmem>>, vector<16xi32>,
      tpu.vector_store %arg9[%swap3A_349], %add3A_346 {strides = array<i32>} : memref<256xi32, #tpu.memory_space<vmem>>, vector<16xi32>,
      %scan3A_351 = arith.constant 0 : i32
      %scan3A_352 = arith.constant 14 : i32
      %mul3A_353 = arith.constant 16 : i32
      %mul3A_354 = arith.muli %scan3A_352, %mul3A_353 : i32
      %get3A_355 = arith.index_cast %mul3A_354 : i32 to index
      %get3A_356 = tpu.vector_load %arg7[%get3A_355] {strides = array<i32>} : memref<256xi32, #tpu.memory_space<vmem>>, vector<16xi32>,
      %and3A_357 = arith.constant 16383 : i32
      %and3A_358 = vector.broadcast %and3A_357 : i32 to vector<16xi32>
      %and3A_359 = arith.andi %get3A_356, %and3A_358 : vector<16xi32>
      %mul3A_360 = arith.constant 16 : i32
      %mul3A_361 = arith.muli %scan3A_352, %mul3A_360 : i32
      %swap3A_362 = arith.index_cast %mul3A_361 : i32 to index
      %swap3A_363 = tpu.vector_load %arg8[%swap3A_362] {strides = array<i32>} : memref<256xi32, #tpu.memory_space<vmem>>, vector<16xi32>,
      tpu.vector_store %arg8[%swap3A_362], %and3A_359 {strides = array<i32>} : memref<256xi32, #tpu.memory_space<vmem>>, vector<16xi32>,
      %shift_right_logical3A_364 = arith.constant 14 : i32
      %shift_right_logical3A_365 = vector.broadcast %shift_right_logical3A_364 : i32 to vector<16xi32>
      %shift_right_logical3A_366 = arith.shrui %get3A_356, %shift_right_logical3A_365 : vector<16xi32>
      %add3A_367 = vector.broadcast %mul3A_2 : i32 to vector<16xi32>
      %add3A_368 = arith.addi %shift_right_logical3A_366, %add3A_367 : vector<16xi32>
      %mul3A_369 = arith.constant 16 : i32
      %mul3A_370 = arith.muli %scan3A_352, %mul3A_369 : i32
      %swap3A_371 = arith.index_cast %mul3A_370 : i32 to index
      %swap3A_372 = tpu.vector_load %arg9[%swap3A_371] {strides = array<i32>} : memref<256xi32, #tpu.memory_space<vmem>>, vector<16xi32>,
      tpu.vector_store %arg9[%swap3A_371], %add3A_368 {strides = array<i32>} : memref<256xi32, #tpu.memory_space<vmem>>, vector<16xi32>,
      %scan3A_373 = arith.constant 0 : i32
      %scan3A_374 = arith.constant 15 : i32
      %mul3A_375 = arith.constant 16 : i32
      %mul3A_376 = arith.muli %scan3A_374, %mul3A_375 : i32
      %get3A_377 = arith.index_cast %mul3A_376 : i32 to index
      %get3A_378 = tpu.vector_load %arg7[%get3A_377] {strides = array<i32>} : memref<256xi32, #tpu.memory_space<vmem>>, vector<16xi32>,
      %and3A_379 = arith.constant 16383 : i32
      %and3A_380 = vector.broadcast %and3A_379 : i32 to vector<16xi32>
      %and3A_381 = arith.andi %get3A_378, %and3A_380 : vector<16xi32>
      %mul3A_382 = arith.constant 16 : i32
      %mul3A_383 = arith.muli %scan3A_374, %mul3A_382 : i32
      %swap3A_384 = arith.index_cast %mul3A_383 : i32 to index
      %swap3A_385 = tpu.vector_load %arg8[%swap3A_384] {strides = array<i32>} : memref<256xi32, #tpu.memory_space<vmem>>, vector<16xi32>,
      tpu.vector_store %arg8[%swap3A_384], %and3A_381 {strides = array<i32>} : memref<256xi32, #tpu.memory_space<vmem>>, vector<16xi32>,
      %shift_right_logical3A_386 = arith.constant 14 : i32
      %shift_right_logical3A_387 = vector.broadcast %shift_right_logical3A_386 : i32 to vector<16xi32>
      %shift_right_logical3A_388 = arith.shrui %get3A_378, %shift_right_logical3A_387 : vector<16xi32>
      %add3A_389 = vector.broadcast %mul3A_2 : i32 to vector<16xi32>
      %add3A_390 = arith.addi %shift_right_logical3A_388, %add3A_389 : vector<16xi32>
      %mul3A_391 = arith.constant 16 : i32
      %mul3A_392 = arith.muli %scan3A_374, %mul3A_391 : i32
      %swap3A_393 = arith.index_cast %mul3A_392 : i32 to index
      %swap3A_394 = tpu.vector_load %arg9[%swap3A_393] {strides = array<i32>} : memref<256xi32, #tpu.memory_space<vmem>>, vector<16xi32>,
      tpu.vector_store %arg9[%swap3A_393], %add3A_390 {strides = array<i32>} : memref<256xi32, #tpu.memory_space<vmem>>, vector<16xi32>,
      %scan3A_395 = arith.constant 0 : i32
      %scan3A_396 = arith.constant 16 : i32
      "tpu.region"() ({
        %run_scoped3A = tpu.sem_alloc : memref<!tpu.dma_semaphore, #tpu.memory_space<semaphore_mem>>
        %dma_start3A = arith.constant 0 : i32
        %dma_start3A_398 = arith.constant 0 : i32
        %dma_start3A_399 = tpu.memref_slice %arg3[%dma_start3A, %dma_start3A_398] : memref<16384x256xf32, #tpu.memory_space<hbm>> -> memref<16384x256xf32, #tpu.memory_space<hbm>>
        tpu.enqueue_indirect_dma source(%dma_start3A_399 : memref<16384x256xf32, #tpu.memory_space<hbm>>) target(%arg10 : memref<256x256xf32, #tpu.memory_space<vmem>>) offsets(%arg8 : memref<256xi32, #tpu.memory_space<vmem>>) semaphore(%run_scoped3A : memref<!tpu.dma_semaphore, #tpu.memory_space<semaphore_mem>>)
        %dma_wait3A = arith.constant 0 : i32
        %dma_wait3A_400 = arith.constant 0 : i32
        %dma_wait3A_401 = tpu.memref_slice %arg3[%dma_wait3A, %dma_wait3A_400] : memref<16384x256xf32, #tpu.memory_space<hbm>> -> memref<16384x256xf32, #tpu.memory_space<hbm>>
        tpu.wait_indirect_dma semaphore(%run_scoped3A : memref<!tpu.dma_semaphore, #tpu.memory_space<semaphore_mem>>) src(%dma_wait3A_401 : memref<16384x256xf32, #tpu.memory_space<hbm>>) dst(%arg10 : memref<256x256xf32, #tpu.memory_space<vmem>>)
        tpu.yield
      }) : () -> ()
      "tpu.region"() ({
        %run_scoped3A = tpu.sem_alloc : memref<!tpu.dma_semaphore, #tpu.memory_space<semaphore_mem>>
        %dma_start3A = arith.constant 0 : i32
        %dma_start3A_398 = arith.constant 0 : i32
        %dma_start3A_399 = tpu.memref_slice %arg2[%dma_start3A, %dma_start3A_398] : memref<100000x256xf32, #tpu.memory_space<hbm>> -> memref<100000x256xf32, #tpu.memory_space<hbm>>
        tpu.enqueue_indirect_dma source(%arg10 : memref<256x256xf32, #tpu.memory_space<vmem>>) target(%dma_start3A_399 : memref<100000x256xf32, #tpu.memory_space<hbm>>) offsets(%arg9 : memref<256xi32, #tpu.memory_space<vmem>>) semaphore(%run_scoped3A : memref<!tpu.dma_semaphore, #tpu.memory_space<semaphore_mem>>)
        %dma_wait3A = arith.constant 0 : i32
        %dma_wait3A_400 = arith.constant 0 : i32
        %dma_wait3A_401 = tpu.memref_slice %arg2[%dma_wait3A, %dma_wait3A_400] : memref<100000x256xf32, #tpu.memory_space<hbm>> -> memref<100000x256xf32, #tpu.memory_space<hbm>>
        tpu.wait_indirect_dma semaphore(%run_scoped3A : memref<!tpu.dma_semaphore, #tpu.memory_space<semaphore_mem>>) src(%arg10 : memref<256x256xf32, #tpu.memory_space<vmem>>) dst(%dma_wait3A_401 : memref<100000x256xf32, #tpu.memory_space<hbm>>)
        tpu.yield
      }) : () -> ()
      %while3A_397 = arith.constant 0 : i32
      scf.yield %while3A_397 : i32
    }
    %while3A_35 = arith.constant 1 : i32
    %while3A_36 = scf.for %while3A_37 = %while3A_32 to %while3A_28 step %while3A_35 iter_args(%while3A_38 = %while3A_34) -> (i32)  : i32 {
      %mul3A_39 = arith.constant 18432 : i32
      %mul3A_40 = arith.muli %add3A, %mul3A_39 : i32
      %add3A_41 = arith.constant 16 : i32
      %add3A_42 = arith.addi %mul3A_40, %add3A_41 : i32
      %mul3A_43 = arith.constant 256 : i32
      %mul3A_44 = arith.muli %while3A_37, %mul3A_43 : i32
      %add3A_45 = arith.addi %add3A_42, %mul3A_44 : i32
      "tpu.region"() ({
        %run_scoped3A = tpu.sem_alloc : memref<!tpu.dma_semaphore, #tpu.memory_space<semaphore_mem>>
        %dma_start3A = tpu.memref_slice %arg4[%add3A_45] : memref<589824xi32, #tpu.memory_space<hbm>> -> memref<256xi32, #tpu.memory_space<hbm>>
        %dma_start3A_398 = tpu.memref_slice %arg4[%add3A_45] : memref<589824xi32, #tpu.memory_space<hbm>> -> memref<256xi32, #tpu.memory_space<hbm>>
        tpu.enqueue_dma source(%dma_start3A_398 : memref<256xi32, #tpu.memory_space<hbm>>) target(%arg7 : memref<256xi32, #tpu.memory_space<vmem>>) target_semaphore(%run_scoped3A : memref<!tpu.dma_semaphore, #tpu.memory_space<semaphore_mem>>)
        %dma_wait3A = tpu.memref_slice %arg4[%add3A_45] : memref<589824xi32, #tpu.memory_space<hbm>> -> memref<256xi32, #tpu.memory_space<hbm>>
        %dma_wait3A_399 = tpu.memref_slice %arg4[%add3A_45] : memref<589824xi32, #tpu.memory_space<hbm>> -> memref<256xi32, #tpu.memory_space<hbm>>
        tpu.wait_dma2 semaphore(%run_scoped3A : memref<!tpu.dma_semaphore, #tpu.memory_space<semaphore_mem>>) src(%dma_wait3A_399 : memref<256xi32, #tpu.memory_space<hbm>>) dst(%arg7 : memref<256xi32, #tpu.memory_space<vmem>>)
        tpu.yield
      }) : () -> ()
      %scan3A = arith.constant 0 : i32
      %scan3A_46 = arith.constant 0 : i32
      %mul3A_47 = arith.constant 16 : i32
      %mul3A_48 = arith.muli %scan3A_46, %mul3A_47 : i32
      %get3A_49 = arith.index_cast %mul3A_48 : i32 to index
      %get3A_50 = tpu.vector_load %arg7[%get3A_49] {strides = array<i32>} : memref<256xi32, #tpu.memory_space<vmem>>, vector<16xi32>,
      %and3A_51 = arith.constant 16383 : i32
      %and3A_52 = vector.broadcast %and3A_51 : i32 to vector<16xi32>
      %and3A_53 = arith.andi %get3A_50, %and3A_52 : vector<16xi32>
      %mul3A_54 = arith.constant 16 : i32
      %mul3A_55 = arith.muli %scan3A_46, %mul3A_54 : i32
      %swap3A = arith.index_cast %mul3A_55 : i32 to index
      %swap3A_56 = tpu.vector_load %arg8[%swap3A] {strides = array<i32>} : memref<256xi32, #tpu.memory_space<vmem>>, vector<16xi32>,
      tpu.vector_store %arg8[%swap3A], %and3A_53 {strides = array<i32>} : memref<256xi32, #tpu.memory_space<vmem>>, vector<16xi32>,
      %shift_right_logical3A = arith.constant 14 : i32
      %shift_right_logical3A_57 = vector.broadcast %shift_right_logical3A : i32 to vector<16xi32>
      %shift_right_logical3A_58 = arith.shrui %get3A_50, %shift_right_logical3A_57 : vector<16xi32>
      %add3A_59 = vector.broadcast %mul3A_2 : i32 to vector<16xi32>
      %add3A_60 = arith.addi %shift_right_logical3A_58, %add3A_59 : vector<16xi32>
      %mul3A_61 = arith.constant 16 : i32
      %mul3A_62 = arith.muli %scan3A_46, %mul3A_61 : i32
      %swap3A_63 = arith.index_cast %mul3A_62 : i32 to index
      %swap3A_64 = tpu.vector_load %arg9[%swap3A_63] {strides = array<i32>} : memref<256xi32, #tpu.memory_space<vmem>>, vector<16xi32>,
      tpu.vector_store %arg9[%swap3A_63], %add3A_60 {strides = array<i32>} : memref<256xi32, #tpu.memory_space<vmem>>, vector<16xi32>,
      %scan3A_65 = arith.constant 0 : i32
      %scan3A_66 = arith.constant 1 : i32
      %mul3A_67 = arith.constant 16 : i32
      %mul3A_68 = arith.muli %scan3A_66, %mul3A_67 : i32
      %get3A_69 = arith.index_cast %mul3A_68 : i32 to index
      %get3A_70 = tpu.vector_load %arg7[%get3A_69] {strides = array<i32>} : memref<256xi32, #tpu.memory_space<vmem>>, vector<16xi32>,
      %and3A_71 = arith.constant 16383 : i32
      %and3A_72 = vector.broadcast %and3A_71 : i32 to vector<16xi32>
      %and3A_73 = arith.andi %get3A_70, %and3A_72 : vector<16xi32>
      %mul3A_74 = arith.constant 16 : i32
      %mul3A_75 = arith.muli %scan3A_66, %mul3A_74 : i32
      %swap3A_76 = arith.index_cast %mul3A_75 : i32 to index
      %swap3A_77 = tpu.vector_load %arg8[%swap3A_76] {strides = array<i32>} : memref<256xi32, #tpu.memory_space<vmem>>, vector<16xi32>,
      tpu.vector_store %arg8[%swap3A_76], %and3A_73 {strides = array<i32>} : memref<256xi32, #tpu.memory_space<vmem>>, vector<16xi32>,
      %shift_right_logical3A_78 = arith.constant 14 : i32
      %shift_right_logical3A_79 = vector.broadcast %shift_right_logical3A_78 : i32 to vector<16xi32>
      %shift_right_logical3A_80 = arith.shrui %get3A_70, %shift_right_logical3A_79 : vector<16xi32>
      %add3A_81 = vector.broadcast %mul3A_2 : i32 to vector<16xi32>
      %add3A_82 = arith.addi %shift_right_logical3A_80, %add3A_81 : vector<16xi32>
      %mul3A_83 = arith.constant 16 : i32
      %mul3A_84 = arith.muli %scan3A_66, %mul3A_83 : i32
      %swap3A_85 = arith.index_cast %mul3A_84 : i32 to index
      %swap3A_86 = tpu.vector_load %arg9[%swap3A_85] {strides = array<i32>} : memref<256xi32, #tpu.memory_space<vmem>>, vector<16xi32>,
      tpu.vector_store %arg9[%swap3A_85], %add3A_82 {strides = array<i32>} : memref<256xi32, #tpu.memory_space<vmem>>, vector<16xi32>,
      %scan3A_87 = arith.constant 0 : i32
      %scan3A_88 = arith.constant 2 : i32
      %mul3A_89 = arith.constant 16 : i32
      %mul3A_90 = arith.muli %scan3A_88, %mul3A_89 : i32
      %get3A_91 = arith.index_cast %mul3A_90 : i32 to index
      %get3A_92 = tpu.vector_load %arg7[%get3A_91] {strides = array<i32>} : memref<256xi32, #tpu.memory_space<vmem>>, vector<16xi32>,
      %and3A_93 = arith.constant 16383 : i32
      %and3A_94 = vector.broadcast %and3A_93 : i32 to vector<16xi32>
      %and3A_95 = arith.andi %get3A_92, %and3A_94 : vector<16xi32>
      %mul3A_96 = arith.constant 16 : i32
      %mul3A_97 = arith.muli %scan3A_88, %mul3A_96 : i32
      %swap3A_98 = arith.index_cast %mul3A_97 : i32 to index
      %swap3A_99 = tpu.vector_load %arg8[%swap3A_98] {strides = array<i32>} : memref<256xi32, #tpu.memory_space<vmem>>, vector<16xi32>,
      tpu.vector_store %arg8[%swap3A_98], %and3A_95 {strides = array<i32>} : memref<256xi32, #tpu.memory_space<vmem>>, vector<16xi32>,
      %shift_right_logical3A_100 = arith.constant 14 : i32
      %shift_right_logical3A_101 = vector.broadcast %shift_right_logical3A_100 : i32 to vector<16xi32>
      %shift_right_logical3A_102 = arith.shrui %get3A_92, %shift_right_logical3A_101 : vector<16xi32>
      %add3A_103 = vector.broadcast %mul3A_2 : i32 to vector<16xi32>
      %add3A_104 = arith.addi %shift_right_logical3A_102, %add3A_103 : vector<16xi32>
      %mul3A_105 = arith.constant 16 : i32
      %mul3A_106 = arith.muli %scan3A_88, %mul3A_105 : i32
      %swap3A_107 = arith.index_cast %mul3A_106 : i32 to index
      %swap3A_108 = tpu.vector_load %arg9[%swap3A_107] {strides = array<i32>} : memref<256xi32, #tpu.memory_space<vmem>>, vector<16xi32>,
      tpu.vector_store %arg9[%swap3A_107], %add3A_104 {strides = array<i32>} : memref<256xi32, #tpu.memory_space<vmem>>, vector<16xi32>,
      %scan3A_109 = arith.constant 0 : i32
      %scan3A_110 = arith.constant 3 : i32
      %mul3A_111 = arith.constant 16 : i32
      %mul3A_112 = arith.muli %scan3A_110, %mul3A_111 : i32
      %get3A_113 = arith.index_cast %mul3A_112 : i32 to index
      %get3A_114 = tpu.vector_load %arg7[%get3A_113] {strides = array<i32>} : memref<256xi32, #tpu.memory_space<vmem>>, vector<16xi32>,
      %and3A_115 = arith.constant 16383 : i32
      %and3A_116 = vector.broadcast %and3A_115 : i32 to vector<16xi32>
      %and3A_117 = arith.andi %get3A_114, %and3A_116 : vector<16xi32>
      %mul3A_118 = arith.constant 16 : i32
      %mul3A_119 = arith.muli %scan3A_110, %mul3A_118 : i32
      %swap3A_120 = arith.index_cast %mul3A_119 : i32 to index
      %swap3A_121 = tpu.vector_load %arg8[%swap3A_120] {strides = array<i32>} : memref<256xi32, #tpu.memory_space<vmem>>, vector<16xi32>,
      tpu.vector_store %arg8[%swap3A_120], %and3A_117 {strides = array<i32>} : memref<256xi32, #tpu.memory_space<vmem>>, vector<16xi32>,
      %shift_right_logical3A_122 = arith.constant 14 : i32
      %shift_right_logical3A_123 = vector.broadcast %shift_right_logical3A_122 : i32 to vector<16xi32>
      %shift_right_logical3A_124 = arith.shrui %get3A_114, %shift_right_logical3A_123 : vector<16xi32>
      %add3A_125 = vector.broadcast %mul3A_2 : i32 to vector<16xi32>
      %add3A_126 = arith.addi %shift_right_logical3A_124, %add3A_125 : vector<16xi32>
      %mul3A_127 = arith.constant 16 : i32
      %mul3A_128 = arith.muli %scan3A_110, %mul3A_127 : i32
      %swap3A_129 = arith.index_cast %mul3A_128 : i32 to index
      %swap3A_130 = tpu.vector_load %arg9[%swap3A_129] {strides = array<i32>} : memref<256xi32, #tpu.memory_space<vmem>>, vector<16xi32>,
      tpu.vector_store %arg9[%swap3A_129], %add3A_126 {strides = array<i32>} : memref<256xi32, #tpu.memory_space<vmem>>, vector<16xi32>,
      %scan3A_131 = arith.constant 0 : i32
      %scan3A_132 = arith.constant 4 : i32
      %mul3A_133 = arith.constant 16 : i32
      %mul3A_134 = arith.muli %scan3A_132, %mul3A_133 : i32
      %get3A_135 = arith.index_cast %mul3A_134 : i32 to index
      %get3A_136 = tpu.vector_load %arg7[%get3A_135] {strides = array<i32>} : memref<256xi32, #tpu.memory_space<vmem>>, vector<16xi32>,
      %and3A_137 = arith.constant 16383 : i32
      %and3A_138 = vector.broadcast %and3A_137 : i32 to vector<16xi32>
      %and3A_139 = arith.andi %get3A_136, %and3A_138 : vector<16xi32>
      %mul3A_140 = arith.constant 16 : i32
      %mul3A_141 = arith.muli %scan3A_132, %mul3A_140 : i32
      %swap3A_142 = arith.index_cast %mul3A_141 : i32 to index
      %swap3A_143 = tpu.vector_load %arg8[%swap3A_142] {strides = array<i32>} : memref<256xi32, #tpu.memory_space<vmem>>, vector<16xi32>,
      tpu.vector_store %arg8[%swap3A_142], %and3A_139 {strides = array<i32>} : memref<256xi32, #tpu.memory_space<vmem>>, vector<16xi32>,
      %shift_right_logical3A_144 = arith.constant 14 : i32
      %shift_right_logical3A_145 = vector.broadcast %shift_right_logical3A_144 : i32 to vector<16xi32>
      %shift_right_logical3A_146 = arith.shrui %get3A_136, %shift_right_logical3A_145 : vector<16xi32>
      %add3A_147 = vector.broadcast %mul3A_2 : i32 to vector<16xi32>
      %add3A_148 = arith.addi %shift_right_logical3A_146, %add3A_147 : vector<16xi32>
      %mul3A_149 = arith.constant 16 : i32
      %mul3A_150 = arith.muli %scan3A_132, %mul3A_149 : i32
      %swap3A_151 = arith.index_cast %mul3A_150 : i32 to index
      %swap3A_152 = tpu.vector_load %arg9[%swap3A_151] {strides = array<i32>} : memref<256xi32, #tpu.memory_space<vmem>>, vector<16xi32>,
      tpu.vector_store %arg9[%swap3A_151], %add3A_148 {strides = array<i32>} : memref<256xi32, #tpu.memory_space<vmem>>, vector<16xi32>,
      %scan3A_153 = arith.constant 0 : i32
      %scan3A_154 = arith.constant 5 : i32
      %mul3A_155 = arith.constant 16 : i32
      %mul3A_156 = arith.muli %scan3A_154, %mul3A_155 : i32
      %get3A_157 = arith.index_cast %mul3A_156 : i32 to index
      %get3A_158 = tpu.vector_load %arg7[%get3A_157] {strides = array<i32>} : memref<256xi32, #tpu.memory_space<vmem>>, vector<16xi32>,
      %and3A_159 = arith.constant 16383 : i32
      %and3A_160 = vector.broadcast %and3A_159 : i32 to vector<16xi32>
      %and3A_161 = arith.andi %get3A_158, %and3A_160 : vector<16xi32>
      %mul3A_162 = arith.constant 16 : i32
      %mul3A_163 = arith.muli %scan3A_154, %mul3A_162 : i32
      %swap3A_164 = arith.index_cast %mul3A_163 : i32 to index
      %swap3A_165 = tpu.vector_load %arg8[%swap3A_164] {strides = array<i32>} : memref<256xi32, #tpu.memory_space<vmem>>, vector<16xi32>,
      tpu.vector_store %arg8[%swap3A_164], %and3A_161 {strides = array<i32>} : memref<256xi32, #tpu.memory_space<vmem>>, vector<16xi32>,
      %shift_right_logical3A_166 = arith.constant 14 : i32
      %shift_right_logical3A_167 = vector.broadcast %shift_right_logical3A_166 : i32 to vector<16xi32>
      %shift_right_logical3A_168 = arith.shrui %get3A_158, %shift_right_logical3A_167 : vector<16xi32>
      %add3A_169 = vector.broadcast %mul3A_2 : i32 to vector<16xi32>
      %add3A_170 = arith.addi %shift_right_logical3A_168, %add3A_169 : vector<16xi32>
      %mul3A_171 = arith.constant 16 : i32
      %mul3A_172 = arith.muli %scan3A_154, %mul3A_171 : i32
      %swap3A_173 = arith.index_cast %mul3A_172 : i32 to index
      %swap3A_174 = tpu.vector_load %arg9[%swap3A_173] {strides = array<i32>} : memref<256xi32, #tpu.memory_space<vmem>>, vector<16xi32>,
      tpu.vector_store %arg9[%swap3A_173], %add3A_170 {strides = array<i32>} : memref<256xi32, #tpu.memory_space<vmem>>, vector<16xi32>,
      %scan3A_175 = arith.constant 0 : i32
      %scan3A_176 = arith.constant 6 : i32
      %mul3A_177 = arith.constant 16 : i32
      %mul3A_178 = arith.muli %scan3A_176, %mul3A_177 : i32
      %get3A_179 = arith.index_cast %mul3A_178 : i32 to index
      %get3A_180 = tpu.vector_load %arg7[%get3A_179] {strides = array<i32>} : memref<256xi32, #tpu.memory_space<vmem>>, vector<16xi32>,
      %and3A_181 = arith.constant 16383 : i32
      %and3A_182 = vector.broadcast %and3A_181 : i32 to vector<16xi32>
      %and3A_183 = arith.andi %get3A_180, %and3A_182 : vector<16xi32>
      %mul3A_184 = arith.constant 16 : i32
      %mul3A_185 = arith.muli %scan3A_176, %mul3A_184 : i32
      %swap3A_186 = arith.index_cast %mul3A_185 : i32 to index
      %swap3A_187 = tpu.vector_load %arg8[%swap3A_186] {strides = array<i32>} : memref<256xi32, #tpu.memory_space<vmem>>, vector<16xi32>,
      tpu.vector_store %arg8[%swap3A_186], %and3A_183 {strides = array<i32>} : memref<256xi32, #tpu.memory_space<vmem>>, vector<16xi32>,
      %shift_right_logical3A_188 = arith.constant 14 : i32
      %shift_right_logical3A_189 = vector.broadcast %shift_right_logical3A_188 : i32 to vector<16xi32>
      %shift_right_logical3A_190 = arith.shrui %get3A_180, %shift_right_logical3A_189 : vector<16xi32>
      %add3A_191 = vector.broadcast %mul3A_2 : i32 to vector<16xi32>
      %add3A_192 = arith.addi %shift_right_logical3A_190, %add3A_191 : vector<16xi32>
      %mul3A_193 = arith.constant 16 : i32
      %mul3A_194 = arith.muli %scan3A_176, %mul3A_193 : i32
      %swap3A_195 = arith.index_cast %mul3A_194 : i32 to index
      %swap3A_196 = tpu.vector_load %arg9[%swap3A_195] {strides = array<i32>} : memref<256xi32, #tpu.memory_space<vmem>>, vector<16xi32>,
      tpu.vector_store %arg9[%swap3A_195], %add3A_192 {strides = array<i32>} : memref<256xi32, #tpu.memory_space<vmem>>, vector<16xi32>,
      %scan3A_197 = arith.constant 0 : i32
      %scan3A_198 = arith.constant 7 : i32
      %mul3A_199 = arith.constant 16 : i32
      %mul3A_200 = arith.muli %scan3A_198, %mul3A_199 : i32
      %get3A_201 = arith.index_cast %mul3A_200 : i32 to index
      %get3A_202 = tpu.vector_load %arg7[%get3A_201] {strides = array<i32>} : memref<256xi32, #tpu.memory_space<vmem>>, vector<16xi32>,
      %and3A_203 = arith.constant 16383 : i32
      %and3A_204 = vector.broadcast %and3A_203 : i32 to vector<16xi32>
      %and3A_205 = arith.andi %get3A_202, %and3A_204 : vector<16xi32>
      %mul3A_206 = arith.constant 16 : i32
      %mul3A_207 = arith.muli %scan3A_198, %mul3A_206 : i32
      %swap3A_208 = arith.index_cast %mul3A_207 : i32 to index
      %swap3A_209 = tpu.vector_load %arg8[%swap3A_208] {strides = array<i32>} : memref<256xi32, #tpu.memory_space<vmem>>, vector<16xi32>,
      tpu.vector_store %arg8[%swap3A_208], %and3A_205 {strides = array<i32>} : memref<256xi32, #tpu.memory_space<vmem>>, vector<16xi32>,
      %shift_right_logical3A_210 = arith.constant 14 : i32
      %shift_right_logical3A_211 = vector.broadcast %shift_right_logical3A_210 : i32 to vector<16xi32>
      %shift_right_logical3A_212 = arith.shrui %get3A_202, %shift_right_logical3A_211 : vector<16xi32>
      %add3A_213 = vector.broadcast %mul3A_2 : i32 to vector<16xi32>
      %add3A_214 = arith.addi %shift_right_logical3A_212, %add3A_213 : vector<16xi32>
      %mul3A_215 = arith.constant 16 : i32
      %mul3A_216 = arith.muli %scan3A_198, %mul3A_215 : i32
      %swap3A_217 = arith.index_cast %mul3A_216 : i32 to index
      %swap3A_218 = tpu.vector_load %arg9[%swap3A_217] {strides = array<i32>} : memref<256xi32, #tpu.memory_space<vmem>>, vector<16xi32>,
      tpu.vector_store %arg9[%swap3A_217], %add3A_214 {strides = array<i32>} : memref<256xi32, #tpu.memory_space<vmem>>, vector<16xi32>,
      %scan3A_219 = arith.constant 0 : i32
      %scan3A_220 = arith.constant 8 : i32
      %mul3A_221 = arith.constant 16 : i32
      %mul3A_222 = arith.muli %scan3A_220, %mul3A_221 : i32
      %get3A_223 = arith.index_cast %mul3A_222 : i32 to index
      %get3A_224 = tpu.vector_load %arg7[%get3A_223] {strides = array<i32>} : memref<256xi32, #tpu.memory_space<vmem>>, vector<16xi32>,
      %and3A_225 = arith.constant 16383 : i32
      %and3A_226 = vector.broadcast %and3A_225 : i32 to vector<16xi32>
      %and3A_227 = arith.andi %get3A_224, %and3A_226 : vector<16xi32>
      %mul3A_228 = arith.constant 16 : i32
      %mul3A_229 = arith.muli %scan3A_220, %mul3A_228 : i32
      %swap3A_230 = arith.index_cast %mul3A_229 : i32 to index
      %swap3A_231 = tpu.vector_load %arg8[%swap3A_230] {strides = array<i32>} : memref<256xi32, #tpu.memory_space<vmem>>, vector<16xi32>,
      tpu.vector_store %arg8[%swap3A_230], %and3A_227 {strides = array<i32>} : memref<256xi32, #tpu.memory_space<vmem>>, vector<16xi32>,
      %shift_right_logical3A_232 = arith.constant 14 : i32
      %shift_right_logical3A_233 = vector.broadcast %shift_right_logical3A_232 : i32 to vector<16xi32>
      %shift_right_logical3A_234 = arith.shrui %get3A_224, %shift_right_logical3A_233 : vector<16xi32>
      %add3A_235 = vector.broadcast %mul3A_2 : i32 to vector<16xi32>
      %add3A_236 = arith.addi %shift_right_logical3A_234, %add3A_235 : vector<16xi32>
      %mul3A_237 = arith.constant 16 : i32
      %mul3A_238 = arith.muli %scan3A_220, %mul3A_237 : i32
      %swap3A_239 = arith.index_cast %mul3A_238 : i32 to index
      %swap3A_240 = tpu.vector_load %arg9[%swap3A_239] {strides = array<i32>} : memref<256xi32, #tpu.memory_space<vmem>>, vector<16xi32>,
      tpu.vector_store %arg9[%swap3A_239], %add3A_236 {strides = array<i32>} : memref<256xi32, #tpu.memory_space<vmem>>, vector<16xi32>,
      %scan3A_241 = arith.constant 0 : i32
      %scan3A_242 = arith.constant 9 : i32
      %mul3A_243 = arith.constant 16 : i32
      %mul3A_244 = arith.muli %scan3A_242, %mul3A_243 : i32
      %get3A_245 = arith.index_cast %mul3A_244 : i32 to index
      %get3A_246 = tpu.vector_load %arg7[%get3A_245] {strides = array<i32>} : memref<256xi32, #tpu.memory_space<vmem>>, vector<16xi32>,
      %and3A_247 = arith.constant 16383 : i32
      %and3A_248 = vector.broadcast %and3A_247 : i32 to vector<16xi32>
      %and3A_249 = arith.andi %get3A_246, %and3A_248 : vector<16xi32>
      %mul3A_250 = arith.constant 16 : i32
      %mul3A_251 = arith.muli %scan3A_242, %mul3A_250 : i32
      %swap3A_252 = arith.index_cast %mul3A_251 : i32 to index
      %swap3A_253 = tpu.vector_load %arg8[%swap3A_252] {strides = array<i32>} : memref<256xi32, #tpu.memory_space<vmem>>, vector<16xi32>,
      tpu.vector_store %arg8[%swap3A_252], %and3A_249 {strides = array<i32>} : memref<256xi32, #tpu.memory_space<vmem>>, vector<16xi32>,
      %shift_right_logical3A_254 = arith.constant 14 : i32
      %shift_right_logical3A_255 = vector.broadcast %shift_right_logical3A_254 : i32 to vector<16xi32>
      %shift_right_logical3A_256 = arith.shrui %get3A_246, %shift_right_logical3A_255 : vector<16xi32>
      %add3A_257 = vector.broadcast %mul3A_2 : i32 to vector<16xi32>
      %add3A_258 = arith.addi %shift_right_logical3A_256, %add3A_257 : vector<16xi32>
      %mul3A_259 = arith.constant 16 : i32
      %mul3A_260 = arith.muli %scan3A_242, %mul3A_259 : i32
      %swap3A_261 = arith.index_cast %mul3A_260 : i32 to index
      %swap3A_262 = tpu.vector_load %arg9[%swap3A_261] {strides = array<i32>} : memref<256xi32, #tpu.memory_space<vmem>>, vector<16xi32>,
      tpu.vector_store %arg9[%swap3A_261], %add3A_258 {strides = array<i32>} : memref<256xi32, #tpu.memory_space<vmem>>, vector<16xi32>,
      %scan3A_263 = arith.constant 0 : i32
      %scan3A_264 = arith.constant 10 : i32
      %mul3A_265 = arith.constant 16 : i32
      %mul3A_266 = arith.muli %scan3A_264, %mul3A_265 : i32
      %get3A_267 = arith.index_cast %mul3A_266 : i32 to index
      %get3A_268 = tpu.vector_load %arg7[%get3A_267] {strides = array<i32>} : memref<256xi32, #tpu.memory_space<vmem>>, vector<16xi32>,
      %and3A_269 = arith.constant 16383 : i32
      %and3A_270 = vector.broadcast %and3A_269 : i32 to vector<16xi32>
      %and3A_271 = arith.andi %get3A_268, %and3A_270 : vector<16xi32>
      %mul3A_272 = arith.constant 16 : i32
      %mul3A_273 = arith.muli %scan3A_264, %mul3A_272 : i32
      %swap3A_274 = arith.index_cast %mul3A_273 : i32 to index
      %swap3A_275 = tpu.vector_load %arg8[%swap3A_274] {strides = array<i32>} : memref<256xi32, #tpu.memory_space<vmem>>, vector<16xi32>,
      tpu.vector_store %arg8[%swap3A_274], %and3A_271 {strides = array<i32>} : memref<256xi32, #tpu.memory_space<vmem>>, vector<16xi32>,
      %shift_right_logical3A_276 = arith.constant 14 : i32
      %shift_right_logical3A_277 = vector.broadcast %shift_right_logical3A_276 : i32 to vector<16xi32>
      %shift_right_logical3A_278 = arith.shrui %get3A_268, %shift_right_logical3A_277 : vector<16xi32>
      %add3A_279 = vector.broadcast %mul3A_2 : i32 to vector<16xi32>
      %add3A_280 = arith.addi %shift_right_logical3A_278, %add3A_279 : vector<16xi32>
      %mul3A_281 = arith.constant 16 : i32
      %mul3A_282 = arith.muli %scan3A_264, %mul3A_281 : i32
      %swap3A_283 = arith.index_cast %mul3A_282 : i32 to index
      %swap3A_284 = tpu.vector_load %arg9[%swap3A_283] {strides = array<i32>} : memref<256xi32, #tpu.memory_space<vmem>>, vector<16xi32>,
      tpu.vector_store %arg9[%swap3A_283], %add3A_280 {strides = array<i32>} : memref<256xi32, #tpu.memory_space<vmem>>, vector<16xi32>,
      %scan3A_285 = arith.constant 0 : i32
      %scan3A_286 = arith.constant 11 : i32
      %mul3A_287 = arith.constant 16 : i32
      %mul3A_288 = arith.muli %scan3A_286, %mul3A_287 : i32
      %get3A_289 = arith.index_cast %mul3A_288 : i32 to index
      %get3A_290 = tpu.vector_load %arg7[%get3A_289] {strides = array<i32>} : memref<256xi32, #tpu.memory_space<vmem>>, vector<16xi32>,
      %and3A_291 = arith.constant 16383 : i32
      %and3A_292 = vector.broadcast %and3A_291 : i32 to vector<16xi32>
      %and3A_293 = arith.andi %get3A_290, %and3A_292 : vector<16xi32>
      %mul3A_294 = arith.constant 16 : i32
      %mul3A_295 = arith.muli %scan3A_286, %mul3A_294 : i32
      %swap3A_296 = arith.index_cast %mul3A_295 : i32 to index
      %swap3A_297 = tpu.vector_load %arg8[%swap3A_296] {strides = array<i32>} : memref<256xi32, #tpu.memory_space<vmem>>, vector<16xi32>,
      tpu.vector_store %arg8[%swap3A_296], %and3A_293 {strides = array<i32>} : memref<256xi32, #tpu.memory_space<vmem>>, vector<16xi32>,
      %shift_right_logical3A_298 = arith.constant 14 : i32
      %shift_right_logical3A_299 = vector.broadcast %shift_right_logical3A_298 : i32 to vector<16xi32>
      %shift_right_logical3A_300 = arith.shrui %get3A_290, %shift_right_logical3A_299 : vector<16xi32>
      %add3A_301 = vector.broadcast %mul3A_2 : i32 to vector<16xi32>
      %add3A_302 = arith.addi %shift_right_logical3A_300, %add3A_301 : vector<16xi32>
      %mul3A_303 = arith.constant 16 : i32
      %mul3A_304 = arith.muli %scan3A_286, %mul3A_303 : i32
      %swap3A_305 = arith.index_cast %mul3A_304 : i32 to index
      %swap3A_306 = tpu.vector_load %arg9[%swap3A_305] {strides = array<i32>} : memref<256xi32, #tpu.memory_space<vmem>>, vector<16xi32>,
      tpu.vector_store %arg9[%swap3A_305], %add3A_302 {strides = array<i32>} : memref<256xi32, #tpu.memory_space<vmem>>, vector<16xi32>,
      %scan3A_307 = arith.constant 0 : i32
      %scan3A_308 = arith.constant 12 : i32
      %mul3A_309 = arith.constant 16 : i32
      %mul3A_310 = arith.muli %scan3A_308, %mul3A_309 : i32
      %get3A_311 = arith.index_cast %mul3A_310 : i32 to index
      %get3A_312 = tpu.vector_load %arg7[%get3A_311] {strides = array<i32>} : memref<256xi32, #tpu.memory_space<vmem>>, vector<16xi32>,
      %and3A_313 = arith.constant 16383 : i32
      %and3A_314 = vector.broadcast %and3A_313 : i32 to vector<16xi32>
      %and3A_315 = arith.andi %get3A_312, %and3A_314 : vector<16xi32>
      %mul3A_316 = arith.constant 16 : i32
      %mul3A_317 = arith.muli %scan3A_308, %mul3A_316 : i32
      %swap3A_318 = arith.index_cast %mul3A_317 : i32 to index
      %swap3A_319 = tpu.vector_load %arg8[%swap3A_318] {strides = array<i32>} : memref<256xi32, #tpu.memory_space<vmem>>, vector<16xi32>,
      tpu.vector_store %arg8[%swap3A_318], %and3A_315 {strides = array<i32>} : memref<256xi32, #tpu.memory_space<vmem>>, vector<16xi32>,
      %shift_right_logical3A_320 = arith.constant 14 : i32
      %shift_right_logical3A_321 = vector.broadcast %shift_right_logical3A_320 : i32 to vector<16xi32>
      %shift_right_logical3A_322 = arith.shrui %get3A_312, %shift_right_logical3A_321 : vector<16xi32>
      %add3A_323 = vector.broadcast %mul3A_2 : i32 to vector<16xi32>
      %add3A_324 = arith.addi %shift_right_logical3A_322, %add3A_323 : vector<16xi32>
      %mul3A_325 = arith.constant 16 : i32
      %mul3A_326 = arith.muli %scan3A_308, %mul3A_325 : i32
      %swap3A_327 = arith.index_cast %mul3A_326 : i32 to index
      %swap3A_328 = tpu.vector_load %arg9[%swap3A_327] {strides = array<i32>} : memref<256xi32, #tpu.memory_space<vmem>>, vector<16xi32>,
      tpu.vector_store %arg9[%swap3A_327], %add3A_324 {strides = array<i32>} : memref<256xi32, #tpu.memory_space<vmem>>, vector<16xi32>,
      %scan3A_329 = arith.constant 0 : i32
      %scan3A_330 = arith.constant 13 : i32
      %mul3A_331 = arith.constant 16 : i32
      %mul3A_332 = arith.muli %scan3A_330, %mul3A_331 : i32
      %get3A_333 = arith.index_cast %mul3A_332 : i32 to index
      %get3A_334 = tpu.vector_load %arg7[%get3A_333] {strides = array<i32>} : memref<256xi32, #tpu.memory_space<vmem>>, vector<16xi32>,
      %and3A_335 = arith.constant 16383 : i32
      %and3A_336 = vector.broadcast %and3A_335 : i32 to vector<16xi32>
      %and3A_337 = arith.andi %get3A_334, %and3A_336 : vector<16xi32>
      %mul3A_338 = arith.constant 16 : i32
      %mul3A_339 = arith.muli %scan3A_330, %mul3A_338 : i32
      %swap3A_340 = arith.index_cast %mul3A_339 : i32 to index
      %swap3A_341 = tpu.vector_load %arg8[%swap3A_340] {strides = array<i32>} : memref<256xi32, #tpu.memory_space<vmem>>, vector<16xi32>,
      tpu.vector_store %arg8[%swap3A_340], %and3A_337 {strides = array<i32>} : memref<256xi32, #tpu.memory_space<vmem>>, vector<16xi32>,
      %shift_right_logical3A_342 = arith.constant 14 : i32
      %shift_right_logical3A_343 = vector.broadcast %shift_right_logical3A_342 : i32 to vector<16xi32>
      %shift_right_logical3A_344 = arith.shrui %get3A_334, %shift_right_logical3A_343 : vector<16xi32>
      %add3A_345 = vector.broadcast %mul3A_2 : i32 to vector<16xi32>
      %add3A_346 = arith.addi %shift_right_logical3A_344, %add3A_345 : vector<16xi32>
      %mul3A_347 = arith.constant 16 : i32
      %mul3A_348 = arith.muli %scan3A_330, %mul3A_347 : i32
      %swap3A_349 = arith.index_cast %mul3A_348 : i32 to index
      %swap3A_350 = tpu.vector_load %arg9[%swap3A_349] {strides = array<i32>} : memref<256xi32, #tpu.memory_space<vmem>>, vector<16xi32>,
      tpu.vector_store %arg9[%swap3A_349], %add3A_346 {strides = array<i32>} : memref<256xi32, #tpu.memory_space<vmem>>, vector<16xi32>,
      %scan3A_351 = arith.constant 0 : i32
      %scan3A_352 = arith.constant 14 : i32
      %mul3A_353 = arith.constant 16 : i32
      %mul3A_354 = arith.muli %scan3A_352, %mul3A_353 : i32
      %get3A_355 = arith.index_cast %mul3A_354 : i32 to index
      %get3A_356 = tpu.vector_load %arg7[%get3A_355] {strides = array<i32>} : memref<256xi32, #tpu.memory_space<vmem>>, vector<16xi32>,
      %and3A_357 = arith.constant 16383 : i32
      %and3A_358 = vector.broadcast %and3A_357 : i32 to vector<16xi32>
      %and3A_359 = arith.andi %get3A_356, %and3A_358 : vector<16xi32>
      %mul3A_360 = arith.constant 16 : i32
      %mul3A_361 = arith.muli %scan3A_352, %mul3A_360 : i32
      %swap3A_362 = arith.index_cast %mul3A_361 : i32 to index
      %swap3A_363 = tpu.vector_load %arg8[%swap3A_362] {strides = array<i32>} : memref<256xi32, #tpu.memory_space<vmem>>, vector<16xi32>,
      tpu.vector_store %arg8[%swap3A_362], %and3A_359 {strides = array<i32>} : memref<256xi32, #tpu.memory_space<vmem>>, vector<16xi32>,
      %shift_right_logical3A_364 = arith.constant 14 : i32
      %shift_right_logical3A_365 = vector.broadcast %shift_right_logical3A_364 : i32 to vector<16xi32>
      %shift_right_logical3A_366 = arith.shrui %get3A_356, %shift_right_logical3A_365 : vector<16xi32>
      %add3A_367 = vector.broadcast %mul3A_2 : i32 to vector<16xi32>
      %add3A_368 = arith.addi %shift_right_logical3A_366, %add3A_367 : vector<16xi32>
      %mul3A_369 = arith.constant 16 : i32
      %mul3A_370 = arith.muli %scan3A_352, %mul3A_369 : i32
      %swap3A_371 = arith.index_cast %mul3A_370 : i32 to index
      %swap3A_372 = tpu.vector_load %arg9[%swap3A_371] {strides = array<i32>} : memref<256xi32, #tpu.memory_space<vmem>>, vector<16xi32>,
      tpu.vector_store %arg9[%swap3A_371], %add3A_368 {strides = array<i32>} : memref<256xi32, #tpu.memory_space<vmem>>, vector<16xi32>,
      %scan3A_373 = arith.constant 0 : i32
      %scan3A_374 = arith.constant 15 : i32
      %mul3A_375 = arith.constant 16 : i32
      %mul3A_376 = arith.muli %scan3A_374, %mul3A_375 : i32
      %get3A_377 = arith.index_cast %mul3A_376 : i32 to index
      %get3A_378 = tpu.vector_load %arg7[%get3A_377] {strides = array<i32>} : memref<256xi32, #tpu.memory_space<vmem>>, vector<16xi32>,
      %and3A_379 = arith.constant 16383 : i32
      %and3A_380 = vector.broadcast %and3A_379 : i32 to vector<16xi32>
      %and3A_381 = arith.andi %get3A_378, %and3A_380 : vector<16xi32>
      %mul3A_382 = arith.constant 16 : i32
      %mul3A_383 = arith.muli %scan3A_374, %mul3A_382 : i32
      %swap3A_384 = arith.index_cast %mul3A_383 : i32 to index
      %swap3A_385 = tpu.vector_load %arg8[%swap3A_384] {strides = array<i32>} : memref<256xi32, #tpu.memory_space<vmem>>, vector<16xi32>,
      tpu.vector_store %arg8[%swap3A_384], %and3A_381 {strides = array<i32>} : memref<256xi32, #tpu.memory_space<vmem>>, vector<16xi32>,
      %shift_right_logical3A_386 = arith.constant 14 : i32
      %shift_right_logical3A_387 = vector.broadcast %shift_right_logical3A_386 : i32 to vector<16xi32>
      %shift_right_logical3A_388 = arith.shrui %get3A_378, %shift_right_logical3A_387 : vector<16xi32>
      %add3A_389 = vector.broadcast %mul3A_2 : i32 to vector<16xi32>
      %add3A_390 = arith.addi %shift_right_logical3A_388, %add3A_389 : vector<16xi32>
      %mul3A_391 = arith.constant 16 : i32
      %mul3A_392 = arith.muli %scan3A_374, %mul3A_391 : i32
      %swap3A_393 = arith.index_cast %mul3A_392 : i32 to index
      %swap3A_394 = tpu.vector_load %arg9[%swap3A_393] {strides = array<i32>} : memref<256xi32, #tpu.memory_space<vmem>>, vector<16xi32>,
      tpu.vector_store %arg9[%swap3A_393], %add3A_390 {strides = array<i32>} : memref<256xi32, #tpu.memory_space<vmem>>, vector<16xi32>,
      %scan3A_395 = arith.constant 0 : i32
      %scan3A_396 = arith.constant 16 : i32
      "tpu.region"() ({
        %run_scoped3A = tpu.sem_alloc : memref<!tpu.dma_semaphore, #tpu.memory_space<semaphore_mem>>
        %dma_start3A = arith.constant 0 : i32
        %dma_start3A_398 = arith.constant 0 : i32
        %dma_start3A_399 = tpu.memref_slice %arg3[%dma_start3A, %dma_start3A_398] : memref<16384x256xf32, #tpu.memory_space<hbm>> -> memref<16384x256xf32, #tpu.memory_space<hbm>>
        tpu.enqueue_indirect_dma source(%dma_start3A_399 : memref<16384x256xf32, #tpu.memory_space<hbm>>) target(%arg10 : memref<256x256xf32, #tpu.memory_space<vmem>>) offsets(%arg8 : memref<256xi32, #tpu.memory_space<vmem>>) semaphore(%run_scoped3A : memref<!tpu.dma_semaphore, #tpu.memory_space<semaphore_mem>>)
        %dma_wait3A = arith.constant 0 : i32
        %dma_wait3A_400 = arith.constant 0 : i32
        %dma_wait3A_401 = tpu.memref_slice %arg3[%dma_wait3A, %dma_wait3A_400] : memref<16384x256xf32, #tpu.memory_space<hbm>> -> memref<16384x256xf32, #tpu.memory_space<hbm>>
        tpu.wait_indirect_dma semaphore(%run_scoped3A : memref<!tpu.dma_semaphore, #tpu.memory_space<semaphore_mem>>) src(%dma_wait3A_401 : memref<16384x256xf32, #tpu.memory_space<hbm>>) dst(%arg10 : memref<256x256xf32, #tpu.memory_space<vmem>>)
        tpu.yield
      }) : () -> ()
      "tpu.region"() ({
        %run_scoped3A = tpu.sem_alloc : memref<!tpu.dma_semaphore, #tpu.memory_space<semaphore_mem>>
        %dma_start3A = arith.constant 0 : i32
        %dma_start3A_398 = arith.constant 0 : i32
        %dma_start3A_399 = tpu.memref_slice %arg2[%dma_start3A, %dma_start3A_398] : memref<100000x256xf32, #tpu.memory_space<hbm>> -> memref<100000x256xf32, #tpu.memory_space<hbm>>
        tpu.enqueue_indirect_dma source(%arg10 : memref<256x256xf32, #tpu.memory_space<vmem>>) target(%dma_start3A_399 : memref<100000x256xf32, #tpu.memory_space<hbm>>) offsets(%arg9 : memref<256xi32, #tpu.memory_space<vmem>>) semaphore(%run_scoped3A : memref<!tpu.dma_semaphore, #tpu.memory_space<semaphore_mem>>)
        %dma_wait3A = arith.constant 0 : i32
        %dma_wait3A_400 = arith.constant 0 : i32
        %dma_wait3A_401 = tpu.memref_slice %arg2[%dma_wait3A, %dma_wait3A_400] : memref<100000x256xf32, #tpu.memory_space<hbm>> -> memref<100000x256xf32, #tpu.memory_space<hbm>>
        tpu.wait_indirect_dma semaphore(%run_scoped3A : memref<!tpu.dma_semaphore, #tpu.memory_space<semaphore_mem>>) src(%arg10 : memref<256x256xf32, #tpu.memory_space<vmem>>) dst(%dma_wait3A_401 : memref<100000x256xf32, #tpu.memory_space<hbm>>)
        tpu.yield
      }) : () -> ()
      %while3A_397 = arith.constant 0 : i32
      scf.yield %while3A_397 : i32
    }
    return
  }
}

#map = affine_map<(d0, d1) -> (0, 0)>
#map1 = affine_map<(d0, d1) -> (0)>
module attributes {stable_mosaic.version = 14 : i64} {
  func.func @_sc_prep(%arg0: i32, %arg1: i32, %arg2: memref<100000x256xf32, #tpu.memory_space<hbm>>, %arg3: memref<16384xi32, #tpu.memory_space<hbm>>, %arg4: memref<16384x256xf32, #tpu.memory_space<hbm>>, %arg5: memref<589824xi32, #tpu.memory_space<hbm>>, %arg6: memref<16384xi32, #tpu.memory_space<vmem>>, %arg7: memref<16400xi32, #tpu.memory_space<vmem>>, %arg8: memref<18432xi32, #tpu.memory_space<vmem>>, %arg9: memref<3141xi32, #tpu.memory_space<vmem>>, %arg10: memref<64x256xf32, #tpu.memory_space<vmem>>, %arg11: memref<64x256xf32, #tpu.memory_space<vmem>>, %arg12: memref<!tpu.dma_semaphore, #tpu.memory_space<semaphore_mem>>, %arg13: memref<!tpu.dma_semaphore, #tpu.memory_space<semaphore_mem>>) attributes {dimension_semantics = [#tpu.dimension_semantics<core_parallel>, #tpu.dimension_semantics<subcore_parallel>], iteration_bounds = array<i64: 2, 16>, scalar_prefetch = 0 : i64, scratch_operands = 8 : i64, tpu.core_type = #tpu.core_type<sc_vector_subcore>, window_params = [{transform_indices = #map}, {transform_indices = #map1}, {transform_indices = #map}, {transform_indices = #map1}]} {
    %mul3A = arith.constant 2 : i32
    %mul3A_0 = arith.muli %arg1, %mul3A : i32
    %add3A = arith.addi %mul3A_0, %arg0 : i32
    %mul3A_1 = arith.constant 512 : i32
    %mul3A_2 = arith.muli %add3A, %mul3A_1 : i32
    %mul3A_3 = arith.constant 3125 : i32
    %mul3A_4 = arith.muli %add3A, %mul3A_3 : i32
    %add3A_5 = arith.constant 3125 : i32
    %add3A_6 = arith.addi %mul3A_4, %add3A_5 : i32
    %iota3A = tpu.iota {dimensions = array<i32: 0>} : vector<16xi32>
    "tpu.region"() ({
      %run_scoped3A = tpu.sem_alloc : memref<!tpu.dma_semaphore, #tpu.memory_space<semaphore_mem>>
      tpu.enqueue_dma source(%arg3 : memref<16384xi32, #tpu.memory_space<hbm>>) target(%arg6 : memref<16384xi32, #tpu.memory_space<vmem>>) target_semaphore(%run_scoped3A : memref<!tpu.dma_semaphore, #tpu.memory_space<semaphore_mem>>)
      tpu.wait_dma2 semaphore(%run_scoped3A : memref<!tpu.dma_semaphore, #tpu.memory_space<semaphore_mem>>) src(%arg3 : memref<16384xi32, #tpu.memory_space<hbm>>) dst(%arg6 : memref<16384xi32, #tpu.memory_space<vmem>>)
      tpu.yield
    }) : () -> ()
    %add3A_7 = arith.constant 0 : i32
    %add3A_8 = arith.addi %mul3A_2, %add3A_7 : i32
    %dma_start3A = tpu.memref_slice %arg6[%add3A_8] : memref<16384xi32, #tpu.memory_space<vmem>> -> memref<64xi32, #tpu.memory_space<vmem>>
    %dma_start3A_9 = arith.constant 0 : i32
    %dma_start3A_10 = arith.constant 0 : i32
    %dma_start3A_11 = tpu.memref_slice %arg2[%dma_start3A_9, %dma_start3A_10] : memref<100000x256xf32, #tpu.memory_space<hbm>> -> memref<100000x256xf32, #tpu.memory_space<hbm>>
    tpu.enqueue_indirect_dma source(%dma_start3A_11 : memref<100000x256xf32, #tpu.memory_space<hbm>>) target(%arg10 : memref<64x256xf32, #tpu.memory_space<vmem>>) offsets(%dma_start3A : memref<64xi32, #tpu.memory_space<vmem>>) semaphore(%arg12 : memref<!tpu.dma_semaphore, #tpu.memory_space<semaphore_mem>>)
    %scan3A = arith.constant 0 : i32
    %scan3A_12 = arith.constant 0 : i32
    %scan3A_13 = arith.constant 128 : i32
    %scan3A_14 = arith.addi %scan3A_12, %scan3A_13 : i32
    %scan3A_15 = arith.constant 1 : i32
    %scan3A_16 = scf.for %scan3A_334 = %scan3A_12 to %scan3A_14 step %scan3A_15 iter_args(%scan3A_335 = %scan3A) -> (i32)  : i32 {
      %mul3A_336 = arith.constant 16 : i32
      %mul3A_337 = arith.muli %scan3A_334, %mul3A_336 : i32
      %get3A_338 = arith.index_cast %mul3A_337 : i32 to index
      %get3A_339 = tpu.vector_load %arg6[%get3A_338] {strides = array<i32>} : memref<16384xi32, #tpu.memory_space<vmem>>, vector<16xi32>,
      %ge3A = vector.broadcast %mul3A_4 : i32 to vector<16xi32>
      %ge3A_340 = arith.cmpi sge, %get3A_339, %ge3A : vector<16xi32>
      %lt3A = vector.broadcast %add3A_6 : i32 to vector<16xi32>
      %lt3A_341 = arith.cmpi slt, %get3A_339, %lt3A : vector<16xi32>
      %and3A_342 = arith.andi %ge3A_340, %lt3A_341 : vector<16xi1>
      %sub3A_343 = vector.broadcast %mul3A_4 : i32 to vector<16xi32>
      %sub3A_344 = arith.subi %get3A_339, %sub3A_343 : vector<16xi32>
      %shift_left3A = arith.constant 14 : i32
      %shift_left3A_345 = vector.broadcast %shift_left3A : i32 to vector<16xi32>
      %shift_left3A_346 = arith.shli %sub3A_344, %shift_left3A_345 : vector<16xi32>
      %mul3A_347 = arith.constant 16 : i32
      %mul3A_348 = arith.muli %scan3A_334, %mul3A_347 : i32
      %add3A_349 = vector.broadcast %mul3A_348 : i32 to vector<16xi32>
      %add3A_350 = arith.addi %iota3A, %add3A_349 : vector<16xi32>
      %or3A = arith.ori %shift_left3A_346, %add3A_350 : vector<16xi32>
      %jit3A_351 = arith.constant 1 : i32
      %jit3A_352 = arith.constant 0 : i32
      %broadcast_in_dim3A_353 = vector.broadcast %jit3A_351 : i32 to vector<16xi32>
      %broadcast_in_dim3A_354 = vector.broadcast %jit3A_352 : i32 to vector<16xi32>
      %select_n3A_355 = arith.select %and3A_342, %broadcast_in_dim3A_353, %broadcast_in_dim3A_354 : vector<16xi1>, vector<16xi32>
      %broadcast_in_dim3A_356 = arith.constant true
      %broadcast_in_dim3A_357 = vector.broadcast %broadcast_in_dim3A_356 : i1 to vector<16xi1>
      %masked_cumsum3A = tpu.scan <sum>, %select_n3A_355 masked %broadcast_in_dim3A_357 : vector<16xi32>, vector<16xi1> -> vector<16xi32>
      %add3A_358 = vector.broadcast %scan3A_335 : i32 to vector<16xi32>
      %add3A_359 = arith.addi %add3A_358, %masked_cumsum3A : vector<16xi32>
      %sub3A_360 = arith.constant 1 : i32
      %sub3A_361 = vector.broadcast %sub3A_360 : i32 to vector<16xi32>
      %sub3A_362 = arith.subi %add3A_359, %sub3A_361 : vector<16xi32>
      tpu.vector_store_idx %arg7[%sub3A_362], %or3A masked %and3A_342 : memref<16400xi32, #tpu.memory_space<vmem>>[vector<16xi32>], vector<16xi32>, vector<16xi1>
      %slice3A_363 = vector.extract_strided_slice %masked_cumsum3A {offsets = [15], sizes = [1], strides = [1]} : vector<16xi32> to vector<1xi32>
      %squeeze3A_364 = vector.extract %slice3A_363[0] : i32 from vector<1xi32>
      %add3A_365 = arith.addi %scan3A_335, %squeeze3A_364 : i32
      scf.yield %add3A_365 : i32
    }
    %scan3A_17 = arith.constant 128 : i32
    %dma_wait3A = tpu.memref_slice %arg6[%add3A_8] : memref<16384xi32, #tpu.memory_space<vmem>> -> memref<64xi32, #tpu.memory_space<vmem>>
    %dma_wait3A_18 = arith.constant 0 : i32
    %dma_wait3A_19 = arith.constant 0 : i32
    %dma_wait3A_20 = tpu.memref_slice %arg2[%dma_wait3A_18, %dma_wait3A_19] : memref<100000x256xf32, #tpu.memory_space<hbm>> -> memref<100000x256xf32, #tpu.memory_space<hbm>>
    tpu.wait_indirect_dma semaphore(%arg12 : memref<!tpu.dma_semaphore, #tpu.memory_space<semaphore_mem>>) src(%dma_wait3A_20 : memref<100000x256xf32, #tpu.memory_space<hbm>>) dst(%arg10 : memref<64x256xf32, #tpu.memory_space<vmem>>)
    %add3A_21 = arith.constant 0 : i32
    %add3A_22 = arith.addi %mul3A_2, %add3A_21 : i32
    %dma_start3A_23 = arith.constant 0 : i32
    %dma_start3A_24 = tpu.memref_slice %arg4[%add3A_22, %dma_start3A_23] : memref<16384x256xf32, #tpu.memory_space<hbm>> -> memref<64x256xf32, #tpu.memory_space<hbm>>
    %dma_start3A_25 = arith.constant 0 : i32
    %dma_start3A_26 = tpu.memref_slice %arg4[%add3A_22, %dma_start3A_25] : memref<16384x256xf32, #tpu.memory_space<hbm>> -> memref<64x256xf32, #tpu.memory_space<hbm>>
    tpu.enqueue_dma source(%arg10 : memref<64x256xf32, #tpu.memory_space<vmem>>) target(%dma_start3A_26 : memref<64x256xf32, #tpu.memory_space<hbm>>) target_semaphore(%arg13 : memref<!tpu.dma_semaphore, #tpu.memory_space<semaphore_mem>>)
    %add3A_27 = arith.constant 64 : i32
    %add3A_28 = arith.addi %mul3A_2, %add3A_27 : i32
    %dma_start3A_29 = tpu.memref_slice %arg6[%add3A_28] : memref<16384xi32, #tpu.memory_space<vmem>> -> memref<64xi32, #tpu.memory_space<vmem>>
    %dma_start3A_30 = arith.constant 0 : i32
    %dma_start3A_31 = arith.constant 0 : i32
    %dma_start3A_32 = tpu.memref_slice %arg2[%dma_start3A_30, %dma_start3A_31] : memref<100000x256xf32, #tpu.memory_space<hbm>> -> memref<100000x256xf32, #tpu.memory_space<hbm>>
    tpu.enqueue_indirect_dma source(%dma_start3A_32 : memref<100000x256xf32, #tpu.memory_space<hbm>>) target(%arg11 : memref<64x256xf32, #tpu.memory_space<vmem>>) offsets(%dma_start3A_29 : memref<64xi32, #tpu.memory_space<vmem>>) semaphore(%arg12 : memref<!tpu.dma_semaphore, #tpu.memory_space<semaphore_mem>>)
    %scan3A_33 = arith.constant 128 : i32
    %scan3A_34 = arith.constant 128 : i32
    %scan3A_35 = arith.addi %scan3A_33, %scan3A_34 : i32
    %scan3A_36 = arith.constant 1 : i32
    %scan3A_37 = scf.for %scan3A_334 = %scan3A_33 to %scan3A_35 step %scan3A_36 iter_args(%scan3A_335 = %scan3A_16) -> (i32)  : i32 {
      %mul3A_336 = arith.constant 16 : i32
      %mul3A_337 = arith.muli %scan3A_334, %mul3A_336 : i32
      %get3A_338 = arith.index_cast %mul3A_337 : i32 to index
      %get3A_339 = tpu.vector_load %arg6[%get3A_338] {strides = array<i32>} : memref<16384xi32, #tpu.memory_space<vmem>>, vector<16xi32>,
      %ge3A = vector.broadcast %mul3A_4 : i32 to vector<16xi32>
      %ge3A_340 = arith.cmpi sge, %get3A_339, %ge3A : vector<16xi32>
      %lt3A = vector.broadcast %add3A_6 : i32 to vector<16xi32>
      %lt3A_341 = arith.cmpi slt, %get3A_339, %lt3A : vector<16xi32>
      %and3A_342 = arith.andi %ge3A_340, %lt3A_341 : vector<16xi1>
      %sub3A_343 = vector.broadcast %mul3A_4 : i32 to vector<16xi32>
      %sub3A_344 = arith.subi %get3A_339, %sub3A_343 : vector<16xi32>
      %shift_left3A = arith.constant 14 : i32
      %shift_left3A_345 = vector.broadcast %shift_left3A : i32 to vector<16xi32>
      %shift_left3A_346 = arith.shli %sub3A_344, %shift_left3A_345 : vector<16xi32>
      %mul3A_347 = arith.constant 16 : i32
      %mul3A_348 = arith.muli %scan3A_334, %mul3A_347 : i32
      %add3A_349 = vector.broadcast %mul3A_348 : i32 to vector<16xi32>
      %add3A_350 = arith.addi %iota3A, %add3A_349 : vector<16xi32>
      %or3A = arith.ori %shift_left3A_346, %add3A_350 : vector<16xi32>
      %jit3A_351 = arith.constant 1 : i32
      %jit3A_352 = arith.constant 0 : i32
      %broadcast_in_dim3A_353 = vector.broadcast %jit3A_351 : i32 to vector<16xi32>
      %broadcast_in_dim3A_354 = vector.broadcast %jit3A_352 : i32 to vector<16xi32>
      %select_n3A_355 = arith.select %and3A_342, %broadcast_in_dim3A_353, %broadcast_in_dim3A_354 : vector<16xi1>, vector<16xi32>
      %broadcast_in_dim3A_356 = arith.constant true
      %broadcast_in_dim3A_357 = vector.broadcast %broadcast_in_dim3A_356 : i1 to vector<16xi1>
      %masked_cumsum3A = tpu.scan <sum>, %select_n3A_355 masked %broadcast_in_dim3A_357 : vector<16xi32>, vector<16xi1> -> vector<16xi32>
      %add3A_358 = vector.broadcast %scan3A_335 : i32 to vector<16xi32>
      %add3A_359 = arith.addi %add3A_358, %masked_cumsum3A : vector<16xi32>
      %sub3A_360 = arith.constant 1 : i32
      %sub3A_361 = vector.broadcast %sub3A_360 : i32 to vector<16xi32>
      %sub3A_362 = arith.subi %add3A_359, %sub3A_361 : vector<16xi32>
      tpu.vector_store_idx %arg7[%sub3A_362], %or3A masked %and3A_342 : memref<16400xi32, #tpu.memory_space<vmem>>[vector<16xi32>], vector<16xi32>, vector<16xi1>
      %slice3A_363 = vector.extract_strided_slice %masked_cumsum3A {offsets = [15], sizes = [1], strides = [1]} : vector<16xi32> to vector<1xi32>
      %squeeze3A_364 = vector.extract %slice3A_363[0] : i32 from vector<1xi32>
      %add3A_365 = arith.addi %scan3A_335, %squeeze3A_364 : i32
      scf.yield %add3A_365 : i32
    }
    %scan3A_38 = arith.constant 128 : i32
    %dma_wait3A_39 = tpu.memref_slice %arg6[%add3A_28] : memref<16384xi32, #tpu.memory_space<vmem>> -> memref<64xi32, #tpu.memory_space<vmem>>
    %dma_wait3A_40 = arith.constant 0 : i32
    %dma_wait3A_41 = arith.constant 0 : i32
    %dma_wait3A_42 = tpu.memref_slice %arg2[%dma_wait3A_40, %dma_wait3A_41] : memref<100000x256xf32, #tpu.memory_space<hbm>> -> memref<100000x256xf32, #tpu.memory_space<hbm>>
    tpu.wait_indirect_dma semaphore(%arg12 : memref<!tpu.dma_semaphore, #tpu.memory_space<semaphore_mem>>) src(%dma_wait3A_42 : memref<100000x256xf32, #tpu.memory_space<hbm>>) dst(%arg11 : memref<64x256xf32, #tpu.memory_space<vmem>>)
    %add3A_43 = arith.constant 64 : i32
    %add3A_44 = arith.addi %mul3A_2, %add3A_43 : i32
    %dma_start3A_45 = arith.constant 0 : i32
    %dma_start3A_46 = tpu.memref_slice %arg4[%add3A_44, %dma_start3A_45] : memref<16384x256xf32, #tpu.memory_space<hbm>> -> memref<64x256xf32, #tpu.memory_space<hbm>>
    %dma_start3A_47 = arith.constant 0 : i32
    %dma_start3A_48 = tpu.memref_slice %arg4[%add3A_44, %dma_start3A_47] : memref<16384x256xf32, #tpu.memory_space<hbm>> -> memref<64x256xf32, #tpu.memory_space<hbm>>
    tpu.enqueue_dma source(%arg11 : memref<64x256xf32, #tpu.memory_space<vmem>>) target(%dma_start3A_48 : memref<64x256xf32, #tpu.memory_space<hbm>>) target_semaphore(%arg13 : memref<!tpu.dma_semaphore, #tpu.memory_space<semaphore_mem>>)
    %dma_wait3A_49 = arith.constant 0 : i32
    %dma_wait3A_50 = tpu.memref_slice %arg4[%add3A_22, %dma_wait3A_49] : memref<16384x256xf32, #tpu.memory_space<hbm>> -> memref<64x256xf32, #tpu.memory_space<hbm>>
    %dma_wait3A_51 = arith.constant 0 : i32
    %dma_wait3A_52 = tpu.memref_slice %arg4[%add3A_22, %dma_wait3A_51] : memref<16384x256xf32, #tpu.memory_space<hbm>> -> memref<64x256xf32, #tpu.memory_space<hbm>>
    tpu.wait_dma2 semaphore(%arg13 : memref<!tpu.dma_semaphore, #tpu.memory_space<semaphore_mem>>) src(%arg10 : memref<64x256xf32, #tpu.memory_space<vmem>>) dst(%dma_wait3A_52 : memref<64x256xf32, #tpu.memory_space<hbm>>)
    %add3A_53 = arith.constant 128 : i32
    %add3A_54 = arith.addi %mul3A_2, %add3A_53 : i32
    %dma_start3A_55 = tpu.memref_slice %arg6[%add3A_54] : memref<16384xi32, #tpu.memory_space<vmem>> -> memref<64xi32, #tpu.memory_space<vmem>>
    %dma_start3A_56 = arith.constant 0 : i32
    %dma_start3A_57 = arith.constant 0 : i32
    %dma_start3A_58 = tpu.memref_slice %arg2[%dma_start3A_56, %dma_start3A_57] : memref<100000x256xf32, #tpu.memory_space<hbm>> -> memref<100000x256xf32, #tpu.memory_space<hbm>>
    tpu.enqueue_indirect_dma source(%dma_start3A_58 : memref<100000x256xf32, #tpu.memory_space<hbm>>) target(%arg10 : memref<64x256xf32, #tpu.memory_space<vmem>>) offsets(%dma_start3A_55 : memref<64xi32, #tpu.memory_space<vmem>>) semaphore(%arg12 : memref<!tpu.dma_semaphore, #tpu.memory_space<semaphore_mem>>)
    %scan3A_59 = arith.constant 256 : i32
    %scan3A_60 = arith.constant 128 : i32
    %scan3A_61 = arith.addi %scan3A_59, %scan3A_60 : i32
    %scan3A_62 = arith.constant 1 : i32
    %scan3A_63 = scf.for %scan3A_334 = %scan3A_59 to %scan3A_61 step %scan3A_62 iter_args(%scan3A_335 = %scan3A_37) -> (i32)  : i32 {
      %mul3A_336 = arith.constant 16 : i32
      %mul3A_337 = arith.muli %scan3A_334, %mul3A_336 : i32
      %get3A_338 = arith.index_cast %mul3A_337 : i32 to index
      %get3A_339 = tpu.vector_load %arg6[%get3A_338] {strides = array<i32>} : memref<16384xi32, #tpu.memory_space<vmem>>, vector<16xi32>,
      %ge3A = vector.broadcast %mul3A_4 : i32 to vector<16xi32>
      %ge3A_340 = arith.cmpi sge, %get3A_339, %ge3A : vector<16xi32>
      %lt3A = vector.broadcast %add3A_6 : i32 to vector<16xi32>
      %lt3A_341 = arith.cmpi slt, %get3A_339, %lt3A : vector<16xi32>
      %and3A_342 = arith.andi %ge3A_340, %lt3A_341 : vector<16xi1>
      %sub3A_343 = vector.broadcast %mul3A_4 : i32 to vector<16xi32>
      %sub3A_344 = arith.subi %get3A_339, %sub3A_343 : vector<16xi32>
      %shift_left3A = arith.constant 14 : i32
      %shift_left3A_345 = vector.broadcast %shift_left3A : i32 to vector<16xi32>
      %shift_left3A_346 = arith.shli %sub3A_344, %shift_left3A_345 : vector<16xi32>
      %mul3A_347 = arith.constant 16 : i32
      %mul3A_348 = arith.muli %scan3A_334, %mul3A_347 : i32
      %add3A_349 = vector.broadcast %mul3A_348 : i32 to vector<16xi32>
      %add3A_350 = arith.addi %iota3A, %add3A_349 : vector<16xi32>
      %or3A = arith.ori %shift_left3A_346, %add3A_350 : vector<16xi32>
      %jit3A_351 = arith.constant 1 : i32
      %jit3A_352 = arith.constant 0 : i32
      %broadcast_in_dim3A_353 = vector.broadcast %jit3A_351 : i32 to vector<16xi32>
      %broadcast_in_dim3A_354 = vector.broadcast %jit3A_352 : i32 to vector<16xi32>
      %select_n3A_355 = arith.select %and3A_342, %broadcast_in_dim3A_353, %broadcast_in_dim3A_354 : vector<16xi1>, vector<16xi32>
      %broadcast_in_dim3A_356 = arith.constant true
      %broadcast_in_dim3A_357 = vector.broadcast %broadcast_in_dim3A_356 : i1 to vector<16xi1>
      %masked_cumsum3A = tpu.scan <sum>, %select_n3A_355 masked %broadcast_in_dim3A_357 : vector<16xi32>, vector<16xi1> -> vector<16xi32>
      %add3A_358 = vector.broadcast %scan3A_335 : i32 to vector<16xi32>
      %add3A_359 = arith.addi %add3A_358, %masked_cumsum3A : vector<16xi32>
      %sub3A_360 = arith.constant 1 : i32
      %sub3A_361 = vector.broadcast %sub3A_360 : i32 to vector<16xi32>
      %sub3A_362 = arith.subi %add3A_359, %sub3A_361 : vector<16xi32>
      tpu.vector_store_idx %arg7[%sub3A_362], %or3A masked %and3A_342 : memref<16400xi32, #tpu.memory_space<vmem>>[vector<16xi32>], vector<16xi32>, vector<16xi1>
      %slice3A_363 = vector.extract_strided_slice %masked_cumsum3A {offsets = [15], sizes = [1], strides = [1]} : vector<16xi32> to vector<1xi32>
      %squeeze3A_364 = vector.extract %slice3A_363[0] : i32 from vector<1xi32>
      %add3A_365 = arith.addi %scan3A_335, %squeeze3A_364 : i32
      scf.yield %add3A_365 : i32
    }
    %scan3A_64 = arith.constant 128 : i32
    %dma_wait3A_65 = tpu.memref_slice %arg6[%add3A_54] : memref<16384xi32, #tpu.memory_space<vmem>> -> memref<64xi32, #tpu.memory_space<vmem>>
    %dma_wait3A_66 = arith.constant 0 : i32
    %dma_wait3A_67 = arith.constant 0 : i32
    %dma_wait3A_68 = tpu.memref_slice %arg2[%dma_wait3A_66, %dma_wait3A_67] : memref<100000x256xf32, #tpu.memory_space<hbm>> -> memref<100000x256xf32, #tpu.memory_space<hbm>>
    tpu.wait_indirect_dma semaphore(%arg12 : memref<!tpu.dma_semaphore, #tpu.memory_space<semaphore_mem>>) src(%dma_wait3A_68 : memref<100000x256xf32, #tpu.memory_space<hbm>>) dst(%arg10 : memref<64x256xf32, #tpu.memory_space<vmem>>)
    %add3A_69 = arith.constant 128 : i32
    %add3A_70 = arith.addi %mul3A_2, %add3A_69 : i32
    %dma_start3A_71 = arith.constant 0 : i32
    %dma_start3A_72 = tpu.memref_slice %arg4[%add3A_70, %dma_start3A_71] : memref<16384x256xf32, #tpu.memory_space<hbm>> -> memref<64x256xf32, #tpu.memory_space<hbm>>
    %dma_start3A_73 = arith.constant 0 : i32
    %dma_start3A_74 = tpu.memref_slice %arg4[%add3A_70, %dma_start3A_73] : memref<16384x256xf32, #tpu.memory_space<hbm>> -> memref<64x256xf32, #tpu.memory_space<hbm>>
    tpu.enqueue_dma source(%arg10 : memref<64x256xf32, #tpu.memory_space<vmem>>) target(%dma_start3A_74 : memref<64x256xf32, #tpu.memory_space<hbm>>) target_semaphore(%arg13 : memref<!tpu.dma_semaphore, #tpu.memory_space<semaphore_mem>>)
    %dma_wait3A_75 = arith.constant 0 : i32
    %dma_wait3A_76 = tpu.memref_slice %arg4[%add3A_44, %dma_wait3A_75] : memref<16384x256xf32, #tpu.memory_space<hbm>> -> memref<64x256xf32, #tpu.memory_space<hbm>>
    %dma_wait3A_77 = arith.constant 0 : i32
    %dma_wait3A_78 = tpu.memref_slice %arg4[%add3A_44, %dma_wait3A_77] : memref<16384x256xf32, #tpu.memory_space<hbm>> -> memref<64x256xf32, #tpu.memory_space<hbm>>
    tpu.wait_dma2 semaphore(%arg13 : memref<!tpu.dma_semaphore, #tpu.memory_space<semaphore_mem>>) src(%arg11 : memref<64x256xf32, #tpu.memory_space<vmem>>) dst(%dma_wait3A_78 : memref<64x256xf32, #tpu.memory_space<hbm>>)
    %add3A_79 = arith.constant 192 : i32
    %add3A_80 = arith.addi %mul3A_2, %add3A_79 : i32
    %dma_start3A_81 = tpu.memref_slice %arg6[%add3A_80] : memref<16384xi32, #tpu.memory_space<vmem>> -> memref<64xi32, #tpu.memory_space<vmem>>
    %dma_start3A_82 = arith.constant 0 : i32
    %dma_start3A_83 = arith.constant 0 : i32
    %dma_start3A_84 = tpu.memref_slice %arg2[%dma_start3A_82, %dma_start3A_83] : memref<100000x256xf32, #tpu.memory_space<hbm>> -> memref<100000x256xf32, #tpu.memory_space<hbm>>
    tpu.enqueue_indirect_dma source(%dma_start3A_84 : memref<100000x256xf32, #tpu.memory_space<hbm>>) target(%arg11 : memref<64x256xf32, #tpu.memory_space<vmem>>) offsets(%dma_start3A_81 : memref<64xi32, #tpu.memory_space<vmem>>) semaphore(%arg12 : memref<!tpu.dma_semaphore, #tpu.memory_space<semaphore_mem>>)
    %scan3A_85 = arith.constant 384 : i32
    %scan3A_86 = arith.constant 128 : i32
    %scan3A_87 = arith.addi %scan3A_85, %scan3A_86 : i32
    %scan3A_88 = arith.constant 1 : i32
    %scan3A_89 = scf.for %scan3A_334 = %scan3A_85 to %scan3A_87 step %scan3A_88 iter_args(%scan3A_335 = %scan3A_63) -> (i32)  : i32 {
      %mul3A_336 = arith.constant 16 : i32
      %mul3A_337 = arith.muli %scan3A_334, %mul3A_336 : i32
      %get3A_338 = arith.index_cast %mul3A_337 : i32 to index
      %get3A_339 = tpu.vector_load %arg6[%get3A_338] {strides = array<i32>} : memref<16384xi32, #tpu.memory_space<vmem>>, vector<16xi32>,
      %ge3A = vector.broadcast %mul3A_4 : i32 to vector<16xi32>
      %ge3A_340 = arith.cmpi sge, %get3A_339, %ge3A : vector<16xi32>
      %lt3A = vector.broadcast %add3A_6 : i32 to vector<16xi32>
      %lt3A_341 = arith.cmpi slt, %get3A_339, %lt3A : vector<16xi32>
      %and3A_342 = arith.andi %ge3A_340, %lt3A_341 : vector<16xi1>
      %sub3A_343 = vector.broadcast %mul3A_4 : i32 to vector<16xi32>
      %sub3A_344 = arith.subi %get3A_339, %sub3A_343 : vector<16xi32>
      %shift_left3A = arith.constant 14 : i32
      %shift_left3A_345 = vector.broadcast %shift_left3A : i32 to vector<16xi32>
      %shift_left3A_346 = arith.shli %sub3A_344, %shift_left3A_345 : vector<16xi32>
      %mul3A_347 = arith.constant 16 : i32
      %mul3A_348 = arith.muli %scan3A_334, %mul3A_347 : i32
      %add3A_349 = vector.broadcast %mul3A_348 : i32 to vector<16xi32>
      %add3A_350 = arith.addi %iota3A, %add3A_349 : vector<16xi32>
      %or3A = arith.ori %shift_left3A_346, %add3A_350 : vector<16xi32>
      %jit3A_351 = arith.constant 1 : i32
      %jit3A_352 = arith.constant 0 : i32
      %broadcast_in_dim3A_353 = vector.broadcast %jit3A_351 : i32 to vector<16xi32>
      %broadcast_in_dim3A_354 = vector.broadcast %jit3A_352 : i32 to vector<16xi32>
      %select_n3A_355 = arith.select %and3A_342, %broadcast_in_dim3A_353, %broadcast_in_dim3A_354 : vector<16xi1>, vector<16xi32>
      %broadcast_in_dim3A_356 = arith.constant true
      %broadcast_in_dim3A_357 = vector.broadcast %broadcast_in_dim3A_356 : i1 to vector<16xi1>
      %masked_cumsum3A = tpu.scan <sum>, %select_n3A_355 masked %broadcast_in_dim3A_357 : vector<16xi32>, vector<16xi1> -> vector<16xi32>
      %add3A_358 = vector.broadcast %scan3A_335 : i32 to vector<16xi32>
      %add3A_359 = arith.addi %add3A_358, %masked_cumsum3A : vector<16xi32>
      %sub3A_360 = arith.constant 1 : i32
      %sub3A_361 = vector.broadcast %sub3A_360 : i32 to vector<16xi32>
      %sub3A_362 = arith.subi %add3A_359, %sub3A_361 : vector<16xi32>
      tpu.vector_store_idx %arg7[%sub3A_362], %or3A masked %and3A_342 : memref<16400xi32, #tpu.memory_space<vmem>>[vector<16xi32>], vector<16xi32>, vector<16xi1>
      %slice3A_363 = vector.extract_strided_slice %masked_cumsum3A {offsets = [15], sizes = [1], strides = [1]} : vector<16xi32> to vector<1xi32>
      %squeeze3A_364 = vector.extract %slice3A_363[0] : i32 from vector<1xi32>
      %add3A_365 = arith.addi %scan3A_335, %squeeze3A_364 : i32
      scf.yield %add3A_365 : i32
    }
    %scan3A_90 = arith.constant 128 : i32
    %dma_wait3A_91 = tpu.memref_slice %arg6[%add3A_80] : memref<16384xi32, #tpu.memory_space<vmem>> -> memref<64xi32, #tpu.memory_space<vmem>>
    %dma_wait3A_92 = arith.constant 0 : i32
    %dma_wait3A_93 = arith.constant 0 : i32
    %dma_wait3A_94 = tpu.memref_slice %arg2[%dma_wait3A_92, %dma_wait3A_93] : memref<100000x256xf32, #tpu.memory_space<hbm>> -> memref<100000x256xf32, #tpu.memory_space<hbm>>
    tpu.wait_indirect_dma semaphore(%arg12 : memref<!tpu.dma_semaphore, #tpu.memory_space<semaphore_mem>>) src(%dma_wait3A_94 : memref<100000x256xf32, #tpu.memory_space<hbm>>) dst(%arg11 : memref<64x256xf32, #tpu.memory_space<vmem>>)
    %add3A_95 = arith.constant 192 : i32
    %add3A_96 = arith.addi %mul3A_2, %add3A_95 : i32
    %dma_start3A_97 = arith.constant 0 : i32
    %dma_start3A_98 = tpu.memref_slice %arg4[%add3A_96, %dma_start3A_97] : memref<16384x256xf32, #tpu.memory_space<hbm>> -> memref<64x256xf32, #tpu.memory_space<hbm>>
    %dma_start3A_99 = arith.constant 0 : i32
    %dma_start3A_100 = tpu.memref_slice %arg4[%add3A_96, %dma_start3A_99] : memref<16384x256xf32, #tpu.memory_space<hbm>> -> memref<64x256xf32, #tpu.memory_space<hbm>>
    tpu.enqueue_dma source(%arg11 : memref<64x256xf32, #tpu.memory_space<vmem>>) target(%dma_start3A_100 : memref<64x256xf32, #tpu.memory_space<hbm>>) target_semaphore(%arg13 : memref<!tpu.dma_semaphore, #tpu.memory_space<semaphore_mem>>)
    %dma_wait3A_101 = arith.constant 0 : i32
    %dma_wait3A_102 = tpu.memref_slice %arg4[%add3A_70, %dma_wait3A_101] : memref<16384x256xf32, #tpu.memory_space<hbm>> -> memref<64x256xf32, #tpu.memory_space<hbm>>
    %dma_wait3A_103 = arith.constant 0 : i32
    %dma_wait3A_104 = tpu.memref_slice %arg4[%add3A_70, %dma_wait3A_103] : memref<16384x256xf32, #tpu.memory_space<hbm>> -> memref<64x256xf32, #tpu.memory_space<hbm>>
    tpu.wait_dma2 semaphore(%arg13 : memref<!tpu.dma_semaphore, #tpu.memory_space<semaphore_mem>>) src(%arg10 : memref<64x256xf32, #tpu.memory_space<vmem>>) dst(%dma_wait3A_104 : memref<64x256xf32, #tpu.memory_space<hbm>>)
    %add3A_105 = arith.constant 256 : i32
    %add3A_106 = arith.addi %mul3A_2, %add3A_105 : i32
    %dma_start3A_107 = tpu.memref_slice %arg6[%add3A_106] : memref<16384xi32, #tpu.memory_space<vmem>> -> memref<64xi32, #tpu.memory_space<vmem>>
    %dma_start3A_108 = arith.constant 0 : i32
    %dma_start3A_109 = arith.constant 0 : i32
    %dma_start3A_110 = tpu.memref_slice %arg2[%dma_start3A_108, %dma_start3A_109] : memref<100000x256xf32, #tpu.memory_space<hbm>> -> memref<100000x256xf32, #tpu.memory_space<hbm>>
    tpu.enqueue_indirect_dma source(%dma_start3A_110 : memref<100000x256xf32, #tpu.memory_space<hbm>>) target(%arg10 : memref<64x256xf32, #tpu.memory_space<vmem>>) offsets(%dma_start3A_107 : memref<64xi32, #tpu.memory_space<vmem>>) semaphore(%arg12 : memref<!tpu.dma_semaphore, #tpu.memory_space<semaphore_mem>>)
    %scan3A_111 = arith.constant 512 : i32
    %scan3A_112 = arith.constant 128 : i32
    %scan3A_113 = arith.addi %scan3A_111, %scan3A_112 : i32
    %scan3A_114 = arith.constant 1 : i32
    %scan3A_115 = scf.for %scan3A_334 = %scan3A_111 to %scan3A_113 step %scan3A_114 iter_args(%scan3A_335 = %scan3A_89) -> (i32)  : i32 {
      %mul3A_336 = arith.constant 16 : i32
      %mul3A_337 = arith.muli %scan3A_334, %mul3A_336 : i32
      %get3A_338 = arith.index_cast %mul3A_337 : i32 to index
      %get3A_339 = tpu.vector_load %arg6[%get3A_338] {strides = array<i32>} : memref<16384xi32, #tpu.memory_space<vmem>>, vector<16xi32>,
      %ge3A = vector.broadcast %mul3A_4 : i32 to vector<16xi32>
      %ge3A_340 = arith.cmpi sge, %get3A_339, %ge3A : vector<16xi32>
      %lt3A = vector.broadcast %add3A_6 : i32 to vector<16xi32>
      %lt3A_341 = arith.cmpi slt, %get3A_339, %lt3A : vector<16xi32>
      %and3A_342 = arith.andi %ge3A_340, %lt3A_341 : vector<16xi1>
      %sub3A_343 = vector.broadcast %mul3A_4 : i32 to vector<16xi32>
      %sub3A_344 = arith.subi %get3A_339, %sub3A_343 : vector<16xi32>
      %shift_left3A = arith.constant 14 : i32
      %shift_left3A_345 = vector.broadcast %shift_left3A : i32 to vector<16xi32>
      %shift_left3A_346 = arith.shli %sub3A_344, %shift_left3A_345 : vector<16xi32>
      %mul3A_347 = arith.constant 16 : i32
      %mul3A_348 = arith.muli %scan3A_334, %mul3A_347 : i32
      %add3A_349 = vector.broadcast %mul3A_348 : i32 to vector<16xi32>
      %add3A_350 = arith.addi %iota3A, %add3A_349 : vector<16xi32>
      %or3A = arith.ori %shift_left3A_346, %add3A_350 : vector<16xi32>
      %jit3A_351 = arith.constant 1 : i32
      %jit3A_352 = arith.constant 0 : i32
      %broadcast_in_dim3A_353 = vector.broadcast %jit3A_351 : i32 to vector<16xi32>
      %broadcast_in_dim3A_354 = vector.broadcast %jit3A_352 : i32 to vector<16xi32>
      %select_n3A_355 = arith.select %and3A_342, %broadcast_in_dim3A_353, %broadcast_in_dim3A_354 : vector<16xi1>, vector<16xi32>
      %broadcast_in_dim3A_356 = arith.constant true
      %broadcast_in_dim3A_357 = vector.broadcast %broadcast_in_dim3A_356 : i1 to vector<16xi1>
      %masked_cumsum3A = tpu.scan <sum>, %select_n3A_355 masked %broadcast_in_dim3A_357 : vector<16xi32>, vector<16xi1> -> vector<16xi32>
      %add3A_358 = vector.broadcast %scan3A_335 : i32 to vector<16xi32>
      %add3A_359 = arith.addi %add3A_358, %masked_cumsum3A : vector<16xi32>
      %sub3A_360 = arith.constant 1 : i32
      %sub3A_361 = vector.broadcast %sub3A_360 : i32 to vector<16xi32>
      %sub3A_362 = arith.subi %add3A_359, %sub3A_361 : vector<16xi32>
      tpu.vector_store_idx %arg7[%sub3A_362], %or3A masked %and3A_342 : memref<16400xi32, #tpu.memory_space<vmem>>[vector<16xi32>], vector<16xi32>, vector<16xi1>
      %slice3A_363 = vector.extract_strided_slice %masked_cumsum3A {offsets = [15], sizes = [1], strides = [1]} : vector<16xi32> to vector<1xi32>
      %squeeze3A_364 = vector.extract %slice3A_363[0] : i32 from vector<1xi32>
      %add3A_365 = arith.addi %scan3A_335, %squeeze3A_364 : i32
      scf.yield %add3A_365 : i32
    }
    %scan3A_116 = arith.constant 128 : i32
    %dma_wait3A_117 = tpu.memref_slice %arg6[%add3A_106] : memref<16384xi32, #tpu.memory_space<vmem>> -> memref<64xi32, #tpu.memory_space<vmem>>
    %dma_wait3A_118 = arith.constant 0 : i32
    %dma_wait3A_119 = arith.constant 0 : i32
    %dma_wait3A_120 = tpu.memref_slice %arg2[%dma_wait3A_118, %dma_wait3A_119] : memref<100000x256xf32, #tpu.memory_space<hbm>> -> memref<100000x256xf32, #tpu.memory_space<hbm>>
    tpu.wait_indirect_dma semaphore(%arg12 : memref<!tpu.dma_semaphore, #tpu.memory_space<semaphore_mem>>) src(%dma_wait3A_120 : memref<100000x256xf32, #tpu.memory_space<hbm>>) dst(%arg10 : memref<64x256xf32, #tpu.memory_space<vmem>>)
    %add3A_121 = arith.constant 256 : i32
    %add3A_122 = arith.addi %mul3A_2, %add3A_121 : i32
    %dma_start3A_123 = arith.constant 0 : i32
    %dma_start3A_124 = tpu.memref_slice %arg4[%add3A_122, %dma_start3A_123] : memref<16384x256xf32, #tpu.memory_space<hbm>> -> memref<64x256xf32, #tpu.memory_space<hbm>>
    %dma_start3A_125 = arith.constant 0 : i32
    %dma_start3A_126 = tpu.memref_slice %arg4[%add3A_122, %dma_start3A_125] : memref<16384x256xf32, #tpu.memory_space<hbm>> -> memref<64x256xf32, #tpu.memory_space<hbm>>
    tpu.enqueue_dma source(%arg10 : memref<64x256xf32, #tpu.memory_space<vmem>>) target(%dma_start3A_126 : memref<64x256xf32, #tpu.memory_space<hbm>>) target_semaphore(%arg13 : memref<!tpu.dma_semaphore, #tpu.memory_space<semaphore_mem>>)
    %dma_wait3A_127 = arith.constant 0 : i32
    %dma_wait3A_128 = tpu.memref_slice %arg4[%add3A_96, %dma_wait3A_127] : memref<16384x256xf32, #tpu.memory_space<hbm>> -> memref<64x256xf32, #tpu.memory_space<hbm>>
    %dma_wait3A_129 = arith.constant 0 : i32
    %dma_wait3A_130 = tpu.memref_slice %arg4[%add3A_96, %dma_wait3A_129] : memref<16384x256xf32, #tpu.memory_space<hbm>> -> memref<64x256xf32, #tpu.memory_space<hbm>>
    tpu.wait_dma2 semaphore(%arg13 : memref<!tpu.dma_semaphore, #tpu.memory_space<semaphore_mem>>) src(%arg11 : memref<64x256xf32, #tpu.memory_space<vmem>>) dst(%dma_wait3A_130 : memref<64x256xf32, #tpu.memory_space<hbm>>)
    %add3A_131 = arith.constant 320 : i32
    %add3A_132 = arith.addi %mul3A_2, %add3A_131 : i32
    %dma_start3A_133 = tpu.memref_slice %arg6[%add3A_132] : memref<16384xi32, #tpu.memory_space<vmem>> -> memref<64xi32, #tpu.memory_space<vmem>>
    %dma_start3A_134 = arith.constant 0 : i32
    %dma_start3A_135 = arith.constant 0 : i32
    %dma_start3A_136 = tpu.memref_slice %arg2[%dma_start3A_134, %dma_start3A_135] : memref<100000x256xf32, #tpu.memory_space<hbm>> -> memref<100000x256xf32, #tpu.memory_space<hbm>>
    tpu.enqueue_indirect_dma source(%dma_start3A_136 : memref<100000x256xf32, #tpu.memory_space<hbm>>) target(%arg11 : memref<64x256xf32, #tpu.memory_space<vmem>>) offsets(%dma_start3A_133 : memref<64xi32, #tpu.memory_space<vmem>>) semaphore(%arg12 : memref<!tpu.dma_semaphore, #tpu.memory_space<semaphore_mem>>)
    %scan3A_137 = arith.constant 640 : i32
    %scan3A_138 = arith.constant 128 : i32
    %scan3A_139 = arith.addi %scan3A_137, %scan3A_138 : i32
    %scan3A_140 = arith.constant 1 : i32
    %scan3A_141 = scf.for %scan3A_334 = %scan3A_137 to %scan3A_139 step %scan3A_140 iter_args(%scan3A_335 = %scan3A_115) -> (i32)  : i32 {
      %mul3A_336 = arith.constant 16 : i32
      %mul3A_337 = arith.muli %scan3A_334, %mul3A_336 : i32
      %get3A_338 = arith.index_cast %mul3A_337 : i32 to index
      %get3A_339 = tpu.vector_load %arg6[%get3A_338] {strides = array<i32>} : memref<16384xi32, #tpu.memory_space<vmem>>, vector<16xi32>,
      %ge3A = vector.broadcast %mul3A_4 : i32 to vector<16xi32>
      %ge3A_340 = arith.cmpi sge, %get3A_339, %ge3A : vector<16xi32>
      %lt3A = vector.broadcast %add3A_6 : i32 to vector<16xi32>
      %lt3A_341 = arith.cmpi slt, %get3A_339, %lt3A : vector<16xi32>
      %and3A_342 = arith.andi %ge3A_340, %lt3A_341 : vector<16xi1>
      %sub3A_343 = vector.broadcast %mul3A_4 : i32 to vector<16xi32>
      %sub3A_344 = arith.subi %get3A_339, %sub3A_343 : vector<16xi32>
      %shift_left3A = arith.constant 14 : i32
      %shift_left3A_345 = vector.broadcast %shift_left3A : i32 to vector<16xi32>
      %shift_left3A_346 = arith.shli %sub3A_344, %shift_left3A_345 : vector<16xi32>
      %mul3A_347 = arith.constant 16 : i32
      %mul3A_348 = arith.muli %scan3A_334, %mul3A_347 : i32
      %add3A_349 = vector.broadcast %mul3A_348 : i32 to vector<16xi32>
      %add3A_350 = arith.addi %iota3A, %add3A_349 : vector<16xi32>
      %or3A = arith.ori %shift_left3A_346, %add3A_350 : vector<16xi32>
      %jit3A_351 = arith.constant 1 : i32
      %jit3A_352 = arith.constant 0 : i32
      %broadcast_in_dim3A_353 = vector.broadcast %jit3A_351 : i32 to vector<16xi32>
      %broadcast_in_dim3A_354 = vector.broadcast %jit3A_352 : i32 to vector<16xi32>
      %select_n3A_355 = arith.select %and3A_342, %broadcast_in_dim3A_353, %broadcast_in_dim3A_354 : vector<16xi1>, vector<16xi32>
      %broadcast_in_dim3A_356 = arith.constant true
      %broadcast_in_dim3A_357 = vector.broadcast %broadcast_in_dim3A_356 : i1 to vector<16xi1>
      %masked_cumsum3A = tpu.scan <sum>, %select_n3A_355 masked %broadcast_in_dim3A_357 : vector<16xi32>, vector<16xi1> -> vector<16xi32>
      %add3A_358 = vector.broadcast %scan3A_335 : i32 to vector<16xi32>
      %add3A_359 = arith.addi %add3A_358, %masked_cumsum3A : vector<16xi32>
      %sub3A_360 = arith.constant 1 : i32
      %sub3A_361 = vector.broadcast %sub3A_360 : i32 to vector<16xi32>
      %sub3A_362 = arith.subi %add3A_359, %sub3A_361 : vector<16xi32>
      tpu.vector_store_idx %arg7[%sub3A_362], %or3A masked %and3A_342 : memref<16400xi32, #tpu.memory_space<vmem>>[vector<16xi32>], vector<16xi32>, vector<16xi1>
      %slice3A_363 = vector.extract_strided_slice %masked_cumsum3A {offsets = [15], sizes = [1], strides = [1]} : vector<16xi32> to vector<1xi32>
      %squeeze3A_364 = vector.extract %slice3A_363[0] : i32 from vector<1xi32>
      %add3A_365 = arith.addi %scan3A_335, %squeeze3A_364 : i32
      scf.yield %add3A_365 : i32
    }
    %scan3A_142 = arith.constant 128 : i32
    %dma_wait3A_143 = tpu.memref_slice %arg6[%add3A_132] : memref<16384xi32, #tpu.memory_space<vmem>> -> memref<64xi32, #tpu.memory_space<vmem>>
    %dma_wait3A_144 = arith.constant 0 : i32
    %dma_wait3A_145 = arith.constant 0 : i32
    %dma_wait3A_146 = tpu.memref_slice %arg2[%dma_wait3A_144, %dma_wait3A_145] : memref<100000x256xf32, #tpu.memory_space<hbm>> -> memref<100000x256xf32, #tpu.memory_space<hbm>>
    tpu.wait_indirect_dma semaphore(%arg12 : memref<!tpu.dma_semaphore, #tpu.memory_space<semaphore_mem>>) src(%dma_wait3A_146 : memref<100000x256xf32, #tpu.memory_space<hbm>>) dst(%arg11 : memref<64x256xf32, #tpu.memory_space<vmem>>)
    %add3A_147 = arith.constant 320 : i32
    %add3A_148 = arith.addi %mul3A_2, %add3A_147 : i32
    %dma_start3A_149 = arith.constant 0 : i32
    %dma_start3A_150 = tpu.memref_slice %arg4[%add3A_148, %dma_start3A_149] : memref<16384x256xf32, #tpu.memory_space<hbm>> -> memref<64x256xf32, #tpu.memory_space<hbm>>
    %dma_start3A_151 = arith.constant 0 : i32
    %dma_start3A_152 = tpu.memref_slice %arg4[%add3A_148, %dma_start3A_151] : memref<16384x256xf32, #tpu.memory_space<hbm>> -> memref<64x256xf32, #tpu.memory_space<hbm>>
    tpu.enqueue_dma source(%arg11 : memref<64x256xf32, #tpu.memory_space<vmem>>) target(%dma_start3A_152 : memref<64x256xf32, #tpu.memory_space<hbm>>) target_semaphore(%arg13 : memref<!tpu.dma_semaphore, #tpu.memory_space<semaphore_mem>>)
    %dma_wait3A_153 = arith.constant 0 : i32
    %dma_wait3A_154 = tpu.memref_slice %arg4[%add3A_122, %dma_wait3A_153] : memref<16384x256xf32, #tpu.memory_space<hbm>> -> memref<64x256xf32, #tpu.memory_space<hbm>>
    %dma_wait3A_155 = arith.constant 0 : i32
    %dma_wait3A_156 = tpu.memref_slice %arg4[%add3A_122, %dma_wait3A_155] : memref<16384x256xf32, #tpu.memory_space<hbm>> -> memref<64x256xf32, #tpu.memory_space<hbm>>
    tpu.wait_dma2 semaphore(%arg13 : memref<!tpu.dma_semaphore, #tpu.memory_space<semaphore_mem>>) src(%arg10 : memref<64x256xf32, #tpu.memory_space<vmem>>) dst(%dma_wait3A_156 : memref<64x256xf32, #tpu.memory_space<hbm>>)
    %add3A_157 = arith.constant 384 : i32
    %add3A_158 = arith.addi %mul3A_2, %add3A_157 : i32
    %dma_start3A_159 = tpu.memref_slice %arg6[%add3A_158] : memref<16384xi32, #tpu.memory_space<vmem>> -> memref<64xi32, #tpu.memory_space<vmem>>
    %dma_start3A_160 = arith.constant 0 : i32
    %dma_start3A_161 = arith.constant 0 : i32
    %dma_start3A_162 = tpu.memref_slice %arg2[%dma_start3A_160, %dma_start3A_161] : memref<100000x256xf32, #tpu.memory_space<hbm>> -> memref<100000x256xf32, #tpu.memory_space<hbm>>
    tpu.enqueue_indirect_dma source(%dma_start3A_162 : memref<100000x256xf32, #tpu.memory_space<hbm>>) target(%arg10 : memref<64x256xf32, #tpu.memory_space<vmem>>) offsets(%dma_start3A_159 : memref<64xi32, #tpu.memory_space<vmem>>) semaphore(%arg12 : memref<!tpu.dma_semaphore, #tpu.memory_space<semaphore_mem>>)
    %scan3A_163 = arith.constant 768 : i32
    %scan3A_164 = arith.constant 128 : i32
    %scan3A_165 = arith.addi %scan3A_163, %scan3A_164 : i32
    %scan3A_166 = arith.constant 1 : i32
    %scan3A_167 = scf.for %scan3A_334 = %scan3A_163 to %scan3A_165 step %scan3A_166 iter_args(%scan3A_335 = %scan3A_141) -> (i32)  : i32 {
      %mul3A_336 = arith.constant 16 : i32
      %mul3A_337 = arith.muli %scan3A_334, %mul3A_336 : i32
      %get3A_338 = arith.index_cast %mul3A_337 : i32 to index
      %get3A_339 = tpu.vector_load %arg6[%get3A_338] {strides = array<i32>} : memref<16384xi32, #tpu.memory_space<vmem>>, vector<16xi32>,
      %ge3A = vector.broadcast %mul3A_4 : i32 to vector<16xi32>
      %ge3A_340 = arith.cmpi sge, %get3A_339, %ge3A : vector<16xi32>
      %lt3A = vector.broadcast %add3A_6 : i32 to vector<16xi32>
      %lt3A_341 = arith.cmpi slt, %get3A_339, %lt3A : vector<16xi32>
      %and3A_342 = arith.andi %ge3A_340, %lt3A_341 : vector<16xi1>
      %sub3A_343 = vector.broadcast %mul3A_4 : i32 to vector<16xi32>
      %sub3A_344 = arith.subi %get3A_339, %sub3A_343 : vector<16xi32>
      %shift_left3A = arith.constant 14 : i32
      %shift_left3A_345 = vector.broadcast %shift_left3A : i32 to vector<16xi32>
      %shift_left3A_346 = arith.shli %sub3A_344, %shift_left3A_345 : vector<16xi32>
      %mul3A_347 = arith.constant 16 : i32
      %mul3A_348 = arith.muli %scan3A_334, %mul3A_347 : i32
      %add3A_349 = vector.broadcast %mul3A_348 : i32 to vector<16xi32>
      %add3A_350 = arith.addi %iota3A, %add3A_349 : vector<16xi32>
      %or3A = arith.ori %shift_left3A_346, %add3A_350 : vector<16xi32>
      %jit3A_351 = arith.constant 1 : i32
      %jit3A_352 = arith.constant 0 : i32
      %broadcast_in_dim3A_353 = vector.broadcast %jit3A_351 : i32 to vector<16xi32>
      %broadcast_in_dim3A_354 = vector.broadcast %jit3A_352 : i32 to vector<16xi32>
      %select_n3A_355 = arith.select %and3A_342, %broadcast_in_dim3A_353, %broadcast_in_dim3A_354 : vector<16xi1>, vector<16xi32>
      %broadcast_in_dim3A_356 = arith.constant true
      %broadcast_in_dim3A_357 = vector.broadcast %broadcast_in_dim3A_356 : i1 to vector<16xi1>
      %masked_cumsum3A = tpu.scan <sum>, %select_n3A_355 masked %broadcast_in_dim3A_357 : vector<16xi32>, vector<16xi1> -> vector<16xi32>
      %add3A_358 = vector.broadcast %scan3A_335 : i32 to vector<16xi32>
      %add3A_359 = arith.addi %add3A_358, %masked_cumsum3A : vector<16xi32>
      %sub3A_360 = arith.constant 1 : i32
      %sub3A_361 = vector.broadcast %sub3A_360 : i32 to vector<16xi32>
      %sub3A_362 = arith.subi %add3A_359, %sub3A_361 : vector<16xi32>
      tpu.vector_store_idx %arg7[%sub3A_362], %or3A masked %and3A_342 : memref<16400xi32, #tpu.memory_space<vmem>>[vector<16xi32>], vector<16xi32>, vector<16xi1>
      %slice3A_363 = vector.extract_strided_slice %masked_cumsum3A {offsets = [15], sizes = [1], strides = [1]} : vector<16xi32> to vector<1xi32>
      %squeeze3A_364 = vector.extract %slice3A_363[0] : i32 from vector<1xi32>
      %add3A_365 = arith.addi %scan3A_335, %squeeze3A_364 : i32
      scf.yield %add3A_365 : i32
    }
    %scan3A_168 = arith.constant 128 : i32
    %dma_wait3A_169 = tpu.memref_slice %arg6[%add3A_158] : memref<16384xi32, #tpu.memory_space<vmem>> -> memref<64xi32, #tpu.memory_space<vmem>>
    %dma_wait3A_170 = arith.constant 0 : i32
    %dma_wait3A_171 = arith.constant 0 : i32
    %dma_wait3A_172 = tpu.memref_slice %arg2[%dma_wait3A_170, %dma_wait3A_171] : memref<100000x256xf32, #tpu.memory_space<hbm>> -> memref<100000x256xf32, #tpu.memory_space<hbm>>
    tpu.wait_indirect_dma semaphore(%arg12 : memref<!tpu.dma_semaphore, #tpu.memory_space<semaphore_mem>>) src(%dma_wait3A_172 : memref<100000x256xf32, #tpu.memory_space<hbm>>) dst(%arg10 : memref<64x256xf32, #tpu.memory_space<vmem>>)
    %add3A_173 = arith.constant 384 : i32
    %add3A_174 = arith.addi %mul3A_2, %add3A_173 : i32
    %dma_start3A_175 = arith.constant 0 : i32
    %dma_start3A_176 = tpu.memref_slice %arg4[%add3A_174, %dma_start3A_175] : memref<16384x256xf32, #tpu.memory_space<hbm>> -> memref<64x256xf32, #tpu.memory_space<hbm>>
    %dma_start3A_177 = arith.constant 0 : i32
    %dma_start3A_178 = tpu.memref_slice %arg4[%add3A_174, %dma_start3A_177] : memref<16384x256xf32, #tpu.memory_space<hbm>> -> memref<64x256xf32, #tpu.memory_space<hbm>>
    tpu.enqueue_dma source(%arg10 : memref<64x256xf32, #tpu.memory_space<vmem>>) target(%dma_start3A_178 : memref<64x256xf32, #tpu.memory_space<hbm>>) target_semaphore(%arg13 : memref<!tpu.dma_semaphore, #tpu.memory_space<semaphore_mem>>)
    %dma_wait3A_179 = arith.constant 0 : i32
    %dma_wait3A_180 = tpu.memref_slice %arg4[%add3A_148, %dma_wait3A_179] : memref<16384x256xf32, #tpu.memory_space<hbm>> -> memref<64x256xf32, #tpu.memory_space<hbm>>
    %dma_wait3A_181 = arith.constant 0 : i32
    %dma_wait3A_182 = tpu.memref_slice %arg4[%add3A_148, %dma_wait3A_181] : memref<16384x256xf32, #tpu.memory_space<hbm>> -> memref<64x256xf32, #tpu.memory_space<hbm>>
    tpu.wait_dma2 semaphore(%arg13 : memref<!tpu.dma_semaphore, #tpu.memory_space<semaphore_mem>>) src(%arg11 : memref<64x256xf32, #tpu.memory_space<vmem>>) dst(%dma_wait3A_182 : memref<64x256xf32, #tpu.memory_space<hbm>>)
    %add3A_183 = arith.constant 448 : i32
    %add3A_184 = arith.addi %mul3A_2, %add3A_183 : i32
    %dma_start3A_185 = tpu.memref_slice %arg6[%add3A_184] : memref<16384xi32, #tpu.memory_space<vmem>> -> memref<64xi32, #tpu.memory_space<vmem>>
    %dma_start3A_186 = arith.constant 0 : i32
    %dma_start3A_187 = arith.constant 0 : i32
    %dma_start3A_188 = tpu.memref_slice %arg2[%dma_start3A_186, %dma_start3A_187] : memref<100000x256xf32, #tpu.memory_space<hbm>> -> memref<100000x256xf32, #tpu.memory_space<hbm>>
    tpu.enqueue_indirect_dma source(%dma_start3A_188 : memref<100000x256xf32, #tpu.memory_space<hbm>>) target(%arg11 : memref<64x256xf32, #tpu.memory_space<vmem>>) offsets(%dma_start3A_185 : memref<64xi32, #tpu.memory_space<vmem>>) semaphore(%arg12 : memref<!tpu.dma_semaphore, #tpu.memory_space<semaphore_mem>>)
    %scan3A_189 = arith.constant 896 : i32
    %scan3A_190 = arith.constant 128 : i32
    %scan3A_191 = arith.addi %scan3A_189, %scan3A_190 : i32
    %scan3A_192 = arith.constant 1 : i32
    %scan3A_193 = scf.for %scan3A_334 = %scan3A_189 to %scan3A_191 step %scan3A_192 iter_args(%scan3A_335 = %scan3A_167) -> (i32)  : i32 {
      %mul3A_336 = arith.constant 16 : i32
      %mul3A_337 = arith.muli %scan3A_334, %mul3A_336 : i32
      %get3A_338 = arith.index_cast %mul3A_337 : i32 to index
      %get3A_339 = tpu.vector_load %arg6[%get3A_338] {strides = array<i32>} : memref<16384xi32, #tpu.memory_space<vmem>>, vector<16xi32>,
      %ge3A = vector.broadcast %mul3A_4 : i32 to vector<16xi32>
      %ge3A_340 = arith.cmpi sge, %get3A_339, %ge3A : vector<16xi32>
      %lt3A = vector.broadcast %add3A_6 : i32 to vector<16xi32>
      %lt3A_341 = arith.cmpi slt, %get3A_339, %lt3A : vector<16xi32>
      %and3A_342 = arith.andi %ge3A_340, %lt3A_341 : vector<16xi1>
      %sub3A_343 = vector.broadcast %mul3A_4 : i32 to vector<16xi32>
      %sub3A_344 = arith.subi %get3A_339, %sub3A_343 : vector<16xi32>
      %shift_left3A = arith.constant 14 : i32
      %shift_left3A_345 = vector.broadcast %shift_left3A : i32 to vector<16xi32>
      %shift_left3A_346 = arith.shli %sub3A_344, %shift_left3A_345 : vector<16xi32>
      %mul3A_347 = arith.constant 16 : i32
      %mul3A_348 = arith.muli %scan3A_334, %mul3A_347 : i32
      %add3A_349 = vector.broadcast %mul3A_348 : i32 to vector<16xi32>
      %add3A_350 = arith.addi %iota3A, %add3A_349 : vector<16xi32>
      %or3A = arith.ori %shift_left3A_346, %add3A_350 : vector<16xi32>
      %jit3A_351 = arith.constant 1 : i32
      %jit3A_352 = arith.constant 0 : i32
      %broadcast_in_dim3A_353 = vector.broadcast %jit3A_351 : i32 to vector<16xi32>
      %broadcast_in_dim3A_354 = vector.broadcast %jit3A_352 : i32 to vector<16xi32>
      %select_n3A_355 = arith.select %and3A_342, %broadcast_in_dim3A_353, %broadcast_in_dim3A_354 : vector<16xi1>, vector<16xi32>
      %broadcast_in_dim3A_356 = arith.constant true
      %broadcast_in_dim3A_357 = vector.broadcast %broadcast_in_dim3A_356 : i1 to vector<16xi1>
      %masked_cumsum3A = tpu.scan <sum>, %select_n3A_355 masked %broadcast_in_dim3A_357 : vector<16xi32>, vector<16xi1> -> vector<16xi32>
      %add3A_358 = vector.broadcast %scan3A_335 : i32 to vector<16xi32>
      %add3A_359 = arith.addi %add3A_358, %masked_cumsum3A : vector<16xi32>
      %sub3A_360 = arith.constant 1 : i32
      %sub3A_361 = vector.broadcast %sub3A_360 : i32 to vector<16xi32>
      %sub3A_362 = arith.subi %add3A_359, %sub3A_361 : vector<16xi32>
      tpu.vector_store_idx %arg7[%sub3A_362], %or3A masked %and3A_342 : memref<16400xi32, #tpu.memory_space<vmem>>[vector<16xi32>], vector<16xi32>, vector<16xi1>
      %slice3A_363 = vector.extract_strided_slice %masked_cumsum3A {offsets = [15], sizes = [1], strides = [1]} : vector<16xi32> to vector<1xi32>
      %squeeze3A_364 = vector.extract %slice3A_363[0] : i32 from vector<1xi32>
      %add3A_365 = arith.addi %scan3A_335, %squeeze3A_364 : i32
      scf.yield %add3A_365 : i32
    }
    %scan3A_194 = arith.constant 128 : i32
    %dma_wait3A_195 = tpu.memref_slice %arg6[%add3A_184] : memref<16384xi32, #tpu.memory_space<vmem>> -> memref<64xi32, #tpu.memory_space<vmem>>
    %dma_wait3A_196 = arith.constant 0 : i32
    %dma_wait3A_197 = arith.constant 0 : i32
    %dma_wait3A_198 = tpu.memref_slice %arg2[%dma_wait3A_196, %dma_wait3A_197] : memref<100000x256xf32, #tpu.memory_space<hbm>> -> memref<100000x256xf32, #tpu.memory_space<hbm>>
    tpu.wait_indirect_dma semaphore(%arg12 : memref<!tpu.dma_semaphore, #tpu.memory_space<semaphore_mem>>) src(%dma_wait3A_198 : memref<100000x256xf32, #tpu.memory_space<hbm>>) dst(%arg11 : memref<64x256xf32, #tpu.memory_space<vmem>>)
    %add3A_199 = arith.constant 448 : i32
    %add3A_200 = arith.addi %mul3A_2, %add3A_199 : i32
    %dma_start3A_201 = arith.constant 0 : i32
    %dma_start3A_202 = tpu.memref_slice %arg4[%add3A_200, %dma_start3A_201] : memref<16384x256xf32, #tpu.memory_space<hbm>> -> memref<64x256xf32, #tpu.memory_space<hbm>>
    %dma_start3A_203 = arith.constant 0 : i32
    %dma_start3A_204 = tpu.memref_slice %arg4[%add3A_200, %dma_start3A_203] : memref<16384x256xf32, #tpu.memory_space<hbm>> -> memref<64x256xf32, #tpu.memory_space<hbm>>
    tpu.enqueue_dma source(%arg11 : memref<64x256xf32, #tpu.memory_space<vmem>>) target(%dma_start3A_204 : memref<64x256xf32, #tpu.memory_space<hbm>>) target_semaphore(%arg13 : memref<!tpu.dma_semaphore, #tpu.memory_space<semaphore_mem>>)
    %add3A_205 = arith.constant 15 : i32
    %add3A_206 = arith.addi %scan3A_193, %add3A_205 : i32
    %jit3A = arith.constant 16 : i32
    %div3A = arith.divsi %add3A_206, %jit3A : i32
    %sign3A = arith.constant 0 : i32
    %sign3A_207 = arith.cmpi sgt, %add3A_206, %sign3A : i32
    %sign3A_208 = arith.extui %sign3A_207 : i1 to i32
    %sign3A_209 = arith.constant 0 : i32
    %sign3A_210 = arith.cmpi slt, %add3A_206, %sign3A_209 : i32
    %sign3A_211 = arith.extui %sign3A_210 : i1 to i32
    %sign3A_212 = arith.subi %sign3A_208, %sign3A_211 : i32
    %sign3A_213 = arith.constant 0 : i32
    %sign3A_214 = arith.cmpi sgt, %jit3A, %sign3A_213 : i32
    %sign3A_215 = arith.extui %sign3A_214 : i1 to i32
    %sign3A_216 = arith.constant 0 : i32
    %sign3A_217 = arith.cmpi slt, %jit3A, %sign3A_216 : i32
    %sign3A_218 = arith.extui %sign3A_217 : i1 to i32
    %sign3A_219 = arith.subi %sign3A_215, %sign3A_218 : i32
    %ne3A = arith.cmpi ne, %sign3A_212, %sign3A_219 : i32
    %rem3A = arith.remsi %add3A_206, %jit3A : i32
    %ne3A_220 = arith.constant 0 : i32
    %ne3A_221 = arith.cmpi ne, %rem3A, %ne3A_220 : i32
    %and3A = arith.andi %ne3A, %ne3A_221 : i1
    %sub3A = arith.constant 1 : i32
    %sub3A_222 = arith.subi %div3A, %sub3A : i32
    %select_n3A = arith.select %and3A, %sub3A_222, %div3A : i32
    %while3A = arith.constant 0 : i32
    %while3A_223 = arith.constant 0 : i32
    %while3A_224 = arith.subi %select_n3A, %while3A : i32
    %while3A_225 = arith.addi %while3A, %while3A_224 : i32
    %while3A_226 = arith.constant 1 : i32
    %while3A_227 = arith.divsi %while3A_224, %while3A_226 : i32
    %while3A_228 = arith.muli %while3A_227, %while3A_226 : i32
    %while3A_229 = arith.addi %while3A, %while3A_228 : i32
    %while3A_230 = arith.constant 1 : i32
    %while3A_231 = scf.for %while3A_334 = %while3A to %while3A_229 step %while3A_230 iter_args(%while3A_335 = %while3A_223) -> (i32)  : i32 {
      %mul3A_336 = arith.constant 16 : i32
      %mul3A_337 = arith.muli %while3A_334, %mul3A_336 : i32
      %get3A_338 = arith.index_cast %mul3A_337 : i32 to index
      %get3A_339 = tpu.vector_load %arg7[%get3A_338] {strides = array<i32>} : memref<16400xi32, #tpu.memory_space<vmem>>, vector<16xi32>,
      %sub3A_340 = arith.subi %scan3A_193, %mul3A_337 : i32
      %lt3A = vector.broadcast %sub3A_340 : i32 to vector<16xi32>
      %lt3A_341 = arith.cmpi slt, %iota3A, %lt3A : vector<16xi32>
      %jit3A_342 = arith.constant 2147483647 : i32
      %broadcast_in_dim3A_343 = vector.broadcast %jit3A_342 : i32 to vector<16xi32>
      %select_n3A_344 = arith.select %lt3A_341, %get3A_339, %broadcast_in_dim3A_343 : vector<16xi1>, vector<16xi32>
      %masked_sort3A = arith.constant dense<true> : vector<16xi1>
      %masked_sort3A_345 = arith.constant -2147483648 : i32
      %masked_sort3A_346 = vector.broadcast %masked_sort3A_345 : i32 to vector<16xi32>
      %masked_sort3A_347 = arith.xori %select_n3A_344, %masked_sort3A_346 : vector<16xi32>
      %masked_sort3A_348, %masked_sort3A_349, %masked_sort3A_350 = tpu.sort %masked_sort3A_347, %select_n3A_344 masked %masked_sort3A : (vector<16xi32>, vector<16xi32>, vector<16xi1>) -> (vector<16xi1>, vector<16xi32>, vector<16xi32>)
      %masked_sort3A_351 = arith.xori %masked_sort3A_349, %masked_sort3A_346 : vector<16xi32>
      %shift_right_logical3A = arith.constant 14 : i32
      %shift_right_logical3A_352 = vector.broadcast %shift_right_logical3A : i32 to vector<16xi32>
      %shift_right_logical3A_353 = arith.shrui %masked_sort3A_351, %shift_right_logical3A_352 : vector<16xi32>
      %add3A_354 = arith.constant 1 : i32
      %add3A_355 = vector.broadcast %add3A_354 : i32 to vector<16xi32>
      %add3A_356 = arith.addi %iota3A, %add3A_355 : vector<16xi32>
      %min3A = arith.constant 15 : i32
      %min3A_357 = vector.broadcast %min3A : i32 to vector<16xi32>
      %min3A_358 = arith.minsi %add3A_356, %min3A_357 : vector<16xi32>
      %lt3A_359 = arith.constant 0 : i32
      %lt3A_360 = vector.broadcast %lt3A_359 : i32 to vector<16xi32>
      %lt3A_361 = arith.cmpi slt, %min3A_358, %lt3A_360 : vector<16xi32>
      %add3A_362 = arith.constant 16 : i32
      %add3A_363 = vector.broadcast %add3A_362 : i32 to vector<16xi32>
      %add3A_364 = arith.addi %min3A_358, %add3A_363 : vector<16xi32>
      %select_n3A_365 = arith.select %lt3A_361, %add3A_364, %min3A_358 : vector<16xi1>, vector<16xi32>
      %broadcast_in_dim3A_366 = vector.shape_cast %select_n3A_365 : vector<16xi32> to vector<16x1xi32>
      %gather3A = vector.shape_cast %broadcast_in_dim3A_366 : vector<16x1xi32> to vector<16xi32>
      %gather3A_367 = tpu.dynamic_gather %shift_right_logical3A_353[%gather3A] in [0] : vector<16xi32>, vector<16xi32> -> vector<16xi32>
      %ne3A_368 = arith.cmpi ne, %shift_right_logical3A_353, %gather3A_367 : vector<16xi32>
      %eq3A = arith.constant 15 : i32
      %eq3A_369 = vector.broadcast %eq3A : i32 to vector<16xi32>
      %eq3A_370 = arith.cmpi eq, %iota3A, %eq3A_369 : vector<16xi32>
      %or3A = arith.ori %ne3A_368, %eq3A_370 : vector<16xi1>
      %ne3A_371 = arith.constant 2147483647 : i32
      %ne3A_372 = vector.broadcast %ne3A_371 : i32 to vector<16xi32>
      %ne3A_373 = arith.cmpi ne, %masked_sort3A_351, %ne3A_372 : vector<16xi32>
      %and3A_374 = arith.andi %or3A, %ne3A_373 : vector<16xi1>
      %and3A_375 = arith.constant 16383 : i32
      %and3A_376 = vector.broadcast %and3A_375 : i32 to vector<16xi32>
      %and3A_377 = arith.andi %masked_sort3A_351, %and3A_376 : vector<16xi32>
      tpu.vector_store_idx %arg9[%shift_right_logical3A_353], %and3A_377 masked %and3A_374 : memref<3141xi32, #tpu.memory_space<vmem>>[vector<16xi32>], vector<16xi32>, vector<16xi1>
      %while3A_378 = arith.constant 0 : i32
      scf.yield %while3A_378 : i32
    }
    %while3A_232 = arith.constant 1 : i32
    %while3A_233 = scf.for %while3A_334 = %while3A_229 to %while3A_225 step %while3A_232 iter_args(%while3A_335 = %while3A_231) -> (i32)  : i32 {
      %mul3A_336 = arith.constant 16 : i32
      %mul3A_337 = arith.muli %while3A_334, %mul3A_336 : i32
      %get3A_338 = arith.index_cast %mul3A_337 : i32 to index
      %get3A_339 = tpu.vector_load %arg7[%get3A_338] {strides = array<i32>} : memref<16400xi32, #tpu.memory_space<vmem>>, vector<16xi32>,
      %sub3A_340 = arith.subi %scan3A_193, %mul3A_337 : i32
      %lt3A = vector.broadcast %sub3A_340 : i32 to vector<16xi32>
      %lt3A_341 = arith.cmpi slt, %iota3A, %lt3A : vector<16xi32>
      %jit3A_342 = arith.constant 2147483647 : i32
      %broadcast_in_dim3A_343 = vector.broadcast %jit3A_342 : i32 to vector<16xi32>
      %select_n3A_344 = arith.select %lt3A_341, %get3A_339, %broadcast_in_dim3A_343 : vector<16xi1>, vector<16xi32>
      %masked_sort3A = arith.constant dense<true> : vector<16xi1>
      %masked_sort3A_345 = arith.constant -2147483648 : i32
      %masked_sort3A_346 = vector.broadcast %masked_sort3A_345 : i32 to vector<16xi32>
      %masked_sort3A_347 = arith.xori %select_n3A_344, %masked_sort3A_346 : vector<16xi32>
      %masked_sort3A_348, %masked_sort3A_349, %masked_sort3A_350 = tpu.sort %masked_sort3A_347, %select_n3A_344 masked %masked_sort3A : (vector<16xi32>, vector<16xi32>, vector<16xi1>) -> (vector<16xi1>, vector<16xi32>, vector<16xi32>)
      %masked_sort3A_351 = arith.xori %masked_sort3A_349, %masked_sort3A_346 : vector<16xi32>
      %shift_right_logical3A = arith.constant 14 : i32
      %shift_right_logical3A_352 = vector.broadcast %shift_right_logical3A : i32 to vector<16xi32>
      %shift_right_logical3A_353 = arith.shrui %masked_sort3A_351, %shift_right_logical3A_352 : vector<16xi32>
      %add3A_354 = arith.constant 1 : i32
      %add3A_355 = vector.broadcast %add3A_354 : i32 to vector<16xi32>
      %add3A_356 = arith.addi %iota3A, %add3A_355 : vector<16xi32>
      %min3A = arith.constant 15 : i32
      %min3A_357 = vector.broadcast %min3A : i32 to vector<16xi32>
      %min3A_358 = arith.minsi %add3A_356, %min3A_357 : vector<16xi32>
      %lt3A_359 = arith.constant 0 : i32
      %lt3A_360 = vector.broadcast %lt3A_359 : i32 to vector<16xi32>
      %lt3A_361 = arith.cmpi slt, %min3A_358, %lt3A_360 : vector<16xi32>
      %add3A_362 = arith.constant 16 : i32
      %add3A_363 = vector.broadcast %add3A_362 : i32 to vector<16xi32>
      %add3A_364 = arith.addi %min3A_358, %add3A_363 : vector<16xi32>
      %select_n3A_365 = arith.select %lt3A_361, %add3A_364, %min3A_358 : vector<16xi1>, vector<16xi32>
      %broadcast_in_dim3A_366 = vector.shape_cast %select_n3A_365 : vector<16xi32> to vector<16x1xi32>
      %gather3A = vector.shape_cast %broadcast_in_dim3A_366 : vector<16x1xi32> to vector<16xi32>
      %gather3A_367 = tpu.dynamic_gather %shift_right_logical3A_353[%gather3A] in [0] : vector<16xi32>, vector<16xi32> -> vector<16xi32>
      %ne3A_368 = arith.cmpi ne, %shift_right_logical3A_353, %gather3A_367 : vector<16xi32>
      %eq3A = arith.constant 15 : i32
      %eq3A_369 = vector.broadcast %eq3A : i32 to vector<16xi32>
      %eq3A_370 = arith.cmpi eq, %iota3A, %eq3A_369 : vector<16xi32>
      %or3A = arith.ori %ne3A_368, %eq3A_370 : vector<16xi1>
      %ne3A_371 = arith.constant 2147483647 : i32
      %ne3A_372 = vector.broadcast %ne3A_371 : i32 to vector<16xi32>
      %ne3A_373 = arith.cmpi ne, %masked_sort3A_351, %ne3A_372 : vector<16xi32>
      %and3A_374 = arith.andi %or3A, %ne3A_373 : vector<16xi1>
      %and3A_375 = arith.constant 16383 : i32
      %and3A_376 = vector.broadcast %and3A_375 : i32 to vector<16xi32>
      %and3A_377 = arith.andi %masked_sort3A_351, %and3A_376 : vector<16xi32>
      tpu.vector_store_idx %arg9[%shift_right_logical3A_353], %and3A_377 masked %and3A_374 : memref<3141xi32, #tpu.memory_space<vmem>>[vector<16xi32>], vector<16xi32>, vector<16xi1>
      %while3A_378 = arith.constant 0 : i32
      scf.yield %while3A_378 : i32
    }
    %while3A_234 = arith.constant 0 : i32
    %while3A_235 = arith.constant 0 : i32
    %while3A_236 = arith.subi %select_n3A, %while3A_234 : i32
    %while3A_237 = arith.addi %while3A_234, %while3A_236 : i32
    %while3A_238 = arith.constant 1 : i32
    %while3A_239 = arith.divsi %while3A_236, %while3A_238 : i32
    %while3A_240 = arith.muli %while3A_239, %while3A_238 : i32
    %while3A_241 = arith.addi %while3A_234, %while3A_240 : i32
    %while3A_242 = arith.constant 1 : i32
    %while3A_243 = scf.for %while3A_334 = %while3A_234 to %while3A_241 step %while3A_242 iter_args(%while3A_335 = %while3A_235) -> (i32)  : i32 {
      %mul3A_336 = arith.constant 16 : i32
      %mul3A_337 = arith.muli %while3A_334, %mul3A_336 : i32
      %get3A_338 = arith.index_cast %mul3A_337 : i32 to index
      %get3A_339 = tpu.vector_load %arg7[%get3A_338] {strides = array<i32>} : memref<16400xi32, #tpu.memory_space<vmem>>, vector<16xi32>,
      %sub3A_340 = arith.subi %scan3A_193, %mul3A_337 : i32
      %lt3A = vector.broadcast %sub3A_340 : i32 to vector<16xi32>
      %lt3A_341 = arith.cmpi slt, %iota3A, %lt3A : vector<16xi32>
      %shift_right_logical3A = arith.constant 14 : i32
      %shift_right_logical3A_342 = vector.broadcast %shift_right_logical3A : i32 to vector<16xi32>
      %shift_right_logical3A_343 = arith.shrui %get3A_339, %shift_right_logical3A_342 : vector<16xi32>
      %jit3A_344 = arith.constant 0 : i32
      %broadcast_in_dim3A_345 = vector.broadcast %jit3A_344 : i32 to vector<16xi32>
      %select_n3A_346 = arith.select %lt3A_341, %shift_right_logical3A_343, %broadcast_in_dim3A_345 : vector<16xi1>, vector<16xi32>
      %gather3A = tpu.vector_load_idx %arg9[%select_n3A_346] : memref<3141xi32, #tpu.memory_space<vmem>>[vector<16xi32>], vector<16xi32>,
      %and3A_347 = arith.constant 16383 : i32
      %and3A_348 = vector.broadcast %and3A_347 : i32 to vector<16xi32>
      %and3A_349 = arith.andi %get3A_339, %and3A_348 : vector<16xi32>
      %eq3A = arith.cmpi eq, %gather3A, %and3A_349 : vector<16xi32>
      %and3A_350 = arith.andi %lt3A_341, %eq3A : vector<16xi1>
      %jit3A_351 = arith.constant 1 : i32
      %jit3A_352 = arith.constant 0 : i32
      %broadcast_in_dim3A_353 = vector.broadcast %jit3A_351 : i32 to vector<16xi32>
      %broadcast_in_dim3A_354 = vector.broadcast %jit3A_352 : i32 to vector<16xi32>
      %select_n3A_355 = arith.select %and3A_350, %broadcast_in_dim3A_353, %broadcast_in_dim3A_354 : vector<16xi1>, vector<16xi32>
      %broadcast_in_dim3A_356 = arith.constant true
      %broadcast_in_dim3A_357 = vector.broadcast %broadcast_in_dim3A_356 : i1 to vector<16xi1>
      %masked_cumsum3A = tpu.scan <sum>, %select_n3A_355 masked %broadcast_in_dim3A_357 : vector<16xi32>, vector<16xi1> -> vector<16xi32>
      %add3A_358 = arith.constant 16 : i32
      %add3A_359 = arith.addi %add3A_358, %while3A_335 : i32
      %add3A_360 = vector.broadcast %add3A_359 : i32 to vector<16xi32>
      %add3A_361 = arith.addi %add3A_360, %masked_cumsum3A : vector<16xi32>
      %sub3A_362 = arith.constant 1 : i32
      %sub3A_363 = vector.broadcast %sub3A_362 : i32 to vector<16xi32>
      %sub3A_364 = arith.subi %add3A_361, %sub3A_363 : vector<16xi32>
      tpu.vector_store_idx %arg8[%sub3A_364], %get3A_339 masked %and3A_350 : memref<18432xi32, #tpu.memory_space<vmem>>[vector<16xi32>], vector<16xi32>, vector<16xi1>
      %slice3A_365 = vector.extract_strided_slice %masked_cumsum3A {offsets = [15], sizes = [1], strides = [1]} : vector<16xi32> to vector<1xi32>
      %squeeze3A_366 = vector.extract %slice3A_365[0] : i32 from vector<1xi32>
      %add3A_367 = arith.addi %while3A_335, %squeeze3A_366 : i32
      scf.yield %add3A_367 : i32
    }
    %while3A_244 = arith.constant 1 : i32
    %while3A_245 = scf.for %while3A_334 = %while3A_241 to %while3A_237 step %while3A_244 iter_args(%while3A_335 = %while3A_243) -> (i32)  : i32 {
      %mul3A_336 = arith.constant 16 : i32
      %mul3A_337 = arith.muli %while3A_334, %mul3A_336 : i32
      %get3A_338 = arith.index_cast %mul3A_337 : i32 to index
      %get3A_339 = tpu.vector_load %arg7[%get3A_338] {strides = array<i32>} : memref<16400xi32, #tpu.memory_space<vmem>>, vector<16xi32>,
      %sub3A_340 = arith.subi %scan3A_193, %mul3A_337 : i32
      %lt3A = vector.broadcast %sub3A_340 : i32 to vector<16xi32>
      %lt3A_341 = arith.cmpi slt, %iota3A, %lt3A : vector<16xi32>
      %shift_right_logical3A = arith.constant 14 : i32
      %shift_right_logical3A_342 = vector.broadcast %shift_right_logical3A : i32 to vector<16xi32>
      %shift_right_logical3A_343 = arith.shrui %get3A_339, %shift_right_logical3A_342 : vector<16xi32>
      %jit3A_344 = arith.constant 0 : i32
      %broadcast_in_dim3A_345 = vector.broadcast %jit3A_344 : i32 to vector<16xi32>
      %select_n3A_346 = arith.select %lt3A_341, %shift_right_logical3A_343, %broadcast_in_dim3A_345 : vector<16xi1>, vector<16xi32>
      %gather3A = tpu.vector_load_idx %arg9[%select_n3A_346] : memref<3141xi32, #tpu.memory_space<vmem>>[vector<16xi32>], vector<16xi32>,
      %and3A_347 = arith.constant 16383 : i32
      %and3A_348 = vector.broadcast %and3A_347 : i32 to vector<16xi32>
      %and3A_349 = arith.andi %get3A_339, %and3A_348 : vector<16xi32>
      %eq3A = arith.cmpi eq, %gather3A, %and3A_349 : vector<16xi32>
      %and3A_350 = arith.andi %lt3A_341, %eq3A : vector<16xi1>
      %jit3A_351 = arith.constant 1 : i32
      %jit3A_352 = arith.constant 0 : i32
      %broadcast_in_dim3A_353 = vector.broadcast %jit3A_351 : i32 to vector<16xi32>
      %broadcast_in_dim3A_354 = vector.broadcast %jit3A_352 : i32 to vector<16xi32>
      %select_n3A_355 = arith.select %and3A_350, %broadcast_in_dim3A_353, %broadcast_in_dim3A_354 : vector<16xi1>, vector<16xi32>
      %broadcast_in_dim3A_356 = arith.constant true
      %broadcast_in_dim3A_357 = vector.broadcast %broadcast_in_dim3A_356 : i1 to vector<16xi1>
      %masked_cumsum3A = tpu.scan <sum>, %select_n3A_355 masked %broadcast_in_dim3A_357 : vector<16xi32>, vector<16xi1> -> vector<16xi32>
      %add3A_358 = arith.constant 16 : i32
      %add3A_359 = arith.addi %add3A_358, %while3A_335 : i32
      %add3A_360 = vector.broadcast %add3A_359 : i32 to vector<16xi32>
      %add3A_361 = arith.addi %add3A_360, %masked_cumsum3A : vector<16xi32>
      %sub3A_362 = arith.constant 1 : i32
      %sub3A_363 = vector.broadcast %sub3A_362 : i32 to vector<16xi32>
      %sub3A_364 = arith.subi %add3A_361, %sub3A_363 : vector<16xi32>
      tpu.vector_store_idx %arg8[%sub3A_364], %get3A_339 masked %and3A_350 : memref<18432xi32, #tpu.memory_space<vmem>>[vector<16xi32>], vector<16xi32>, vector<16xi1>
      %slice3A_365 = vector.extract_strided_slice %masked_cumsum3A {offsets = [15], sizes = [1], strides = [1]} : vector<16xi32> to vector<1xi32>
      %squeeze3A_366 = vector.extract %slice3A_365[0] : i32 from vector<1xi32>
      %add3A_367 = arith.addi %while3A_335, %squeeze3A_366 : i32
      scf.yield %add3A_367 : i32
    }
    %broadcast_in_dim3A = vector.broadcast %while3A_245 : i32 to vector<16xi32>
    %swap3A = arith.constant 0 : index
    %swap3A_246 = tpu.vector_load %arg8[%swap3A] {strides = array<i32>} : memref<18432xi32, #tpu.memory_space<vmem>>, vector<16xi32>,
    tpu.vector_store %arg8[%swap3A], %broadcast_in_dim3A {strides = array<i32>} : memref<18432xi32, #tpu.memory_space<vmem>>, vector<16xi32>,
    %get3A = arith.constant 16 : index
    %get3A_247 = tpu.vector_load %arg8[%get3A] {strides = array<i32>} : memref<18432xi32, #tpu.memory_space<vmem>>, vector<16xi32>,
    %slice3A = vector.extract_strided_slice %get3A_247 {offsets = [0], sizes = [1], strides = [1]} : vector<16xi32> to vector<1xi32>
    %squeeze3A = vector.extract %slice3A[0] : i32 from vector<1xi32>
    %broadcast_in_dim3A_248 = vector.broadcast %squeeze3A : i32 to vector<16xi32>
    %scan3A_249 = arith.constant 0 : i32
    %scan3A_250 = arith.constant 0 : i32
    %scan3A_251 = arith.constant 16 : i32
    %scan3A_252 = arith.addi %scan3A_250, %scan3A_251 : i32
    %scan3A_253 = arith.constant 1 : i32
    %scan3A_254 = scf.for %scan3A_334 = %scan3A_250 to %scan3A_252 step %scan3A_253 iter_args(%scan3A_335 = %scan3A_249) -> (i32)  : i32 {
      %add3A_336 = arith.constant 16 : i32
      %add3A_337 = arith.addi %add3A_336, %while3A_245 : i32
      %mul3A_338 = arith.constant 16 : i32
      %mul3A_339 = arith.muli %scan3A_334, %mul3A_338 : i32
      %add3A_340 = arith.addi %add3A_337, %mul3A_339 : i32
      %swap3A_341 = arith.index_cast %add3A_340 : i32 to index
      %swap3A_342 = tpu.vector_load %arg8[%swap3A_341] {strides = array<i32>} : memref<18432xi32, #tpu.memory_space<vmem>>, vector<16xi32>,
      tpu.vector_store %arg8[%swap3A_341], %broadcast_in_dim3A_248 {strides = array<i32>} : memref<18432xi32, #tpu.memory_space<vmem>>, vector<16xi32>,
      %scan3A_343 = arith.constant 0 : i32
      scf.yield %scan3A_343 : i32
    }
    %scan3A_255 = arith.constant 16 : i32
    %add3A_256 = arith.constant 256 : i32
    %add3A_257 = arith.addi %while3A_245, %add3A_256 : i32
    %sub3A_258 = arith.constant 1 : i32
    %sub3A_259 = arith.subi %add3A_257, %sub3A_258 : i32
    %jit3A_260 = arith.constant 256 : i32
    %div3A_261 = arith.divsi %sub3A_259, %jit3A_260 : i32
    %sign3A_262 = arith.constant 0 : i32
    %sign3A_263 = arith.cmpi sgt, %sub3A_259, %sign3A_262 : i32
    %sign3A_264 = arith.extui %sign3A_263 : i1 to i32
    %sign3A_265 = arith.constant 0 : i32
    %sign3A_266 = arith.cmpi slt, %sub3A_259, %sign3A_265 : i32
    %sign3A_267 = arith.extui %sign3A_266 : i1 to i32
    %sign3A_268 = arith.subi %sign3A_264, %sign3A_267 : i32
    %sign3A_269 = arith.constant 0 : i32
    %sign3A_270 = arith.cmpi sgt, %jit3A_260, %sign3A_269 : i32
    %sign3A_271 = arith.extui %sign3A_270 : i1 to i32
    %sign3A_272 = arith.constant 0 : i32
    %sign3A_273 = arith.cmpi slt, %jit3A_260, %sign3A_272 : i32
    %sign3A_274 = arith.extui %sign3A_273 : i1 to i32
    %sign3A_275 = arith.subi %sign3A_271, %sign3A_274 : i32
    %ne3A_276 = arith.cmpi ne, %sign3A_268, %sign3A_275 : i32
    %rem3A_277 = arith.remsi %sub3A_259, %jit3A_260 : i32
    %ne3A_278 = arith.constant 0 : i32
    %ne3A_279 = arith.cmpi ne, %rem3A_277, %ne3A_278 : i32
    %and3A_280 = arith.andi %ne3A_276, %ne3A_279 : i1
    %sub3A_281 = arith.constant 1 : i32
    %sub3A_282 = arith.subi %div3A_261, %sub3A_281 : i32
    %select_n3A_283 = arith.select %and3A_280, %sub3A_282, %div3A_261 : i32
    %mul3A_284 = arith.constant 256 : i32
    %mul3A_285 = arith.muli %select_n3A_283, %mul3A_284 : i32
    %add3A_286 = arith.constant 16 : i32
    %add3A_287 = arith.addi %add3A_286, %mul3A_285 : i32
    %add3A_288 = arith.constant 2047 : i32
    %add3A_289 = arith.addi %add3A_287, %add3A_288 : i32
    %jit3A_290 = arith.constant 2048 : i32
    %div3A_291 = arith.divsi %add3A_289, %jit3A_290 : i32
    %sign3A_292 = arith.constant 0 : i32
    %sign3A_293 = arith.cmpi sgt, %add3A_289, %sign3A_292 : i32
    %sign3A_294 = arith.extui %sign3A_293 : i1 to i32
    %sign3A_295 = arith.constant 0 : i32
    %sign3A_296 = arith.cmpi slt, %add3A_289, %sign3A_295 : i32
    %sign3A_297 = arith.extui %sign3A_296 : i1 to i32
    %sign3A_298 = arith.subi %sign3A_294, %sign3A_297 : i32
    %sign3A_299 = arith.constant 0 : i32
    %sign3A_300 = arith.cmpi sgt, %jit3A_290, %sign3A_299 : i32
    %sign3A_301 = arith.extui %sign3A_300 : i1 to i32
    %sign3A_302 = arith.constant 0 : i32
    %sign3A_303 = arith.cmpi slt, %jit3A_290, %sign3A_302 : i32
    %sign3A_304 = arith.extui %sign3A_303 : i1 to i32
    %sign3A_305 = arith.subi %sign3A_301, %sign3A_304 : i32
    %ne3A_306 = arith.cmpi ne, %sign3A_298, %sign3A_305 : i32
    %rem3A_307 = arith.remsi %add3A_289, %jit3A_290 : i32
    %ne3A_308 = arith.constant 0 : i32
    %ne3A_309 = arith.cmpi ne, %rem3A_307, %ne3A_308 : i32
    %and3A_310 = arith.andi %ne3A_306, %ne3A_309 : i1
    %sub3A_311 = arith.constant 1 : i32
    %sub3A_312 = arith.subi %div3A_291, %sub3A_311 : i32
    %select_n3A_313 = arith.select %and3A_310, %sub3A_312, %div3A_291 : i32
    %while3A_314 = arith.constant 0 : i32
    %while3A_315 = arith.constant 0 : i32
    %while3A_316 = arith.subi %select_n3A_313, %while3A_314 : i32
    %while3A_317 = arith.addi %while3A_314, %while3A_316 : i32
    %while3A_318 = arith.constant 1 : i32
    %while3A_319 = arith.divsi %while3A_316, %while3A_318 : i32
    %while3A_320 = arith.muli %while3A_319, %while3A_318 : i32
    %while3A_321 = arith.addi %while3A_314, %while3A_320 : i32
    %while3A_322 = arith.constant 1 : i32
    %while3A_323 = scf.for %while3A_334 = %while3A_314 to %while3A_321 step %while3A_322 iter_args(%while3A_335 = %while3A_315) -> (i32)  : i32 {
      %mul3A_336 = arith.constant 2048 : i32
      %mul3A_337 = arith.muli %while3A_334, %mul3A_336 : i32
      %mul3A_338 = arith.constant 18432 : i32
      %mul3A_339 = arith.muli %add3A, %mul3A_338 : i32
      %mul3A_340 = arith.constant 2048 : i32
      %mul3A_341 = arith.muli %while3A_334, %mul3A_340 : i32
      %add3A_342 = arith.addi %mul3A_339, %mul3A_341 : i32
      "tpu.region"() ({
        %run_scoped3A = tpu.sem_alloc : memref<!tpu.dma_semaphore, #tpu.memory_space<semaphore_mem>>
        %dma_start3A_344 = tpu.memref_slice %arg8[%mul3A_337] : memref<18432xi32, #tpu.memory_space<vmem>> -> memref<2048xi32, #tpu.memory_space<vmem>>
        %dma_start3A_345 = tpu.memref_slice %arg5[%add3A_342] : memref<589824xi32, #tpu.memory_space<hbm>> -> memref<2048xi32, #tpu.memory_space<hbm>>
        %dma_start3A_346 = tpu.memref_slice %arg5[%add3A_342] : memref<589824xi32, #tpu.memory_space<hbm>> -> memref<2048xi32, #tpu.memory_space<hbm>>
        %dma_start3A_347 = tpu.memref_slice %arg8[%mul3A_337] : memref<18432xi32, #tpu.memory_space<vmem>> -> memref<2048xi32, #tpu.memory_space<vmem>>
        tpu.enqueue_dma source(%dma_start3A_347 : memref<2048xi32, #tpu.memory_space<vmem>>) target(%dma_start3A_346 : memref<2048xi32, #tpu.memory_space<hbm>>) target_semaphore(%run_scoped3A : memref<!tpu.dma_semaphore, #tpu.memory_space<semaphore_mem>>)
        %dma_wait3A_348 = tpu.memref_slice %arg8[%mul3A_337] : memref<18432xi32, #tpu.memory_space<vmem>> -> memref<2048xi32, #tpu.memory_space<vmem>>
        %dma_wait3A_349 = tpu.memref_slice %arg5[%add3A_342] : memref<589824xi32, #tpu.memory_space<hbm>> -> memref<2048xi32, #tpu.memory_space<hbm>>
        %dma_wait3A_350 = tpu.memref_slice %arg5[%add3A_342] : memref<589824xi32, #tpu.memory_space<hbm>> -> memref<2048xi32, #tpu.memory_space<hbm>>
        %dma_wait3A_351 = tpu.memref_slice %arg8[%mul3A_337] : memref<18432xi32, #tpu.memory_space<vmem>> -> memref<2048xi32, #tpu.memory_space<vmem>>
        tpu.wait_dma2 semaphore(%run_scoped3A : memref<!tpu.dma_semaphore, #tpu.memory_space<semaphore_mem>>) src(%dma_wait3A_351 : memref<2048xi32, #tpu.memory_space<vmem>>) dst(%dma_wait3A_350 : memref<2048xi32, #tpu.memory_space<hbm>>)
        tpu.yield
      }) : () -> ()
      %while3A_343 = arith.constant 0 : i32
      scf.yield %while3A_343 : i32
    }
    %while3A_324 = arith.constant 1 : i32
    %while3A_325 = scf.for %while3A_334 = %while3A_321 to %while3A_317 step %while3A_324 iter_args(%while3A_335 = %while3A_323) -> (i32)  : i32 {
      %mul3A_336 = arith.constant 2048 : i32
      %mul3A_337 = arith.muli %while3A_334, %mul3A_336 : i32
      %mul3A_338 = arith.constant 18432 : i32
      %mul3A_339 = arith.muli %add3A, %mul3A_338 : i32
      %mul3A_340 = arith.constant 2048 : i32
      %mul3A_341 = arith.muli %while3A_334, %mul3A_340 : i32
      %add3A_342 = arith.addi %mul3A_339, %mul3A_341 : i32
      "tpu.region"() ({
        %run_scoped3A = tpu.sem_alloc : memref<!tpu.dma_semaphore, #tpu.memory_space<semaphore_mem>>
        %dma_start3A_344 = tpu.memref_slice %arg8[%mul3A_337] : memref<18432xi32, #tpu.memory_space<vmem>> -> memref<2048xi32, #tpu.memory_space<vmem>>
        %dma_start3A_345 = tpu.memref_slice %arg5[%add3A_342] : memref<589824xi32, #tpu.memory_space<hbm>> -> memref<2048xi32, #tpu.memory_space<hbm>>
        %dma_start3A_346 = tpu.memref_slice %arg5[%add3A_342] : memref<589824xi32, #tpu.memory_space<hbm>> -> memref<2048xi32, #tpu.memory_space<hbm>>
        %dma_start3A_347 = tpu.memref_slice %arg8[%mul3A_337] : memref<18432xi32, #tpu.memory_space<vmem>> -> memref<2048xi32, #tpu.memory_space<vmem>>
        tpu.enqueue_dma source(%dma_start3A_347 : memref<2048xi32, #tpu.memory_space<vmem>>) target(%dma_start3A_346 : memref<2048xi32, #tpu.memory_space<hbm>>) target_semaphore(%run_scoped3A : memref<!tpu.dma_semaphore, #tpu.memory_space<semaphore_mem>>)
        %dma_wait3A_348 = tpu.memref_slice %arg8[%mul3A_337] : memref<18432xi32, #tpu.memory_space<vmem>> -> memref<2048xi32, #tpu.memory_space<vmem>>
        %dma_wait3A_349 = tpu.memref_slice %arg5[%add3A_342] : memref<589824xi32, #tpu.memory_space<hbm>> -> memref<2048xi32, #tpu.memory_space<hbm>>
        %dma_wait3A_350 = tpu.memref_slice %arg5[%add3A_342] : memref<589824xi32, #tpu.memory_space<hbm>> -> memref<2048xi32, #tpu.memory_space<hbm>>
        %dma_wait3A_351 = tpu.memref_slice %arg8[%mul3A_337] : memref<18432xi32, #tpu.memory_space<vmem>> -> memref<2048xi32, #tpu.memory_space<vmem>>
        tpu.wait_dma2 semaphore(%run_scoped3A : memref<!tpu.dma_semaphore, #tpu.memory_space<semaphore_mem>>) src(%dma_wait3A_351 : memref<2048xi32, #tpu.memory_space<vmem>>) dst(%dma_wait3A_350 : memref<2048xi32, #tpu.memory_space<hbm>>)
        tpu.yield
      }) : () -> ()
      %while3A_343 = arith.constant 0 : i32
      scf.yield %while3A_343 : i32
    }
    %dma_wait3A_326 = arith.constant 0 : i32
    %dma_wait3A_327 = tpu.memref_slice %arg4[%add3A_174, %dma_wait3A_326] : memref<16384x256xf32, #tpu.memory_space<hbm>> -> memref<64x256xf32, #tpu.memory_space<hbm>>
    %dma_wait3A_328 = arith.constant 0 : i32
    %dma_wait3A_329 = tpu.memref_slice %arg4[%add3A_174, %dma_wait3A_328] : memref<16384x256xf32, #tpu.memory_space<hbm>> -> memref<64x256xf32, #tpu.memory_space<hbm>>
    tpu.wait_dma2 semaphore(%arg13 : memref<!tpu.dma_semaphore, #tpu.memory_space<semaphore_mem>>) src(%arg10 : memref<64x256xf32, #tpu.memory_space<vmem>>) dst(%dma_wait3A_329 : memref<64x256xf32, #tpu.memory_space<hbm>>)
    %dma_wait3A_330 = arith.constant 0 : i32
    %dma_wait3A_331 = tpu.memref_slice %arg4[%add3A_200, %dma_wait3A_330] : memref<16384x256xf32, #tpu.memory_space<hbm>> -> memref<64x256xf32, #tpu.memory_space<hbm>>
    %dma_wait3A_332 = arith.constant 0 : i32
    %dma_wait3A_333 = tpu.memref_slice %arg4[%add3A_200, %dma_wait3A_332] : memref<16384x256xf32, #tpu.memory_space<hbm>> -> memref<64x256xf32, #tpu.memory_space<hbm>>
    tpu.wait_dma2 semaphore(%arg13 : memref<!tpu.dma_semaphore, #tpu.memory_space<semaphore_mem>>) src(%arg11 : memref<64x256xf32, #tpu.memory_space<vmem>>) dst(%dma_wait3A_333 : memref<64x256xf32, #tpu.memory_space<hbm>>)
    return
  }
}

module attributes {stable_mosaic.version = 14 : i64} {
  func.func @_tc_body(%arg0: i32, %arg1: memref<512x1024xf32, #tpu.memory_space<vmem>>, %arg2: memref<512x256xf32, #tpu.memory_space<vmem>>, %arg3: memref<3200x256xf32, #tpu.memory_space<vmem>>, %arg4: memref<1024x512xf32, #tpu.memory_space<vmem>>, %arg5: memref<1x512xf32, #tpu.memory_space<vmem>>, %arg6: memref<512x100xf32, #tpu.memory_space<vmem>>, %arg7: memref<1x100xf32, #tpu.memory_space<vmem>>, %arg8: memref<100x768xf32, #tpu.memory_space<vmem>>, %arg9: memref<256x768xf32, #tpu.memory_space<vmem>>, %arg10: memref<1x768xf32, #tpu.memory_space<vmem>>, %arg11: memref<1x768xf32, #tpu.memory_space<vmem>>, %arg12: memref<3200x256xf32, #tpu.memory_space<vmem>>, %arg13: memref<512x256xf32, #tpu.memory_space<vmem>>) attributes {dimension_semantics = [#tpu.dimension_semantics<arbitrary>], iteration_bounds = array<i64: 32>, scalar_prefetch = 0 : i64, scratch_operands = 0 : i64, tpu.core_type = #tpu.core_type<tc>, window_params = [{transform_indices = @transform_0, window_bounds = array<i64: 512, 1024>}, {transform_indices = @transform_1, window_bounds = array<i64: 512, 256>}, {transform_indices = @transform_2, window_bounds = array<i64: 3200, 256>}, {pipeline_mode = #tpu.pipeline_mode<synchronous>, transform_indices = @transform_3, window_bounds = array<i64: 1024, 512>}, {pipeline_mode = #tpu.pipeline_mode<synchronous>, transform_indices = @transform_4, window_bounds = array<i64: 1, 512>}, {pipeline_mode = #tpu.pipeline_mode<synchronous>, transform_indices = @transform_5, window_bounds = array<i64: 512, 100>}, {pipeline_mode = #tpu.pipeline_mode<synchronous>, transform_indices = @transform_6, window_bounds = array<i64: 1, 100>}, {pipeline_mode = #tpu.pipeline_mode<synchronous>, transform_indices = @transform_7, window_bounds = array<i64: 100, 768>}, {pipeline_mode = #tpu.pipeline_mode<synchronous>, transform_indices = @transform_8, window_bounds = array<i64: 256, 768>}, {pipeline_mode = #tpu.pipeline_mode<synchronous>, transform_indices = @transform_9, window_bounds = array<i64: 1, 768>}, {pipeline_mode = #tpu.pipeline_mode<synchronous>, transform_indices = @transform_10, window_bounds = array<i64: 1, 768>}, {transform_indices = @transform_11, window_bounds = array<i64: 3200, 256>}, {transform_indices = @transform_12, window_bounds = array<i64: 512, 256>}]} {
    %get3A = arith.constant 0 : index
    %get3A_0 = arith.constant 0 : index
    %get3A_1 = vector.load %arg3[%get3A, %get3A_0] : memref<3200x256xf32, #tpu.memory_space<vmem>>, vector<3200x256xf32>
    %swap3A = arith.constant 0 : index
    %swap3A_2 = arith.constant 0 : index
    %swap3A_3 = vector.load %arg12[%swap3A, %swap3A_2] : memref<3200x256xf32, #tpu.memory_space<vmem>>, vector<3200x256xf32>
    tpu.vector_store %arg12[%swap3A, %swap3A_2], %get3A_1 {strides = array<i32>} : memref<3200x256xf32, #tpu.memory_space<vmem>>, vector<3200x256xf32>,
    %get3A_4 = arith.constant 0 : index
    %get3A_5 = arith.constant 0 : index
    %get3A_6 = vector.load %arg1[%get3A_4, %get3A_5] : memref<512x1024xf32, #tpu.memory_space<vmem>>, vector<512x1024xf32>
    %convert_element_type3A = arith.truncf %get3A_6 : vector<512x1024xf32> to vector<512x1024xbf16>
    %get3A_7 = arith.constant 0 : index
    %get3A_8 = arith.constant 0 : index
    %get3A_9 = vector.load %arg4[%get3A_7, %get3A_8] : memref<1024x512xf32, #tpu.memory_space<vmem>>, vector<1024x512xf32>
    %convert_element_type3A_10 = arith.truncf %get3A_9 : vector<1024x512xf32> to vector<1024x512xbf16>
    %dot_general3A = arith.constant dense<0.000000e+00> : vector<512x512xf32>
    %dot_general3A_11 = tpu.matmul %convert_element_type3A, %convert_element_type3A_10, %dot_general3A {dimension_numbers = #tpu.dot_dimension_numbers<[1], [0], [0], [1], [0, 0, 1, 1], [], []>, transpose_lhs_hint = false} : vector<512x1024xbf16>, vector<1024x512xbf16>, vector<512x512xf32> -> vector<512x512xf32>
    %get3A_12 = arith.constant 0 : index
    %get3A_13 = arith.constant 0 : index
    %get3A_14 = vector.load %arg5[%get3A_12, %get3A_13] : memref<1x512xf32, #tpu.memory_space<vmem>>, vector<1x512xf32>
    %add3A = vector.broadcast %get3A_14 : vector<1x512xf32> to vector<512x512xf32>
    %add3A_15 = arith.addf %dot_general3A_11, %add3A : vector<512x512xf32>
    %max3A = arith.constant 0.000000e+00 : f32
    %max3A_16 = vector.broadcast %max3A : f32 to vector<512x512xf32>
    %max3A_17 = arith.maximumf %add3A_15, %max3A_16 : vector<512x512xf32>
    %convert_element_type3A_18 = arith.truncf %max3A_17 : vector<512x512xf32> to vector<512x512xbf16>
    %get3A_19 = arith.constant 0 : index
    %get3A_20 = arith.constant 0 : index
    %get3A_21 = vector.load %arg6[%get3A_19, %get3A_20] : memref<512x100xf32, #tpu.memory_space<vmem>>, vector<512x100xf32>
    %convert_element_type3A_22 = arith.truncf %get3A_21 : vector<512x100xf32> to vector<512x100xbf16>
    %dot_general3A_23 = arith.constant dense<0.000000e+00> : vector<512x100xf32>
    %dot_general3A_24 = tpu.matmul %convert_element_type3A_18, %convert_element_type3A_22, %dot_general3A_23 {dimension_numbers = #tpu.dot_dimension_numbers<[1], [0], [0], [1], [0, 0, 1, 1], [], []>, transpose_lhs_hint = false} : vector<512x512xbf16>, vector<512x100xbf16>, vector<512x100xf32> -> vector<512x100xf32>
    %get3A_25 = arith.constant 0 : index
    %get3A_26 = arith.constant 0 : index
    %get3A_27 = vector.load %arg7[%get3A_25, %get3A_26] : memref<1x100xf32, #tpu.memory_space<vmem>>, vector<1x100xf32>
    %add3A_28 = vector.broadcast %get3A_27 : vector<1x100xf32> to vector<512x100xf32>
    %add3A_29 = arith.addf %dot_general3A_24, %add3A_28 : vector<512x100xf32>
    %convert_element_type3A_30 = arith.truncf %add3A_29 : vector<512x100xf32> to vector<512x100xbf16>
    %get3A_31 = arith.constant 0 : index
    %get3A_32 = arith.constant 0 : index
    %get3A_33 = vector.load %arg8[%get3A_31, %get3A_32] : memref<100x768xf32, #tpu.memory_space<vmem>>, vector<100x768xf32>
    %convert_element_type3A_34 = arith.truncf %get3A_33 : vector<100x768xf32> to vector<100x768xbf16>
    %dot_general3A_35 = arith.constant dense<0.000000e+00> : vector<512x768xf32>
    %dot_general3A_36 = tpu.matmul %convert_element_type3A_30, %convert_element_type3A_34, %dot_general3A_35 {dimension_numbers = #tpu.dot_dimension_numbers<[1], [0], [0], [1], [0, 0, 1, 1], [], []>, transpose_lhs_hint = false} : vector<512x100xbf16>, vector<100x768xbf16>, vector<512x768xf32> -> vector<512x768xf32>
    %get3A_37 = arith.constant 0 : index
    %get3A_38 = arith.constant 0 : index
    %get3A_39 = vector.load %arg10[%get3A_37, %get3A_38] : memref<1x768xf32, #tpu.memory_space<vmem>>, vector<1x768xf32>
    %add3A_40 = vector.broadcast %get3A_39 : vector<1x768xf32> to vector<512x768xf32>
    %add3A_41 = arith.addf %dot_general3A_36, %add3A_40 : vector<512x768xf32>
    %get3A_42 = arith.constant 0 : index
    %get3A_43 = arith.constant 0 : index
    %get3A_44 = vector.load %arg2[%get3A_42, %get3A_43] : memref<512x256xf32, #tpu.memory_space<vmem>>, vector<512x256xf32>
    %convert_element_type3A_45 = arith.truncf %get3A_44 : vector<512x256xf32> to vector<512x256xbf16>
    %get3A_46 = arith.constant 0 : index
    %get3A_47 = arith.constant 0 : index
    %get3A_48 = vector.load %arg9[%get3A_46, %get3A_47] : memref<256x768xf32, #tpu.memory_space<vmem>>, vector<256x768xf32>
    %convert_element_type3A_49 = arith.truncf %get3A_48 : vector<256x768xf32> to vector<256x768xbf16>
    %dot_general3A_50 = arith.constant dense<0.000000e+00> : vector<512x768xf32>
    %dot_general3A_51 = tpu.matmul %convert_element_type3A_45, %convert_element_type3A_49, %dot_general3A_50 {dimension_numbers = #tpu.dot_dimension_numbers<[1], [0], [0], [1], [0, 0, 1, 1], [], []>, transpose_lhs_hint = false} : vector<512x256xbf16>, vector<256x768xbf16>, vector<512x768xf32> -> vector<512x768xf32>
    %get3A_52 = arith.constant 0 : index
    %get3A_53 = arith.constant 0 : index
    %get3A_54 = vector.load %arg11[%get3A_52, %get3A_53] : memref<1x768xf32, #tpu.memory_space<vmem>>, vector<1x768xf32>
    %add3A_55 = vector.broadcast %get3A_54 : vector<1x768xf32> to vector<512x768xf32>
    %add3A_56 = arith.addf %dot_general3A_51, %add3A_55 : vector<512x768xf32>
    %slice3A = vector.extract_strided_slice %add3A_41 {offsets = [0, 0], sizes = [512, 256], strides = [1, 1]} : vector<512x768xf32> to vector<512x256xf32>
    %slice3A_57 = vector.extract_strided_slice %add3A_41 {offsets = [0, 256], sizes = [512, 256], strides = [1, 1]} : vector<512x768xf32> to vector<512x256xf32>
    %slice3A_58 = vector.extract_strided_slice %add3A_41 {offsets = [0, 512], sizes = [512, 256], strides = [1, 1]} : vector<512x768xf32> to vector<512x256xf32>
    %slice3A_59 = vector.extract_strided_slice %add3A_56 {offsets = [0, 0], sizes = [512, 256], strides = [1, 1]} : vector<512x768xf32> to vector<512x256xf32>
    %slice3A_60 = vector.extract_strided_slice %add3A_56 {offsets = [0, 256], sizes = [512, 256], strides = [1, 1]} : vector<512x768xf32> to vector<512x256xf32>
    %slice3A_61 = vector.extract_strided_slice %add3A_56 {offsets = [0, 512], sizes = [512, 256], strides = [1, 1]} : vector<512x768xf32> to vector<512x256xf32>
    %add3A_62 = arith.addf %slice3A, %slice3A_59 : vector<512x256xf32>
    %logistic3A = arith.negf %add3A_62 : vector<512x256xf32>
    %logistic3A_63 = math.exp %logistic3A : vector<512x256xf32>
    %logistic3A_64 = arith.constant 1.000000e+00 : f32
    %logistic3A_65 = vector.broadcast %logistic3A_64 : f32 to vector<512x256xf32>
    %logistic3A_66 = arith.addf %logistic3A_65, %logistic3A_63 : vector<512x256xf32>
    %logistic3A_67 = arith.divf %logistic3A_65, %logistic3A_66 : vector<512x256xf32>
    %add3A_68 = arith.addf %slice3A_57, %slice3A_60 : vector<512x256xf32>
    %logistic3A_69 = arith.negf %add3A_68 : vector<512x256xf32>
    %logistic3A_70 = math.exp %logistic3A_69 : vector<512x256xf32>
    %logistic3A_71 = arith.constant 1.000000e+00 : f32
    %logistic3A_72 = vector.broadcast %logistic3A_71 : f32 to vector<512x256xf32>
    %logistic3A_73 = arith.addf %logistic3A_72, %logistic3A_70 : vector<512x256xf32>
    %logistic3A_74 = arith.divf %logistic3A_72, %logistic3A_73 : vector<512x256xf32>
    %mul3A = arith.mulf %logistic3A_67, %slice3A_61 : vector<512x256xf32>
    %add3A_75 = arith.addf %slice3A_58, %mul3A : vector<512x256xf32>
    %tanh3A = math.tanh %add3A_75 : vector<512x256xf32>
    %sub3A = arith.constant 1.000000e+00 : f32
    %sub3A_76 = vector.broadcast %sub3A : f32 to vector<512x256xf32>
    %sub3A_77 = arith.subf %sub3A_76, %logistic3A_74 : vector<512x256xf32>
    %mul3A_78 = arith.mulf %sub3A_77, %tanh3A : vector<512x256xf32>
    %mul3A_79 = arith.mulf %logistic3A_74, %get3A_44 : vector<512x256xf32>
    %add3A_80 = arith.addf %mul3A_78, %mul3A_79 : vector<512x256xf32>
    %swap3A_81 = arith.constant 0 : index
    %swap3A_82 = arith.constant 0 : index
    %swap3A_83 = vector.load %arg13[%swap3A_81, %swap3A_82] : memref<512x256xf32, #tpu.memory_space<vmem>>, vector<512x256xf32>
    tpu.vector_store %arg13[%swap3A_81, %swap3A_82], %add3A_80 {strides = array<i32>} : memref<512x256xf32, #tpu.memory_space<vmem>>, vector<512x256xf32>,
    return
  }
  func.func @transform_0(%arg0: i32) -> (i32, i32) {
    %c0_i32 = arith.constant 0 : i32
    %c0_i32_0 = arith.constant 0 : i32
    return %arg0, %c0_i32 : i32, i32
  }
  func.func @transform_1(%arg0: i32) -> (i32, i32) {
    %c0_i32 = arith.constant 0 : i32
    %c0_i32_0 = arith.constant 0 : i32
    return %arg0, %c0_i32 : i32, i32
  }
  func.func @transform_2(%arg0: i32) -> (i32, i32) {
    %c0_i32 = arith.constant 0 : i32
    %c0_i32_0 = arith.constant 0 : i32
    return %arg0, %c0_i32 : i32, i32
  }
  func.func @transform_3(%arg0: i32) -> (i32, i32) {
    %c0_i32 = arith.constant 0 : i32
    %c0_i32_0 = arith.constant 0 : i32
    %c0_i32_1 = arith.constant 0 : i32
    return %c0_i32, %c0_i32_0 : i32, i32
  }
  func.func @transform_4(%arg0: i32) -> (i32, i32) {
    %c0_i32 = arith.constant 0 : i32
    %c0_i32_0 = arith.constant 0 : i32
    %c0_i32_1 = arith.constant 0 : i32
    return %c0_i32, %c0_i32_0 : i32, i32
  }
  func.func @transform_5(%arg0: i32) -> (i32, i32) {
    %c0_i32 = arith.constant 0 : i32
    %c0_i32_0 = arith.constant 0 : i32
    %c0_i32_1 = arith.constant 0 : i32
    return %c0_i32, %c0_i32_0 : i32, i32
  }
  func.func @transform_6(%arg0: i32) -> (i32, i32) {
    %c0_i32 = arith.constant 0 : i32
    %c0_i32_0 = arith.constant 0 : i32
    %c0_i32_1 = arith.constant 0 : i32
    return %c0_i32, %c0_i32_0 : i32, i32
  }
  func.func @transform_7(%arg0: i32) -> (i32, i32) {
    %c0_i32 = arith.constant 0 : i32
    %c0_i32_0 = arith.constant 0 : i32
    %c0_i32_1 = arith.constant 0 : i32
    return %c0_i32, %c0_i32_0 : i32, i32
  }
  func.func @transform_8(%arg0: i32) -> (i32, i32) {
    %c0_i32 = arith.constant 0 : i32
    %c0_i32_0 = arith.constant 0 : i32
    %c0_i32_1 = arith.constant 0 : i32
    return %c0_i32, %c0_i32_0 : i32, i32
  }
  func.func @transform_9(%arg0: i32) -> (i32, i32) {
    %c0_i32 = arith.constant 0 : i32
    %c0_i32_0 = arith.constant 0 : i32
    %c0_i32_1 = arith.constant 0 : i32
    return %c0_i32, %c0_i32_0 : i32, i32
  }
  func.func @transform_10(%arg0: i32) -> (i32, i32) {
    %c0_i32 = arith.constant 0 : i32
    %c0_i32_0 = arith.constant 0 : i32
    %c0_i32_1 = arith.constant 0 : i32
    return %c0_i32, %c0_i32_0 : i32, i32
  }
  func.func @transform_11(%arg0: i32) -> (i32, i32) {
    %c0_i32 = arith.constant 0 : i32
    %c0_i32_0 = arith.constant 0 : i32
    return %arg0, %c0_i32 : i32, i32
  }
  func.func @transform_12(%arg0: i32) -> (i32, i32) {
    %c0_i32 = arith.constant 0 : i32
    %c0_i32_0 = arith.constant 0 : i32
    return %arg0, %c0_i32 : i32, i32
  }
}

</mosaic_0001>

<sc_bundles>
// kernel: kernel.5.cloned.1.call-start
scs
__scs_entry_jumppad:
0x0: {  	(pc) =	sbr.rel $0x88, $3  }
0x1: {  	(tag) =	ssettag $0x0;
	lr =	simm.s32 $0x1  }
0x2: {  	[smem:$0x3F96] =	sst lr;
	_ =	strace $0xD0000000  }
0x3: {  	_ = 	snop  }
0x4: {  	_ = 	snop  }
0x5: {  	_ = 	snop  }
0x6: {  	_ = 	snop  }
0x7: {  	_ = 	snop  }
__scs_overlays_trampoline_lowered:
0x8: {  	[smem:$0x3FA5] =	sst s0  }
0x9: {  	[smem:$0x3FA6] =	sst s1  }
0xa: {  	[smem:$0x3FA7] =	sst s2  }
0xb: {  	[smem:$0x3FA8] =	sst s3  }
0xc: {  	[smem:$0x3FA9] =	sst s4  }
0xd: {  	[smem:$0x3FAA] =	sst s5  }
0xe: {  	[smem:$0x3FAB] =	sst s6  }
0xf: {  	[smem:$0x3FAC] =	sst s7  }
0x10: {  	[smem:$0x3FAD] =	sst s8  }
0x11: {  	[smem:$0x3FAE] =	sst s9;
	s0 =	simm.s32 @!p0 $0x0  }
0x12: {  	s1 =	sld [smem:$0x3F94];
	s0 =	simm.s32 @p0 $0x1  }
0x13: {  	[smem:$0x3FAF] =	sst s0;
	s0 =	simm.s32 @!p1 $0x0  }
0x14: {  	s2 =	sld [smem:$0x3F93];
	s0 =	simm.s32 @p1 $0x1  }
0x15: {  	[smem:$0x3FB0] =	sst s0;
	s0 =	simm.s32 @!p2 $0x0  }
0x16: {  	s3 =	sld [smem:$0x3FDB];
	s0 =	simm.s32 @p2 $0x1  }
0x17: {  	s4 =	simm.s32 $0x1BF5;
	[smem:$0x3FB2] =	sst s0  }
0x18: {  	s0 =	sld [smem:$0x3F95];
	_ =	swait.ge [sflag:s4], $0x0  }
0x19: {  	s7 =	sld [smem:$0x3F96]  }
0x1a: {  	s8 =	sadd.s32 $0xFFFFE003, lr  }
0x1b: {  	s9 =	sadd.s32 $0xFFFFFEF7, lr;
	s5 =	simm.s32 $0xFFFFFFFF;
	p2 =	slt.u32 s8, $0xFFFFF086  }
0x1c: {  	p1 =	slt.u32 s9, $0xF7A;
	s5 =	simm.s32 @!p2 $0x0  }
0x1d: {  	s5 =	simm.s32 @p1 $0x1;
	p0 =	seq.s32 s7, s2  }
0x1e: {  	s7 =	smul.u32 @!p0 $0xF7A, s2;
	p2 =	seq.s32 @!p0 s5, $0x0  }
0x1f: {  	s9 =	smul.u32 $0xF7A, s1;
	s8 =	simm.s32 @!p0 $0x1BF5;
	p2 =	por !p2, p0  }
0x20: {  	[sflag:s8] =	ssyncset.s32 @!p0 $0xFFFFF086;
	s6 =	sadd.s32 @!p0 s3, s7;
	s7 =	simm.s32 @!p0 $0x108  }
0x21: {  	s3 =	sadd.s32 s3, s9;
	s6 =	sadd.s32 @!p0 $0x88, s6;
	s7 =	simm.s32 @p2 $0x1082  }
0x22: {  	[simem:s7], [sflag:s8] =	dma.local @!p0 [hbm:s6], $0xF7A  }
0x23: {  	s9 =	sor.u32 $0xD0000000, s2;
	s6 =	simm.s32 $0x108;
	_ =	swait.ge @!p0 [sflag:s8], $0x0  }
0x24: {  	s3 =	sadd.s32 $0x88, s3;
	s6 =	simm.s32 @!p1 $0x1082;
	[sflag:s4] =	ssyncset.s32 $0xFFFFF086  }
0x25: {  	[simem:s6], [sflag:s4] =	dma.local [hbm:s3], $0xF7A  }
0x26: {  	[smem:$0x3F96] =	sst s1;
	(tag) =	ssettag s2;
	_ =	strace s9  }
0x27: {  	s1 =	sld [smem:$0x3FA6]  }
0x28: {  	s2 =	sld [smem:$0x3FA7]  }
0x29: {  	s4 =	sld [smem:$0x3FA9]  }
0x2a: {  	p0 =	seq.s32 s5, $0x0;
	s5 =	sld [smem:$0x3FAA]  }
0x2b: {  	s6 =	sld [smem:$0x3FAB]  }
0x2c: {  	s7 =	sld [smem:$0x3FAC]  }
0x2d: {  	s3 =	simm.s32 $0x108;
	s8 =	sld [smem:$0x3FAD]  }
0x2e: {  	s3 =	simm.s32 @!p0 $0x1082;
	s9 =	sld [smem:$0x3FAE]  }
0x2f: {  	lr =	sadd.s32 s0, s3;
	s0 =	sld [smem:$0x3FA5]  }
0x30: {  	s3 =	sld [smem:$0x3FA8]  }
0x31: {  	[smem:$0x3FB1] =	sst s10  }
0x32: {  	s10 =	sld [smem:$0x3FAF];
	_ =	sdelay $0x3  }
0x33: {  	p0 =	seq.s32 s10, $0x1;
	s10 =	sld [smem:$0x3FB1];
	_ =	sdelay $0x3  }
0x34: {  	[smem:$0x3FB1] =	sst s10  }
0x35: {  	s10 =	sld [smem:$0x3FB0];
	_ =	sdelay $0x3  }
0x36: {  	p1 =	seq.s32 s10, $0x1;
	s10 =	sld [smem:$0x3FB1];
	_ =	sdelay $0x3  }
0x37: {  	[smem:$0x3FB1] =	sst s10  }
0x38: {  	s10 =	sld [smem:$0x3FB2]  }
0x39: {  	_ = 	snop;
	(pc) =	sbr.ind lr, $3  }
0x3a: {  	_ = 	snop  }
0x3b: {  	_ = 	snop  }
0x3c: {  	p2 =	seq.s32 s10, $0x1;
	s10 =	sld [smem:$0x3FB1]  }
0x3d: {  	_ =	shalt  }
0x3e: {  	_ =	shalt  }
0x3f: {  	_ =	shalt  }
0x40: {  	_ =	shalt  }
0x41: {  	_ =	shalt  }
0x42: {  	_ =	shalt  }
0x43: {  	_ =	shalt  }
0x44: {  	_ =	shalt  }
0x45: {  	_ =	shalt  }
0x46: {  	_ =	shalt  }
0x47: {  	_ =	shalt  }
0x48: {  	_ =	shalt  }
0x49: {  	_ =	shalt  }
0x4a: {  	_ =	shalt  }
0x4b: {  	_ =	shalt  }
0x4c: {  	_ =	shalt  }
0x4d: {  	_ =	shalt  }
0x4e: {  	_ =	shalt  }
0x4f: {  	_ =	shalt  }
0x50: {  	_ =	shalt  }
0x51: {  	_ =	shalt  }
0x52: {  	_ =	shalt  }
0x53: {  	_ =	shalt  }
0x54: {  	_ =	shalt  }
0x55: {  	_ =	shalt  }
0x56: {  	_ =	shalt  }
0x57: {  	_ =	shalt  }
0x58: {  	_ =	shalt  }
0x59: {  	_ =	shalt  }
0x5a: {  	_ =	shalt  }
0x5b: {  	_ =	shalt  }
0x5c: {  	_ =	shalt  }
0x5d: {  	_ =	shalt  }
0x5e: {  	_ =	shalt  }
0x5f: {  	_ =	shalt  }
0x60: {  	_ =	shalt  }
0x61: {  	_ =	shalt  }
0x62: {  	_ =	shalt  }
0x63: {  	_ =	shalt  }
0x64: {  	_ =	shalt  }
0x65: {  	_ =	shalt  }
0x66: {  	_ =	shalt  }
0x67: {  	_ =	shalt  }
0x68: {  	_ =	shalt  }
0x69: {  	_ =	shalt  }
0x6a: {  	_ =	shalt  }
0x6b: {  	_ =	shalt  }
0x6c: {  	_ =	shalt  }
0x6d: {  	_ =	shalt  }
0x6e: {  	_ =	shalt  }
0x6f: {  	_ =	shalt  }
0x70: {  	_ =	shalt  }
0x71: {  	_ =	shalt  }
0x72: {  	_ =	shalt  }
0x73: {  	_ =	shalt  }
0x74: {  	_ =	shalt  }
0x75: {  	_ =	shalt  }
0x76: {  	_ =	shalt  }
0x77: {  	_ =	shalt  }
0x78: {  	_ =	shalt  }
0x79: {  	_ =	shalt  }
0x7a: {  	_ =	shalt  }
0x7b: {  	_ =	shalt  }
0x7c: {  	_ =	shalt  }
0x7d: {  	_ =	shalt  }
0x7e: {  	_ =	shalt  }
0x7f: {  	_ =	shalt  }
0x80: {  	_ =	shalt  }
0x81: {  	_ =	shalt  }
0x82: {  	_ =	shalt  }
0x83: {  	_ =	shalt  }
0x84: {  	_ =	shalt  }
0x85: {  	_ =	shalt  }
0x86: {  	_ =	shalt  }
0x87: {  	_ =	shalt  }
.Lfunc_end0:
.L_simem_size_0:
called_computation_lowered:
.L_overlay_start_0:
0x88: {  	s2 =	sld [smem:$0x3FD9]  }
0x89: {  	s3 =	sld [smem:$0x3FFE];
	_ =	sdelay $0x1  }
0x8a: {  	s1 =	srdreg.scid  }
0x8b: {  	s0 =	sand.u32 $0x1, s1  }
0x8c: {  	s17 =	sshll.u32 s0, $0xA;
	s2 =	sadd.s32 s3, s2  }
0x8d: {  	s2 =	sadd.s32 s2, s17  }
0x8e: {  	[smem:$0x3FBD] =	sst s2  }
0x8f: {  	_ = 	snop  }
0x90: {  	s2 =	sld [smem:$0x3FC9]  }
0x91: {  	s18 =	sld [smem:$0x3FC8];
	(tm) =	ssettm $0x1  }
0x92: {  	s4 =	sld [smem:$0x3FFB];
	_ =	sdelay $0x3  }
0x93: {  	_ =	strace s4  }
0x94: {  	s4 =	sld [smem:$0x3FFC];
	_ =	sdelay $0x3  }
0x95: {  	_ =	strace s4  }
0x96: {  	s4 =	sld [smem:$0x3FFD];
	_ =	sdelay $0x3  }
0x97: {  	_ =	strace s4  }
0x98: {  	_ =	strace $0x8FFFFFFF  }
0x99: {  	s19 =	sld [smem:$0x3FDB];
	_ =	sdelay $0x1  }
0x9a: {  	s5 =	simm.s32 $_scs_section_size  }
0x9b: {  	s6 =	simm.s32 $_size__tile_overlayer_lowered;
	s7 =	simm.s32 $_tile_overlayer_lowered  }
0x9c: {  	s22 =	simm.s32 $0x1BFF;
	s21 =	sshll.u32 s7, $0x1;
	s4 =	sadd.s32 s5, s19  }
0x9d: {  	s8 =	simm.s32 $0x0;
	s20 =	sshll.u32 s6, $0x1;
	s6 =	sadd.s32 s21, s4  }
0x9e: {  	[timem:s8], [sflag:s22] =	dma.local [hbm:s6], s20  }
0x9f: {  	_ =	swait.ge [sflag:s22], s20  }
0xa0: {  	s5 =	ssub.s32 $0x0, s20;
	[sflag:s22] =	ssyncset.done $0x0  }
0xa1: {  	[sflag:s22] =	ssyncadd.s32 s5;
	_ =	sdelay $0x1  }
0xa2: {  	s23 =	simm.s32 $0x1B8B  }
0xa3: {  	_ =	swait.ge [sflag:s23], $0x1  }
0xa4: {  	[sflag:s23] =	ssyncset.done $0x0  }
0xa5: {  	s25 =	simm.s32 $0x1B8E;
	s24 =	sld [smem:$0x3FFE];
	[sflag:s23] =	ssyncadd.s32 $0xFFFFFFFF  }
0xa6: {  	s26 =	simm.s32 $execute0_lowered;
	[smem:$0x3FD2] =	sst s25  }
0xa7: {  	s6 =	sshll.u32 s26, $0x1;
	_ =	strace $0x80000046;
	[dreg:$0x1] =	wrdreg $0xFFFFFFFF  }
0xa8: {  	s28 =	simm.s32 $_size_execute0_lowered;
	s4 =	sadd.s32 s4, s6;
	[dreg:$0x0] =	wrdreg $0x0  }
0xa9: {  	s6 =	sshll.u32 s28, $0x1;
	[dreg:$0x2] =	wrdreg s4  }
0xaa: {  	[dreg:$0x3] =	wrdreg s6  }
0xab: {  	[dreg:$0x4] =	wrdreg $0xC0  }
0xac: {  	_ =	task [dreg:s8], $0x5FFFF  }
0xad: {  	[dreg:$0x1] =	wrdreg $0xFFFFFFFF  }
0xae: {  	[dreg:$0x0] =	wrdreg $0x60  }
0xaf: {  	[dreg:$0x2] =	wrdreg s2  }
0xb0: {  	[dreg:$0x3] =	wrdreg s18  }
0xb1: {  	[dreg:$0x4] =	wrdreg s24  }
0xb2: {  	[dreg:$0x5] =	wrdreg $0x9  }
0xb3: {  	_ =	task.clear_ibuf [dreg:s8], $0x6FFFF;
	_ =	strace $0x90000046  }
0xb4: {  	s29 =	simm.s32 $0x9;
	_ =	strace $0x80000048  }
0xb5: {  	_ =	swait.ge [sflag:s29], $0x1  }
0xb6: {  	[sflag:s29] =	ssyncadd.s32 $0xFFFFFFFF  }
0xb7: {  	_ =	strace $0x90000048  }
0xb8: {  	_ =	sfence  }
0xb9: {  	s30 =	sld [smem:$0x0];
	_ =	sdelay $0x2  }
0xba: {  	s31 =	sshll.u32 s1, $0xD;
	s1 =	sshrl.u32 s1, $0x2  }
0xbb: {  	s3 =	sand.u32 $0x4000, s31;
	s1 =	sadd.s32 s1, s30  }
0xbc: {  	s0 =	sor.u32 s3, s0;
	s1 =	sshll.u32 s1, $0x11  }
0xbd: {  	s0 =	sor.u32 s1, s0  }
0xbe: {  	s0 =	sadd.s32 $0x8F2B, s0  }
0xbf: {  	[sflag:s0] =	ssyncadd.remote.s32 $0x1  }
0xc0: {  	_ =	sfence.sel $0xFFFF  }
0xc1: {  	[dreg:$0x0] =	wrdreg $0xFFFFFFFF;
	(pc) =	sbr.abs _section_cstart, $3  }
0xc2: {  	[dreg:$0x1] =	wrdreg $0xFFFFFFFF  }
0xc3: {  	_ =	task.clear_ibuf [dreg:s8], $0x2FFFF;
	_ =	strace $0x9FFFFFFF  }
0xc4: {  	(tm) =	ssettm $0x7FFFFFFF  }
0xc5: {  	_ =	shalt  }
tec
execute0_lowered:
.L_overlay_start_1:
0x0: {  	(tag) =	ssettag $0x1  }
0x1: {  	s1 =	rddreg [dreg:$0x0]  }
0x2: {  	s0 =	rddreg [dreg:$0x2]  }
0x3: {  	s2 =	srdreg.scid;
	s6 =	stileid.u32  }
0x4: {  	s4 =	simm.s32 $0x0;
	s31 =	simm.s32 $0xDD00;
	s14 =	simm.s32 $0x13500  }
0x5: {  	s2 =	sand.u32 $0x1, s2;
	s3 =	smul.u32 $0x9000, s6;
	[smem:$0x7FF] =	sst s4  }
0x6: {  	s7 =	sadd.s32 $0x2000, s0;
	s17 =	sshll.u32 s6, $0x1;
	s5 =	smul.u32 $0x4800, s2  }
0x7: {  	_ =	strace $0x80000047;
	s18 =	ssub.s32 $0x2, s2;
	s2 =	sor.u32 s2, s17  }
0x8: {  	s8 =	sshrl.u32 s18, $0x1;
	s12 =	smul.u32 $0xC35, s2;
	s3 =	sadd.s32 s5, s3  }
0x9: {  	s5 =	sshll.u32 s2, $0x9;
	s19 =	ssub.s32 s18, s8;
	s2 =	sshll.u32 s2, $0xE  }
0xa: {  	s18 =	simm.s32 $0x13D00;
	s3 =	sshrl.u32 s3, $0x3;
	s6 =	sor.u32 $0x40, s5  }
0xb: {  	s20 =	sadd.s32 $0xC35, s12;
	s2 =	sadd.s32 s7, s2;
	s10 =	sor.u32 $0xC0, s5  }
0xc: {  	s11 =	sor.u32 $0x100, s5;
	s15 =	sor.u32 $0x140, s5;
	s16 =	sor.u32 $0x180, s5  }
0xd: {  	s17 =	sor.u32 $0x1C0, s5;
	s30 =	smax.u32 s19, $0x1;
	s19 =	simm.s32 $0x14500  }
0xe: {  	s0 =	sadd.s32 s3, s0;
	s9 =	sshll.u32 s6, $0x5;
	[dreg:$0x4] =	wrdreg s2  }
0xf: {  	s23 =	sshll.u32 s10, $0x5;
	s13 =	sshll.u32 s11, $0x5;
	s25 =	sshll.u32 s15, $0x5  }
0x10: {  	v2 =	vimm.s32 $0x87654321;
	s26 =	sshll.u32 s16, $0x5;
	s28 =	sshll.u32 s17, $0x5;
	[dreg:$0xc] =	wrdreg s30  }
0x11: {  	v5 =	vunpack.c.l.s4.s8 v2;
	s3 =	simm.s32 $0x1;
	v2 =	vmov s20;
	s20 =	simm.s32 $0x14D00;
	s21 =	sadd.s32 s7, s9  }
0x12: {  	s9 =	sor.u32 $0x80, s5;
	s24 =	sadd.s32 s7, s13;
	[dreg:$0x5] =	wrdreg s21  }
0x13: {  	s29 =	sadd.s32 s7, s28;
	s0 =	sadd.s32 $0x82000, s0;
	[dreg:$0x8] =	wrdreg s24  }
0x14: {  	s13 =	simm.s32 $0x12D00;
	s22 =	sshll.u32 s9, $0x5;
	[dreg:$0xb] =	wrdreg s29  }
0x15: {  	v1 =	vimm.s32 $0xFFEDCBA9;
	[dreg:$0xd] =	wrdreg s0;
	s24 =	simm.s32 $0xD500;
	s21 =	simm.s32 $0x2  }
.Ltmp0:
0x16: {  	v4 =	vunpack.c.l.s4.s8 v1;
	s2 =	sadd.s32 s7, s22;
	s22 =	simm.s32 $0xC880;
	(pc) =	sbr.rel .LBB2_1-.Ltmp0, $4  }
0x17: {  	v0 =	vlaneseq.u32;
	vm0 =	vmmov $0xffff;
	vm1 =	vcmask $0x3F3C;
	[dreg:$0x6] =	wrdreg s2;
	s2 =	sadd.s32 s7, s23;
	s23 =	simm.s32 $0x3  }
0x18: {  	v6 =	vshrl.u32 v0, $0x3;
	v7 =	vunpack.c.0.s8.s32 v4;
	v8 =	vunpack.c.0.s8.s32 v5;
	[dreg:$0x7] =	wrdreg s2;
	s2 =	sadd.s32 s7, s25;
	s25 =	simm.s32 $0x8080  }
0x19: {  	v3 =	vand.u32 $0x7, v0;
	v4 =	vmul.u32 $0x8, v6;
	v5 =	vor.u32 $0x8, v0;
	[dreg:$0x9] =	wrdreg s2;
	s2 =	sadd.s32 s7, s26;
	s7 =	simm.s32 $0x11500  }
0x1a: {  	v6 =	vimm.s32 $0x0;
	v1 =	vmov s12;
	v7 =	vcombine.low v8, v7;
	s26 =	simm.s32 $0x0;
	[dreg:$0xa] =	wrdreg s2;
	s2 =	simm.s32 $0x4000  }
.LBB2_29:
0x1b: {  	[sflag:s23] =	ssyncadd.s32 $0xFFFFF800  }
.LBB2_30:
0x1c: {  	_ =	swait.ge [sflag:s21], $0x4000  }
0x1d: {  	[sflag:s21] =	ssyncset.done $0x0  }
0x1e: {  	[sflag:s21] =	ssyncadd.s32 $0xFFFFC000  }
0x1f: {  	_ =	swait.ge [sflag:s21], $0x4000  }
0x20: {  	s26 =	sadd.s32 $0x1, s26;
	s0 =	rddreg [dreg:$0xc]  }
0x21: {  	p0 =	sne.s32 s26, s0  }
.Ltmp1:
0x22: {  	_ = 	snop;
	(pc) =	sbr.rel @!p0 .LBB2_31-.Ltmp1, $3  }
0x23: {  	_ =	sdelay $0x1  }
0x24: {  	[sflag:s21] =	ssyncset.done $0x0  }
0x25: {  	[sflag:s21] =	ssyncadd.s32 $0xFFFFC000  }
.LBB2_1:
0x26: {  	s0 =	rddreg [dreg:$0x1]  }
0x27: {  	[tilespmem:s4], [sflag:$0x3] =	stream.linear.gather [hbm4b:s0+s4], $0x4000, $0x38;
	[tilespmem:$0x15500] =	vst v63  }
0x28: {  	_ =	swait.ge [sflag:s23], $0x4000  }
0x29: {  	[sflag:s23] =	ssyncset.done $0x0  }
0x2a: {  	[sflag:s23] =	ssyncadd.s32 $0xFFFFC000  }
0x2b: {  	v8 =	vld [tilespmem:s5+$0x0];
	_ =	sdelay $0x4  }
0x2c: {  	v9 =	vshll.u32 v8, $0x1  }
0x2d: {  	v8 =	vand.u32 $0x7, v8;
	v9 =	vand.u32 $0xFFFFFFF0, v9  }
0x2e: {  	v8 =	vor.u32 v8, v9  }
0x2f: {  	v9 =	vperm.xlane v8, v3;
	_ =	sdelay $0x1  }
0x30: {  	v8 =	vperm.xlane v8, v5;
	v9 =	vadd.s32 v4, v9;
	_ =	sdelay $0x1  }
0x31: {  	v8 =	vadd.s32 v4, v8;
	_ =	sdelay $0x2  }
0x32: {  	[tilespmem:s24], [sflag:$0x1] =	stream.indirect_vreg.gather [hbm4b:s1+s4], $0x80, v9, vm0, $0xb8;
	[tilespmem:$0x15500] =	vst v63  }
0x33: {  	_ = 	snop  }
0x34: {  	[tilespmem:s31], [sflag:$0x1] =	stream.indirect_vreg.gather [hbm4b:s1+s4], $0x80, v8, vm0, $0xb8;
	[tilespmem:$0x15500] =	vst v63  }
0x35: {  	v8 =	vld [tilespmem:s5+$0x10];
	_ =	sdelay $0x4  }
0x36: {  	v9 =	vshll.u32 v8, $0x1  }
0x37: {  	v8 =	vand.u32 $0x7, v8;
	v9 =	vand.u32 $0xFFFFFFF0, v9  }
0x38: {  	v8 =	vor.u32 v8, v9  }
0x39: {  	v9 =	vperm.xlane v8, v3;
	_ =	sdelay $0x1  }
0x3a: {  	v8 =	vperm.xlane v8, v5;
	v9 =	vadd.s32 v4, v9;
	_ =	sdelay $0x1  }
0x3b: {  	v8 =	vadd.s32 v4, v8;
	_ =	sdelay $0x1  }
0x3c: {  	s8 =	simm.s32 $0xE500  }
0x3d: {  	[tilespmem:s8], [sflag:$0x1] =	stream.indirect_vreg.gather [hbm4b:s1+s4], $0x80, v9, vm0, $0xb8;
	[tilespmem:$0x15500] =	vst v63  }
0x3e: {  	s12 =	simm.s32 $0xED00  }
0x3f: {  	[tilespmem:s12], [sflag:$0x1] =	stream.indirect_vreg.gather [hbm4b:s1+s4], $0x80, v8, vm0, $0xb8;
	[tilespmem:$0x15500] =	vst v63  }
0x40: {  	v8 =	vld [tilespmem:s5+$0x20];
	_ =	sdelay $0x4  }
0x41: {  	v9 =	vshll.u32 v8, $0x1  }
0x42: {  	v8 =	vand.u32 $0x7, v8;
	v9 =	vand.u32 $0xFFFFFFF0, v9  }
0x43: {  	v8 =	vor.u32 v8, v9  }
0x44: {  	v9 =	vperm.xlane v8, v3;
	_ =	sdelay $0x1  }
0x45: {  	v8 =	vperm.xlane v8, v5;
	v9 =	vadd.s32 v4, v9;
	_ =	sdelay $0x1  }
0x46: {  	v8 =	vadd.s32 v4, v8;
	_ =	sdelay $0x1  }
0x47: {  	s30 =	simm.s32 $0xF500  }
0x48: {  	[tilespmem:s30], [sflag:$0x1] =	stream.indirect_vreg.gather [hbm4b:s1+s4], $0x80, v9, vm0, $0xb8;
	[tilespmem:$0x15500] =	vst v63  }
0x49: {  	s8 =	simm.s32 $0xFD00  }
0x4a: {  	[tilespmem:s8], [sflag:$0x1] =	stream.indirect_vreg.gather [hbm4b:s1+s4], $0x80, v8, vm0, $0xb8;
	[tilespmem:$0x15500] =	vst v63  }
0x4b: {  	v8 =	vld [tilespmem:s5+$0x30];
	_ =	sdelay $0x4  }
0x4c: {  	v9 =	vshll.u32 v8, $0x1  }
0x4d: {  	v8 =	vand.u32 $0x7, v8;
	v9 =	vand.u32 $0xFFFFFFF0, v9  }
0x4e: {  	v8 =	vor.u32 v8, v9  }
0x4f: {  	v9 =	vperm.xlane v8, v3;
	_ =	sdelay $0x1  }
0x50: {  	v8 =	vperm.xlane v8, v5;
	v9 =	vadd.s32 v4, v9;
	_ =	sdelay $0x1  }
0x51: {  	v8 =	vadd.s32 v4, v8;
	_ =	sdelay $0x1  }
0x52: {  	s12 =	simm.s32 $0x10500  }
0x53: {  	[tilespmem:s12], [sflag:$0x1] =	stream.indirect_vreg.gather [hbm4b:s1+s4], $0x80, v9, vm0, $0xb8;
	[tilespmem:$0x15500] =	vst v63  }
0x54: {  	s30 =	simm.s32 $0x10D00  }
0x55: {  	[tilespmem:s30], [sflag:$0x1] =	stream.indirect_vreg.gather [hbm4b:s1+s4], $0x80, v8, vm0, $0xb8;
	[tilespmem:$0x15500] =	vst v63  }
0x56: {  	v8 =	vld [tilespmem:s4+$0x0];
	_ =	sdelay $0x4  }
0x57: {  	vm2 =	vge.s32 v8, v1;
	vm3 =	vlt.s32 v8, v2  }
0x58: {  	vm2 =	vmand vm2, vm3  }
0x59: {  	v9 =	vsel vm2, $0x1, v6  }
0x5a: {  	(xrf0) =	vadd.scan.msk.s32 $0xffff, v9;
	_ =	sdelay $0x2  }
0x5b: {  	v9 =	vmov s4  }
0x5c: {  	v9 =	vadd.s32 $0xFFFFFFFF, v9  }
0x5d: {  	v9 =	vbroadcast v9, $0x0  }
0x5e: {  	v10, _, _ =	vpop (xrf0)  }
0x5f: {  	v9 =	vadd.s32 v10, v9;
	(v2sf) =	vpush v10, $0xF  }
0x60: {  	v8 =	vsub.s32 v8, v1  }
0x61: {  	v8 =	vshll.u32 v8, $0xE  }
0x62: {  	v8 =	vadd.s32 s4, v8  }
0x63: {  	v8 =	vadd.s32 v0, v8  }
0x64: {  	s28 =	simm.s32 $0x10;
	[tilespmem:v9+s2+$0x0] =	vst.idx.msk vm2, v8  }
0x65: {  	s29 =	simm.s32 $0x10;
	s0 =	simm.s32 $0x0;
	s8 =	simm.s32 $0x20;
	v8 =	vld [tilespmem:s28+$0x0]  }
.LBB2_2:
0x66: {  	p0 =	sne.s32 s8, $0x7F0;
	_ =	sdelay $0x3  }
0x67: {  	vm2 =	vge.s32 v8, v1;
	vm3 =	vlt.s32 v8, v2;
	v8 =	vsub.s32 v8, v1  }
0x68: {  	vm2 =	vmand vm2, vm3  }
0x69: {  	v9 =	vsel vm2, $0x1, v6  }
0x6a: {  	(xrf0) =	vadd.scan.msk.s32 $0xffff, v9  }
0x6b: {  	s30 =	spop (v2sf)  }
0x6c: {  	s0 =	sadd.s32 s0, s30  }
0x6d: {  	v9 =	vmov s0  }
0x6e: {  	v9 =	vadd.s32 $0xFFFFFFFF, v9  }
0x6f: {  	v9 =	vbroadcast v9, $0x0  }
0x70: {  	v10, _, _ =	vpop (xrf0)  }
0x71: {  	v9 =	vadd.s32 v10, v9;
	(v2sf) =	vpush v10, $0xF;
	_ =	sdelay $0x1  }
.Ltmp2:
0x72: {  	v8 =	vshll.u32 v8, $0xE;
	(pc) =	sbr.rel @p0 .LBB2_2-.Ltmp2, $4  }
0x73: {  	v8 =	vadd.s32 s28, v8;
	s28 =	smov.u32 s8  }
0x74: {  	v8 =	vadd.s32 v0, v8  }
0x75: {  	s29 =	sadd.s32 $0x10, s29;
	[tilespmem:v9+s2+$0x0] =	vst.idx.msk vm2, v8  }
0x76: {  	s8 =	sadd.s32 $0x10, s8;
	v8 =	vld [tilespmem:s29+$0x0]  }
0x77: {  	_ =	sdelay $0x3  }
0x78: {  	vm2 =	vge.s32 v8, v1;
	vm3 =	vlt.s32 v8, v2  }
0x79: {  	vm2 =	vmand vm2, vm3  }
0x7a: {  	v9 =	vsel vm2, $0x1, v6  }
0x7b: {  	(xrf0) =	vadd.scan.msk.s32 $0xffff, v9;
	_ =	sdelay $0x5  }
0x7c: {  	v9, _, _ =	vpop (xrf0)  }
0x7d: {  	(v2sf) =	vpush v9, $0xF;
	_ =	sdelay $0x3  }
0x7e: {  	s8 =	spop (v2sf)  }
0x7f: {  	s0 =	sadd.s32 s0, s8  }
0x80: {  	v10 =	vmov s0  }
0x81: {  	v10 =	vadd.s32 $0xFFFFFFFF, v10  }
0x82: {  	v10 =	vbroadcast v10, $0x0;
	_ =	sdelay $0x1  }
0x83: {  	v9 =	vadd.s32 v9, v10  }
0x84: {  	v8 =	vsub.s32 v8, v1  }
0x85: {  	v8 =	vshll.u32 v8, $0xE  }
0x86: {  	v8 =	vadd.s32 s28, v8  }
0x87: {  	v8 =	vadd.s32 v0, v8  }
0x88: {  	[tilespmem:v9+s2+$0x0] =	vst.idx.msk vm2, v8;
	s30 =	spop (v2sf)  }
0x89: {  	_ =	swait.ge [sflag:s3], $0x4000  }
0x8a: {  	[sflag:s3] =	ssyncset.done $0x0  }
0x8b: {  	s12 =	rddreg [dreg:$0x4];
	[sflag:s3] =	ssyncadd.s32 $0xFFFFC000  }
0x8c: {  	[hbm4b:s12+s4] =	stream.linear.scatter [tilespmem:s24], [sflag:$0x2], $0x4000, $0x38;
	[tilespmem:$0x15500] =	vst v63  }
0x8d: {  	v8 =	vld [tilespmem:s6+$0x0];
	_ =	sdelay $0x4  }
0x8e: {  	v9 =	vshll.u32 v8, $0x1  }
0x8f: {  	v8 =	vand.u32 $0x7, v8;
	v9 =	vand.u32 $0xFFFFFFF0, v9  }
0x90: {  	v8 =	vor.u32 v8, v9  }
0x91: {  	v9 =	vperm.xlane v8, v3;
	_ =	sdelay $0x1  }
0x92: {  	v8 =	vperm.xlane v8, v5;
	v9 =	vadd.s32 v4, v9;
	_ =	sdelay $0x1  }
0x93: {  	v8 =	vadd.s32 v4, v8;
	_ =	sdelay $0x2  }
0x94: {  	[tilespmem:s7], [sflag:$0x1] =	stream.indirect_vreg.gather [hbm4b:s1+s4], $0x80, v9, vm0, $0xb8;
	[tilespmem:$0x15500] =	vst v63  }
0x95: {  	s12 =	simm.s32 $0x11D00  }
0x96: {  	[tilespmem:s12], [sflag:$0x1] =	stream.indirect_vreg.gather [hbm4b:s1+s4], $0x80, v8, vm0, $0xb8;
	[tilespmem:$0x15500] =	vst v63  }
0x97: {  	v8 =	vld [tilespmem:s6+$0x10];
	_ =	sdelay $0x4  }
0x98: {  	v9 =	vshll.u32 v8, $0x1  }
0x99: {  	v8 =	vand.u32 $0x7, v8;
	v9 =	vand.u32 $0xFFFFFFF0, v9  }
0x9a: {  	v8 =	vor.u32 v8, v9  }
0x9b: {  	v9 =	vperm.xlane v8, v3;
	_ =	sdelay $0x1  }
0x9c: {  	v8 =	vperm.xlane v8, v5;
	v9 =	vadd.s32 v4, v9;
	_ =	sdelay $0x1  }
0x9d: {  	v8 =	vadd.s32 v4, v8;
	_ =	sdelay $0x1  }
0x9e: {  	s28 =	simm.s32 $0x12500  }
0x9f: {  	[tilespmem:s28], [sflag:$0x1] =	stream.indirect_vreg.gather [hbm4b:s1+s4], $0x80, v9, vm0, $0xb8;
	[tilespmem:$0x15500] =	vst v63  }
0xa0: {  	_ = 	snop  }
0xa1: {  	[tilespmem:s13], [sflag:$0x1] =	stream.indirect_vreg.gather [hbm4b:s1+s4], $0x80, v8, vm0, $0xb8;
	[tilespmem:$0x15500] =	vst v63  }
0xa2: {  	v8 =	vld [tilespmem:s6+$0x20];
	_ =	sdelay $0x4  }
0xa3: {  	v9 =	vshll.u32 v8, $0x1  }
0xa4: {  	v8 =	vand.u32 $0x7, v8;
	v9 =	vand.u32 $0xFFFFFFF0, v9  }
0xa5: {  	v8 =	vor.u32 v8, v9  }
0xa6: {  	v9 =	vperm.xlane v8, v3;
	_ =	sdelay $0x1  }
0xa7: {  	v8 =	vperm.xlane v8, v5;
	v9 =	vadd.s32 v4, v9;
	_ =	sdelay $0x1  }
0xa8: {  	v8 =	vadd.s32 v4, v8;
	_ =	sdelay $0x2  }
0xa9: {  	[tilespmem:s14], [sflag:$0x1] =	stream.indirect_vreg.gather [hbm4b:s1+s4], $0x80, v9, vm0, $0xb8;
	[tilespmem:$0x15500] =	vst v63  }
0xaa: {  	_ = 	snop  }
0xab: {  	[tilespmem:s18], [sflag:$0x1] =	stream.indirect_vreg.gather [hbm4b:s1+s4], $0x80, v8, vm0, $0xb8;
	[tilespmem:$0x15500] =	vst v63  }
0xac: {  	v8 =	vld [tilespmem:s6+$0x30];
	_ =	sdelay $0x4  }
0xad: {  	v9 =	vshll.u32 v8, $0x1  }
0xae: {  	v8 =	vand.u32 $0x7, v8;
	v9 =	vand.u32 $0xFFFFFFF0, v9  }
0xaf: {  	v8 =	vor.u32 v8, v9  }
0xb0: {  	v9 =	vperm.xlane v8, v3;
	_ =	sdelay $0x1  }
0xb1: {  	v8 =	vperm.xlane v8, v5;
	v9 =	vadd.s32 v4, v9;
	_ =	sdelay $0x1  }
0xb2: {  	v8 =	vadd.s32 v4, v8;
	_ =	sdelay $0x2  }
0xb3: {  	[tilespmem:s19], [sflag:$0x1] =	stream.indirect_vreg.gather [hbm4b:s1+s4], $0x80, v9, vm0, $0xb8;
	[tilespmem:$0x15500] =	vst v63  }
0xb4: {  	s29 =	simm.s32 $0x800  }
0xb5: {  	[tilespmem:s20], [sflag:$0x1] =	stream.indirect_vreg.gather [hbm4b:s1+s4], $0x80, v8, vm0, $0xb8;
	[tilespmem:$0x15500] =	vst v63  }
0xb6: {  	v8 =	vld [tilespmem:s29+$0x0];
	_ =	sdelay $0x4  }
0xb7: {  	vm2 =	vge.s32 v8, v1;
	vm3 =	vlt.s32 v8, v2  }
0xb8: {  	vm2 =	vmand vm2, vm3  }
0xb9: {  	v9 =	vsel vm2, $0x1, v6  }
0xba: {  	(xrf0) =	vadd.scan.msk.s32 $0xffff, v9;
	_ =	sdelay $0x1  }
0xbb: {  	s28 =	sadd.s32 s0, s30  }
0xbc: {  	v9 =	vmov s28  }
0xbd: {  	v9 =	vadd.s32 $0xFFFFFFFF, v9  }
0xbe: {  	v9 =	vbroadcast v9, $0x0  }
0xbf: {  	v10, _, _ =	vpop (xrf0)  }
0xc0: {  	v9 =	vadd.s32 v10, v9;
	(v2sf) =	vpush v10, $0xF  }
0xc1: {  	v8 =	vsub.s32 v8, v1  }
0xc2: {  	v8 =	vshll.u32 v8, $0xE  }
0xc3: {  	v8 =	vadd.s32 s29, v8  }
0xc4: {  	v8 =	vadd.s32 v0, v8  }
0xc5: {  	s29 =	simm.s32 $0x810;
	[tilespmem:v9+s2+$0x0] =	vst.idx.msk vm2, v8  }
0xc6: {  	s8 =	simm.s32 $0x810;
	s0 =	simm.s32 $0x820;
	v8 =	vld [tilespmem:s29+$0x0]  }
.LBB2_4:
0xc7: {  	p0 =	sne.s32 s0, $0xFF0;
	_ =	sdelay $0x3  }
0xc8: {  	vm2 =	vge.s32 v8, v1;
	vm3 =	vlt.s32 v8, v2;
	v8 =	vsub.s32 v8, v1  }
0xc9: {  	vm2 =	vmand vm2, vm3  }
0xca: {  	v9 =	vsel vm2, $0x1, v6  }
0xcb: {  	(xrf0) =	vadd.scan.msk.s32 $0xffff, v9  }
0xcc: {  	s30 =	spop (v2sf)  }
0xcd: {  	s28 =	sadd.s32 s28, s30  }
0xce: {  	v9 =	vmov s28  }
0xcf: {  	v9 =	vadd.s32 $0xFFFFFFFF, v9  }
0xd0: {  	v9 =	vbroadcast v9, $0x0  }
0xd1: {  	v10, _, _ =	vpop (xrf0)  }
0xd2: {  	v9 =	vadd.s32 v10, v9;
	(v2sf) =	vpush v10, $0xF;
	_ =	sdelay $0x1  }
.Ltmp3:
0xd3: {  	v8 =	vshll.u32 v8, $0xE;
	(pc) =	sbr.rel @p0 .LBB2_4-.Ltmp3, $4  }
0xd4: {  	v8 =	vadd.s32 s29, v8;
	s29 =	smov.u32 s0  }
0xd5: {  	v8 =	vadd.s32 v0, v8  }
0xd6: {  	s8 =	sadd.s32 $0x10, s8;
	[tilespmem:v9+s2+$0x0] =	vst.idx.msk vm2, v8  }
0xd7: {  	s0 =	sadd.s32 $0x10, s0;
	v8 =	vld [tilespmem:s8+$0x0]  }
0xd8: {  	_ =	sdelay $0x3  }
0xd9: {  	vm2 =	vge.s32 v8, v1;
	vm3 =	vlt.s32 v8, v2  }
0xda: {  	vm2 =	vmand vm2, vm3  }
0xdb: {  	v9 =	vsel vm2, $0x1, v6  }
0xdc: {  	(xrf0) =	vadd.scan.msk.s32 $0xffff, v9;
	_ =	sdelay $0x5  }
0xdd: {  	v9, _, _ =	vpop (xrf0)  }
0xde: {  	(v2sf) =	vpush v9, $0xF;
	_ =	sdelay $0x3  }
0xdf: {  	s0 =	spop (v2sf)  }
0xe0: {  	s28 =	sadd.s32 s28, s0  }
0xe1: {  	v10 =	vmov s28  }
0xe2: {  	v10 =	vadd.s32 $0xFFFFFFFF, v10  }
0xe3: {  	v10 =	vbroadcast v10, $0x0;
	_ =	sdelay $0x1  }
0xe4: {  	v9 =	vadd.s32 v9, v10  }
0xe5: {  	v8 =	vsub.s32 v8, v1  }
0xe6: {  	v8 =	vshll.u32 v8, $0xE  }
0xe7: {  	v8 =	vadd.s32 s29, v8  }
0xe8: {  	v8 =	vadd.s32 v0, v8  }
0xe9: {  	[tilespmem:v9+s2+$0x0] =	vst.idx.msk vm2, v8;
	s0 =	spop (v2sf)  }
0xea: {  	_ =	swait.ge [sflag:s3], $0x4000  }
0xeb: {  	[sflag:s3] =	ssyncset.done $0x0  }
0xec: {  	s8 =	rddreg [dreg:$0x5];
	[sflag:s3] =	ssyncadd.s32 $0xFFFFC000  }
0xed: {  	[hbm4b:s8+s4] =	stream.linear.scatter [tilespmem:s7], [sflag:$0x2], $0x4000, $0x38;
	[tilespmem:$0x15500] =	vst v63  }
0xee: {  	_ =	swait.ge [sflag:s21], $0x4000  }
0xef: {  	[sflag:s21] =	ssyncset.done $0x0  }
0xf0: {  	[sflag:s21] =	ssyncadd.s32 $0xFFFFC000  }
0xf1: {  	v8 =	vld [tilespmem:s9+$0x0];
	_ =	sdelay $0x4  }
0xf2: {  	v9 =	vshll.u32 v8, $0x1  }
0xf3: {  	v8 =	vand.u32 $0x7, v8;
	v9 =	vand.u32 $0xFFFFFFF0, v9  }
0xf4: {  	v8 =	vor.u32 v8, v9  }
0xf5: {  	v9 =	vperm.xlane v8, v3;
	_ =	sdelay $0x1  }
0xf6: {  	v8 =	vperm.xlane v8, v5;
	v9 =	vadd.s32 v4, v9;
	_ =	sdelay $0x1  }
0xf7: {  	v8 =	vadd.s32 v4, v8;
	_ =	sdelay $0x2  }
0xf8: {  	[tilespmem:s24], [sflag:$0x1] =	stream.indirect_vreg.gather [hbm4b:s1+s4], $0x80, v9, vm0, $0xb8;
	[tilespmem:$0x15500] =	vst v63  }
0xf9: {  	_ = 	snop  }
0xfa: {  	[tilespmem:s31], [sflag:$0x1] =	stream.indirect_vreg.gather [hbm4b:s1+s4], $0x80, v8, vm0, $0xb8;
	[tilespmem:$0x15500] =	vst v63  }
0xfb: {  	v8 =	vld [tilespmem:s9+$0x10];
	_ =	sdelay $0x4  }
0xfc: {  	v9 =	vshll.u32 v8, $0x1  }
0xfd: {  	v8 =	vand.u32 $0x7, v8;
	v9 =	vand.u32 $0xFFFFFFF0, v9  }
0xfe: {  	v8 =	vor.u32 v8, v9  }
0xff: {  	v9 =	vperm.xlane v8, v3;
	_ =	sdelay $0x1  }
0x100: {  	v8 =	vperm.xlane v8, v5;
	v9 =	vadd.s32 v4, v9;
	_ =	sdelay $0x1  }
0x101: {  	v8 =	vadd.s32 v4, v8;
	_ =	sdelay $0x1  }
0x102: {  	s30 =	simm.s32 $0xE500  }
0x103: {  	[tilespmem:s30], [sflag:$0x1] =	stream.indirect_vreg.gather [hbm4b:s1+s4], $0x80, v9, vm0, $0xb8;
	[tilespmem:$0x15500] =	vst v63  }
0x104: {  	s30 =	simm.s32 $0xED00  }
0x105: {  	[tilespmem:s30], [sflag:$0x1] =	stream.indirect_vreg.gather [hbm4b:s1+s4], $0x80, v8, vm0, $0xb8;
	[tilespmem:$0x15500] =	vst v63  }
0x106: {  	v8 =	vld [tilespmem:s9+$0x20];
	_ =	sdelay $0x4  }
0x107: {  	v9 =	vshll.u32 v8, $0x1  }
0x108: {  	v8 =	vand.u32 $0x7, v8;
	v9 =	vand.u32 $0xFFFFFFF0, v9  }
0x109: {  	v8 =	vor.u32 v8, v9  }
0x10a: {  	v9 =	vperm.xlane v8, v3;
	_ =	sdelay $0x1  }
0x10b: {  	v8 =	vperm.xlane v8, v5;
	v9 =	vadd.s32 v4, v9;
	_ =	sdelay $0x1  }
0x10c: {  	v8 =	vadd.s32 v4, v8;
	_ =	sdelay $0x1  }
0x10d: {  	s30 =	simm.s32 $0xF500  }
0x10e: {  	[tilespmem:s30], [sflag:$0x1] =	stream.indirect_vreg.gather [hbm4b:s1+s4], $0x80, v9, vm0, $0xb8;
	[tilespmem:$0x15500] =	vst v63  }
0x10f: {  	s30 =	simm.s32 $0xFD00  }
0x110: {  	[tilespmem:s30], [sflag:$0x1] =	stream.indirect_vreg.gather [hbm4b:s1+s4], $0x80, v8, vm0, $0xb8;
	[tilespmem:$0x15500] =	vst v63  }
0x111: {  	v8 =	vld [tilespmem:s9+$0x30];
	_ =	sdelay $0x4  }
0x112: {  	v9 =	vshll.u32 v8, $0x1  }
0x113: {  	v8 =	vand.u32 $0x7, v8;
	v9 =	vand.u32 $0xFFFFFFF0, v9  }
0x114: {  	v8 =	vor.u32 v8, v9  }
0x115: {  	v9 =	vperm.xlane v8, v3;
	_ =	sdelay $0x1  }
0x116: {  	v8 =	vperm.xlane v8, v5;
	v9 =	vadd.s32 v4, v9;
	_ =	sdelay $0x1  }
0x117: {  	v8 =	vadd.s32 v4, v8;
	_ =	sdelay $0x1  }
0x118: {  	s30 =	simm.s32 $0x10500  }
0x119: {  	[tilespmem:s30], [sflag:$0x1] =	stream.indirect_vreg.gather [hbm4b:s1+s4], $0x80, v9, vm0, $0xb8;
	[tilespmem:$0x15500] =	vst v63  }
0x11a: {  	s30 =	simm.s32 $0x10D00  }
0x11b: {  	[tilespmem:s30], [sflag:$0x1] =	stream.indirect_vreg.gather [hbm4b:s1+s4], $0x80, v8, vm0, $0xb8;
	[tilespmem:$0x15500] =	vst v63  }
0x11c: {  	s30 =	simm.s32 $0x1000  }
0x11d: {  	v8 =	vld [tilespmem:s30+$0x0];
	_ =	sdelay $0x4  }
0x11e: {  	vm2 =	vge.s32 v8, v1;
	vm3 =	vlt.s32 v8, v2  }
0x11f: {  	vm2 =	vmand vm2, vm3  }
0x120: {  	v9 =	vsel vm2, $0x1, v6  }
0x121: {  	(xrf0) =	vadd.scan.msk.s32 $0xffff, v9;
	_ =	sdelay $0x1  }
0x122: {  	s28 =	sadd.s32 s28, s0  }
0x123: {  	v9 =	vmov s28  }
0x124: {  	v9 =	vadd.s32 $0xFFFFFFFF, v9  }
0x125: {  	v9 =	vbroadcast v9, $0x0  }
0x126: {  	v10, _, _ =	vpop (xrf0)  }
0x127: {  	v9 =	vadd.s32 v10, v9;
	(v2sf) =	vpush v10, $0xF  }
0x128: {  	v8 =	vsub.s32 v8, v1  }
0x129: {  	v8 =	vshll.u32 v8, $0xE  }
0x12a: {  	v8 =	vadd.s32 s30, v8  }
0x12b: {  	v8 =	vadd.s32 v0, v8  }
0x12c: {  	s29 =	simm.s32 $0x1010;
	[tilespmem:v9+s2+$0x0] =	vst.idx.msk vm2, v8  }
0x12d: {  	s0 =	simm.s32 $0x1020;
	s8 =	simm.s32 $0x1010;
	v8 =	vld [tilespmem:s29+$0x0]  }
.LBB2_6:
0x12e: {  	p0 =	sne.s32 s0, $0x17F0;
	_ =	sdelay $0x3  }
0x12f: {  	vm2 =	vge.s32 v8, v1;
	vm3 =	vlt.s32 v8, v2;
	v8 =	vsub.s32 v8, v1  }
0x130: {  	vm2 =	vmand vm2, vm3  }
0x131: {  	v9 =	vsel vm2, $0x1, v6  }
0x132: {  	(xrf0) =	vadd.scan.msk.s32 $0xffff, v9  }
0x133: {  	s30 =	spop (v2sf)  }
0x134: {  	s28 =	sadd.s32 s28, s30  }
0x135: {  	v9 =	vmov s28  }
0x136: {  	v9 =	vadd.s32 $0xFFFFFFFF, v9  }
0x137: {  	v9 =	vbroadcast v9, $0x0  }
0x138: {  	v10, _, _ =	vpop (xrf0)  }
0x139: {  	v9 =	vadd.s32 v10, v9;
	(v2sf) =	vpush v10, $0xF;
	_ =	sdelay $0x1  }
.Ltmp4:
0x13a: {  	v8 =	vshll.u32 v8, $0xE;
	(pc) =	sbr.rel @p0 .LBB2_6-.Ltmp4, $4  }
0x13b: {  	v8 =	vadd.s32 s29, v8;
	s29 =	smov.u32 s0  }
0x13c: {  	v8 =	vadd.s32 v0, v8  }
0x13d: {  	s8 =	sadd.s32 $0x10, s8;
	[tilespmem:v9+s2+$0x0] =	vst.idx.msk vm2, v8  }
0x13e: {  	s0 =	sadd.s32 $0x10, s0;
	v8 =	vld [tilespmem:s8+$0x0]  }
0x13f: {  	_ =	sdelay $0x3  }
0x140: {  	vm2 =	vge.s32 v8, v1;
	vm3 =	vlt.s32 v8, v2  }
0x141: {  	vm2 =	vmand vm2, vm3  }
0x142: {  	v9 =	vsel vm2, $0x1, v6  }
0x143: {  	(xrf0) =	vadd.scan.msk.s32 $0xffff, v9;
	_ =	sdelay $0x5  }
0x144: {  	v9, _, _ =	vpop (xrf0)  }
0x145: {  	(v2sf) =	vpush v9, $0xF;
	_ =	sdelay $0x3  }
0x146: {  	s0 =	spop (v2sf)  }
0x147: {  	s28 =	sadd.s32 s28, s0  }
0x148: {  	v10 =	vmov s28  }
0x149: {  	v10 =	vadd.s32 $0xFFFFFFFF, v10  }
0x14a: {  	v10 =	vbroadcast v10, $0x0;
	_ =	sdelay $0x1  }
0x14b: {  	v9 =	vadd.s32 v9, v10  }
0x14c: {  	v8 =	vsub.s32 v8, v1  }
0x14d: {  	v8 =	vshll.u32 v8, $0xE  }
0x14e: {  	v8 =	vadd.s32 s29, v8  }
0x14f: {  	v8 =	vadd.s32 v0, v8  }
0x150: {  	[tilespmem:v9+s2+$0x0] =	vst.idx.msk vm2, v8;
	s0 =	spop (v2sf)  }
0x151: {  	_ =	swait.ge [sflag:s3], $0x4000  }
0x152: {  	[sflag:s3] =	ssyncset.done $0x0  }
0x153: {  	s8 =	rddreg [dreg:$0x6];
	[sflag:s3] =	ssyncadd.s32 $0xFFFFC000  }
0x154: {  	[hbm4b:s8+s4] =	stream.linear.scatter [tilespmem:s24], [sflag:$0x2], $0x4000, $0x38;
	[tilespmem:$0x15500] =	vst v63  }
0x155: {  	_ =	swait.ge [sflag:s21], $0x4000  }
0x156: {  	[sflag:s21] =	ssyncset.done $0x0  }
0x157: {  	[sflag:s21] =	ssyncadd.s32 $0xFFFFC000  }
0x158: {  	v8 =	vld [tilespmem:s10+$0x0];
	_ =	sdelay $0x4  }
0x159: {  	v9 =	vshll.u32 v8, $0x1  }
0x15a: {  	v8 =	vand.u32 $0x7, v8;
	v9 =	vand.u32 $0xFFFFFFF0, v9  }
0x15b: {  	v8 =	vor.u32 v8, v9  }
0x15c: {  	v9 =	vperm.xlane v8, v3;
	_ =	sdelay $0x1  }
0x15d: {  	v8 =	vperm.xlane v8, v5;
	v9 =	vadd.s32 v4, v9;
	_ =	sdelay $0x1  }
0x15e: {  	v8 =	vadd.s32 v4, v8;
	_ =	sdelay $0x2  }
0x15f: {  	[tilespmem:s7], [sflag:$0x1] =	stream.indirect_vreg.gather [hbm4b:s1+s4], $0x80, v9, vm0, $0xb8;
	[tilespmem:$0x15500] =	vst v63  }
0x160: {  	_ = 	snop  }
0x161: {  	[tilespmem:s12], [sflag:$0x1] =	stream.indirect_vreg.gather [hbm4b:s1+s4], $0x80, v8, vm0, $0xb8;
	[tilespmem:$0x15500] =	vst v63  }
0x162: {  	v8 =	vld [tilespmem:s10+$0x10];
	_ =	sdelay $0x4  }
0x163: {  	v9 =	vshll.u32 v8, $0x1  }
0x164: {  	v8 =	vand.u32 $0x7, v8;
	v9 =	vand.u32 $0xFFFFFFF0, v9  }
0x165: {  	v8 =	vor.u32 v8, v9  }
0x166: {  	v9 =	vperm.xlane v8, v3;
	_ =	sdelay $0x1  }
0x167: {  	v8 =	vperm.xlane v8, v5;
	v9 =	vadd.s32 v4, v9;
	_ =	sdelay $0x1  }
0x168: {  	v8 =	vadd.s32 v4, v8;
	_ =	sdelay $0x1  }
0x169: {  	s30 =	simm.s32 $0x12500  }
0x16a: {  	[tilespmem:s30], [sflag:$0x1] =	stream.indirect_vreg.gather [hbm4b:s1+s4], $0x80, v9, vm0, $0xb8;
	[tilespmem:$0x15500] =	vst v63  }
0x16b: {  	_ = 	snop  }
0x16c: {  	[tilespmem:s13], [sflag:$0x1] =	stream.indirect_vreg.gather [hbm4b:s1+s4], $0x80, v8, vm0, $0xb8;
	[tilespmem:$0x15500] =	vst v63  }
0x16d: {  	v8 =	vld [tilespmem:s10+$0x20];
	_ =	sdelay $0x4  }
0x16e: {  	v9 =	vshll.u32 v8, $0x1  }
0x16f: {  	v8 =	vand.u32 $0x7, v8;
	v9 =	vand.u32 $0xFFFFFFF0, v9  }
0x170: {  	v8 =	vor.u32 v8, v9  }
0x171: {  	v9 =	vperm.xlane v8, v3;
	_ =	sdelay $0x1  }
0x172: {  	v8 =	vperm.xlane v8, v5;
	v9 =	vadd.s32 v4, v9;
	_ =	sdelay $0x1  }
0x173: {  	v8 =	vadd.s32 v4, v8;
	_ =	sdelay $0x2  }
0x174: {  	[tilespmem:s14], [sflag:$0x1] =	stream.indirect_vreg.gather [hbm4b:s1+s4], $0x80, v9, vm0, $0xb8;
	[tilespmem:$0x15500] =	vst v63  }
0x175: {  	_ = 	snop  }
0x176: {  	[tilespmem:s18], [sflag:$0x1] =	stream.indirect_vreg.gather [hbm4b:s1+s4], $0x80, v8, vm0, $0xb8;
	[tilespmem:$0x15500] =	vst v63  }
0x177: {  	v8 =	vld [tilespmem:s10+$0x30];
	_ =	sdelay $0x4  }
0x178: {  	v9 =	vshll.u32 v8, $0x1  }
0x179: {  	v8 =	vand.u32 $0x7, v8;
	v9 =	vand.u32 $0xFFFFFFF0, v9  }
0x17a: {  	v8 =	vor.u32 v8, v9  }
0x17b: {  	v9 =	vperm.xlane v8, v3;
	_ =	sdelay $0x1  }
0x17c: {  	v8 =	vperm.xlane v8, v5;
	v9 =	vadd.s32 v4, v9;
	_ =	sdelay $0x1  }
0x17d: {  	v8 =	vadd.s32 v4, v8;
	_ =	sdelay $0x2  }
0x17e: {  	[tilespmem:s19], [sflag:$0x1] =	stream.indirect_vreg.gather [hbm4b:s1+s4], $0x80, v9, vm0, $0xb8;
	[tilespmem:$0x15500] =	vst v63  }
0x17f: {  	s30 =	simm.s32 $0x1800  }
0x180: {  	[tilespmem:s20], [sflag:$0x1] =	stream.indirect_vreg.gather [hbm4b:s1+s4], $0x80, v8, vm0, $0xb8;
	[tilespmem:$0x15500] =	vst v63  }
0x181: {  	v8 =	vld [tilespmem:s30+$0x0];
	_ =	sdelay $0x4  }
0x182: {  	vm2 =	vge.s32 v8, v1;
	vm3 =	vlt.s32 v8, v2  }
0x183: {  	vm2 =	vmand vm2, vm3  }
0x184: {  	v9 =	vsel vm2, $0x1, v6  }
0x185: {  	(xrf0) =	vadd.scan.msk.s32 $0xffff, v9;
	_ =	sdelay $0x1  }
0x186: {  	s28 =	sadd.s32 s28, s0  }
0x187: {  	v9 =	vmov s28  }
0x188: {  	v9 =	vadd.s32 $0xFFFFFFFF, v9  }
0x189: {  	v9 =	vbroadcast v9, $0x0  }
0x18a: {  	v10, _, _ =	vpop (xrf0)  }
0x18b: {  	v9 =	vadd.s32 v10, v9;
	(v2sf) =	vpush v10, $0xF  }
0x18c: {  	v8 =	vsub.s32 v8, v1  }
0x18d: {  	v8 =	vshll.u32 v8, $0xE  }
0x18e: {  	v8 =	vadd.s32 s30, v8  }
0x18f: {  	v8 =	vadd.s32 v0, v8  }
0x190: {  	s29 =	simm.s32 $0x1810;
	[tilespmem:v9+s2+$0x0] =	vst.idx.msk vm2, v8  }
0x191: {  	s0 =	simm.s32 $0x1820;
	s8 =	simm.s32 $0x1810;
	v8 =	vld [tilespmem:s29+$0x0]  }
.LBB2_8:
0x192: {  	p0 =	sne.s32 s0, $0x1FF0;
	_ =	sdelay $0x3  }
0x193: {  	vm2 =	vge.s32 v8, v1;
	vm3 =	vlt.s32 v8, v2;
	v8 =	vsub.s32 v8, v1  }
0x194: {  	vm2 =	vmand vm2, vm3  }
0x195: {  	v9 =	vsel vm2, $0x1, v6  }
0x196: {  	(xrf0) =	vadd.scan.msk.s32 $0xffff, v9  }
0x197: {  	s30 =	spop (v2sf)  }
0x198: {  	s28 =	sadd.s32 s28, s30  }
0x199: {  	v9 =	vmov s28  }
0x19a: {  	v9 =	vadd.s32 $0xFFFFFFFF, v9  }
0x19b: {  	v9 =	vbroadcast v9, $0x0  }
0x19c: {  	v10, _, _ =	vpop (xrf0)  }
0x19d: {  	v9 =	vadd.s32 v10, v9;
	(v2sf) =	vpush v10, $0xF;
	_ =	sdelay $0x1  }
.Ltmp5:
0x19e: {  	v8 =	vshll.u32 v8, $0xE;
	(pc) =	sbr.rel @p0 .LBB2_8-.Ltmp5, $4  }
0x19f: {  	v8 =	vadd.s32 s29, v8;
	s29 =	smov.u32 s0  }
0x1a0: {  	v8 =	vadd.s32 v0, v8  }
0x1a1: {  	s8 =	sadd.s32 $0x10, s8;
	[tilespmem:v9+s2+$0x0] =	vst.idx.msk vm2, v8  }
0x1a2: {  	s0 =	sadd.s32 $0x10, s0;
	v8 =	vld [tilespmem:s8+$0x0]  }
0x1a3: {  	_ =	sdelay $0x3  }
0x1a4: {  	vm2 =	vge.s32 v8, v1;
	vm3 =	vlt.s32 v8, v2  }
0x1a5: {  	vm2 =	vmand vm2, vm3  }
0x1a6: {  	v9 =	vsel vm2, $0x1, v6  }
0x1a7: {  	(xrf0) =	vadd.scan.msk.s32 $0xffff, v9;
	_ =	sdelay $0x5  }
0x1a8: {  	v9, _, _ =	vpop (xrf0)  }
0x1a9: {  	(v2sf) =	vpush v9, $0xF;
	_ =	sdelay $0x3  }
0x1aa: {  	s0 =	spop (v2sf)  }
0x1ab: {  	s28 =	sadd.s32 s28, s0  }
0x1ac: {  	v10 =	vmov s28  }
0x1ad: {  	v10 =	vadd.s32 $0xFFFFFFFF, v10  }
0x1ae: {  	v10 =	vbroadcast v10, $0x0;
	_ =	sdelay $0x1  }
0x1af: {  	v9 =	vadd.s32 v9, v10  }
0x1b0: {  	v8 =	vsub.s32 v8, v1  }
0x1b1: {  	v8 =	vshll.u32 v8, $0xE  }
0x1b2: {  	v8 =	vadd.s32 s29, v8  }
0x1b3: {  	v8 =	vadd.s32 v0, v8  }
0x1b4: {  	[tilespmem:v9+s2+$0x0] =	vst.idx.msk vm2, v8;
	s0 =	spop (v2sf)  }
0x1b5: {  	_ =	swait.ge [sflag:s3], $0x4000  }
0x1b6: {  	[sflag:s3] =	ssyncset.done $0x0  }
0x1b7: {  	s8 =	rddreg [dreg:$0x7];
	[sflag:s3] =	ssyncadd.s32 $0xFFFFC000  }
0x1b8: {  	[hbm4b:s8+s4] =	stream.linear.scatter [tilespmem:s7], [sflag:$0x2], $0x4000, $0x38;
	[tilespmem:$0x15500] =	vst v63  }
0x1b9: {  	_ =	swait.ge [sflag:s21], $0x4000  }
0x1ba: {  	[sflag:s21] =	ssyncset.done $0x0  }
0x1bb: {  	[sflag:s21] =	ssyncadd.s32 $0xFFFFC000  }
0x1bc: {  	v8 =	vld [tilespmem:s11+$0x0];
	_ =	sdelay $0x4  }
0x1bd: {  	v9 =	vshll.u32 v8, $0x1  }
0x1be: {  	v8 =	vand.u32 $0x7, v8;
	v9 =	vand.u32 $0xFFFFFFF0, v9  }
0x1bf: {  	v8 =	vor.u32 v8, v9  }
0x1c0: {  	v9 =	vperm.xlane v8, v3;
	_ =	sdelay $0x1  }
0x1c1: {  	v8 =	vperm.xlane v8, v5;
	v9 =	vadd.s32 v4, v9;
	_ =	sdelay $0x1  }
0x1c2: {  	v8 =	vadd.s32 v4, v8;
	_ =	sdelay $0x2  }
0x1c3: {  	[tilespmem:s24], [sflag:$0x1] =	stream.indirect_vreg.gather [hbm4b:s1+s4], $0x80, v9, vm0, $0xb8;
	[tilespmem:$0x15500] =	vst v63  }
0x1c4: {  	_ = 	snop  }
0x1c5: {  	[tilespmem:s31], [sflag:$0x1] =	stream.indirect_vreg.gather [hbm4b:s1+s4], $0x80, v8, vm0, $0xb8;
	[tilespmem:$0x15500] =	vst v63  }
0x1c6: {  	v8 =	vld [tilespmem:s11+$0x10];
	_ =	sdelay $0x4  }
0x1c7: {  	v9 =	vshll.u32 v8, $0x1  }
0x1c8: {  	v8 =	vand.u32 $0x7, v8;
	v9 =	vand.u32 $0xFFFFFFF0, v9  }
0x1c9: {  	v8 =	vor.u32 v8, v9  }
0x1ca: {  	v9 =	vperm.xlane v8, v3;
	_ =	sdelay $0x1  }
0x1cb: {  	v8 =	vperm.xlane v8, v5;
	v9 =	vadd.s32 v4, v9;
	_ =	sdelay $0x1  }
0x1cc: {  	v8 =	vadd.s32 v4, v8;
	_ =	sdelay $0x1  }
0x1cd: {  	s30 =	simm.s32 $0xE500  }
0x1ce: {  	[tilespmem:s30], [sflag:$0x1] =	stream.indirect_vreg.gather [hbm4b:s1+s4], $0x80, v9, vm0, $0xb8;
	[tilespmem:$0x15500] =	vst v63  }
0x1cf: {  	s30 =	simm.s32 $0xED00  }
0x1d0: {  	[tilespmem:s30], [sflag:$0x1] =	stream.indirect_vreg.gather [hbm4b:s1+s4], $0x80, v8, vm0, $0xb8;
	[tilespmem:$0x15500] =	vst v63  }
0x1d1: {  	v8 =	vld [tilespmem:s11+$0x20];
	_ =	sdelay $0x4  }
0x1d2: {  	v9 =	vshll.u32 v8, $0x1  }
0x1d3: {  	v8 =	vand.u32 $0x7, v8;
	v9 =	vand.u32 $0xFFFFFFF0, v9  }
0x1d4: {  	v8 =	vor.u32 v8, v9  }
0x1d5: {  	v9 =	vperm.xlane v8, v3;
	_ =	sdelay $0x1  }
0x1d6: {  	v8 =	vperm.xlane v8, v5;
	v9 =	vadd.s32 v4, v9;
	_ =	sdelay $0x1  }
0x1d7: {  	v8 =	vadd.s32 v4, v8;
	_ =	sdelay $0x1  }
0x1d8: {  	s30 =	simm.s32 $0xF500  }
0x1d9: {  	[tilespmem:s30], [sflag:$0x1] =	stream.indirect_vreg.gather [hbm4b:s1+s4], $0x80, v9, vm0, $0xb8;
	[tilespmem:$0x15500] =	vst v63  }
0x1da: {  	s30 =	simm.s32 $0xFD00  }
0x1db: {  	[tilespmem:s30], [sflag:$0x1] =	stream.indirect_vreg.gather [hbm4b:s1+s4], $0x80, v8, vm0, $0xb8;
	[tilespmem:$0x15500] =	vst v63  }
0x1dc: {  	v8 =	vld [tilespmem:s11+$0x30];
	_ =	sdelay $0x4  }
0x1dd: {  	v9 =	vshll.u32 v8, $0x1  }
0x1de: {  	v8 =	vand.u32 $0x7, v8;
	v9 =	vand.u32 $0xFFFFFFF0, v9  }
0x1df: {  	v8 =	vor.u32 v8, v9  }
0x1e0: {  	v9 =	vperm.xlane v8, v3;
	_ =	sdelay $0x1  }
0x1e1: {  	v8 =	vperm.xlane v8, v5;
	v9 =	vadd.s32 v4, v9;
	_ =	sdelay $0x1  }
0x1e2: {  	v8 =	vadd.s32 v4, v8;
	_ =	sdelay $0x1  }
0x1e3: {  	s30 =	simm.s32 $0x10500  }
0x1e4: {  	[tilespmem:s30], [sflag:$0x1] =	stream.indirect_vreg.gather [hbm4b:s1+s4], $0x80, v9, vm0, $0xb8;
	[tilespmem:$0x15500] =	vst v63  }
0x1e5: {  	s30 =	simm.s32 $0x10D00  }
0x1e6: {  	[tilespmem:s30], [sflag:$0x1] =	stream.indirect_vreg.gather [hbm4b:s1+s4], $0x80, v8, vm0, $0xb8;
	[tilespmem:$0x15500] =	vst v63  }
0x1e7: {  	s30 =	simm.s32 $0x2000  }
0x1e8: {  	v8 =	vld [tilespmem:s30+$0x0];
	_ =	sdelay $0x4  }
0x1e9: {  	vm2 =	vge.s32 v8, v1;
	vm3 =	vlt.s32 v8, v2  }
0x1ea: {  	vm2 =	vmand vm2, vm3  }
0x1eb: {  	v9 =	vsel vm2, $0x1, v6  }
0x1ec: {  	(xrf0) =	vadd.scan.msk.s32 $0xffff, v9;
	_ =	sdelay $0x1  }
0x1ed: {  	s28 =	sadd.s32 s28, s0  }
0x1ee: {  	v9 =	vmov s28  }
0x1ef: {  	v9 =	vadd.s32 $0xFFFFFFFF, v9  }
0x1f0: {  	v9 =	vbroadcast v9, $0x0  }
0x1f1: {  	v10, _, _ =	vpop (xrf0)  }
0x1f2: {  	v9 =	vadd.s32 v10, v9;
	(v2sf) =	vpush v10, $0xF  }
0x1f3: {  	v8 =	vsub.s32 v8, v1  }
0x1f4: {  	v8 =	vshll.u32 v8, $0xE  }
0x1f5: {  	v8 =	vadd.s32 s30, v8  }
0x1f6: {  	v8 =	vadd.s32 v0, v8  }
0x1f7: {  	s29 =	simm.s32 $0x2010;
	[tilespmem:v9+s2+$0x0] =	vst.idx.msk vm2, v8  }
0x1f8: {  	s0 =	simm.s32 $0x2020;
	s8 =	simm.s32 $0x2010;
	v8 =	vld [tilespmem:s29+$0x0]  }
.LBB2_10:
0x1f9: {  	p0 =	sne.s32 s0, $0x27F0;
	_ =	sdelay $0x3  }
0x1fa: {  	vm2 =	vge.s32 v8, v1;
	vm3 =	vlt.s32 v8, v2;
	v8 =	vsub.s32 v8, v1  }
0x1fb: {  	vm2 =	vmand vm2, vm3  }
0x1fc: {  	v9 =	vsel vm2, $0x1, v6  }
0x1fd: {  	(xrf0) =	vadd.scan.msk.s32 $0xffff, v9  }
0x1fe: {  	s30 =	spop (v2sf)  }
0x1ff: {  	s28 =	sadd.s32 s28, s30  }
0x200: {  	v9 =	vmov s28  }
0x201: {  	v9 =	vadd.s32 $0xFFFFFFFF, v9  }
0x202: {  	v9 =	vbroadcast v9, $0x0  }
0x203: {  	v10, _, _ =	vpop (xrf0)  }
0x204: {  	v9 =	vadd.s32 v10, v9;
	(v2sf) =	vpush v10, $0xF;
	_ =	sdelay $0x1  }
.Ltmp6:
0x205: {  	v8 =	vshll.u32 v8, $0xE;
	(pc) =	sbr.rel @p0 .LBB2_10-.Ltmp6, $4  }
0x206: {  	v8 =	vadd.s32 s29, v8;
	s29 =	smov.u32 s0  }
0x207: {  	v8 =	vadd.s32 v0, v8  }
0x208: {  	s8 =	sadd.s32 $0x10, s8;
	[tilespmem:v9+s2+$0x0] =	vst.idx.msk vm2, v8  }
0x209: {  	s0 =	sadd.s32 $0x10, s0;
	v8 =	vld [tilespmem:s8+$0x0]  }
0x20a: {  	_ =	sdelay $0x3  }
0x20b: {  	vm2 =	vge.s32 v8, v1;
	vm3 =	vlt.s32 v8, v2  }
0x20c: {  	vm2 =	vmand vm2, vm3  }
0x20d: {  	v9 =	vsel vm2, $0x1, v6  }
0x20e: {  	(xrf0) =	vadd.scan.msk.s32 $0xffff, v9;
	_ =	sdelay $0x5  }
0x20f: {  	v9, _, _ =	vpop (xrf0)  }
0x210: {  	(v2sf) =	vpush v9, $0xF;
	_ =	sdelay $0x3  }
0x211: {  	s0 =	spop (v2sf)  }
0x212: {  	s28 =	sadd.s32 s28, s0  }
0x213: {  	v10 =	vmov s28  }
0x214: {  	v10 =	vadd.s32 $0xFFFFFFFF, v10  }
0x215: {  	v10 =	vbroadcast v10, $0x0;
	_ =	sdelay $0x1  }
0x216: {  	v9 =	vadd.s32 v9, v10  }
0x217: {  	v8 =	vsub.s32 v8, v1  }
0x218: {  	v8 =	vshll.u32 v8, $0xE  }
0x219: {  	v8 =	vadd.s32 s29, v8  }
0x21a: {  	v8 =	vadd.s32 v0, v8  }
0x21b: {  	[tilespmem:v9+s2+$0x0] =	vst.idx.msk vm2, v8;
	s0 =	spop (v2sf)  }
0x21c: {  	_ =	swait.ge [sflag:s3], $0x4000  }
0x21d: {  	[sflag:s3] =	ssyncset.done $0x0  }
0x21e: {  	s8 =	rddreg [dreg:$0x8];
	[sflag:s3] =	ssyncadd.s32 $0xFFFFC000  }
0x21f: {  	[hbm4b:s8+s4] =	stream.linear.scatter [tilespmem:s24], [sflag:$0x2], $0x4000, $0x38;
	[tilespmem:$0x15500] =	vst v63  }
0x220: {  	_ =	swait.ge [sflag:s21], $0x4000  }
0x221: {  	[sflag:s21] =	ssyncset.done $0x0  }
0x222: {  	[sflag:s21] =	ssyncadd.s32 $0xFFFFC000  }
0x223: {  	v8 =	vld [tilespmem:s15+$0x0];
	_ =	sdelay $0x4  }
0x224: {  	v9 =	vshll.u32 v8, $0x1  }
0x225: {  	v8 =	vand.u32 $0x7, v8;
	v9 =	vand.u32 $0xFFFFFFF0, v9  }
0x226: {  	v8 =	vor.u32 v8, v9  }
0x227: {  	v9 =	vperm.xlane v8, v3;
	_ =	sdelay $0x1  }
0x228: {  	v8 =	vperm.xlane v8, v5;
	v9 =	vadd.s32 v4, v9;
	_ =	sdelay $0x1  }
0x229: {  	v8 =	vadd.s32 v4, v8;
	_ =	sdelay $0x2  }
0x22a: {  	[tilespmem:s7], [sflag:$0x1] =	stream.indirect_vreg.gather [hbm4b:s1+s4], $0x80, v9, vm0, $0xb8;
	[tilespmem:$0x15500] =	vst v63  }
0x22b: {  	_ = 	snop  }
0x22c: {  	[tilespmem:s12], [sflag:$0x1] =	stream.indirect_vreg.gather [hbm4b:s1+s4], $0x80, v8, vm0, $0xb8;
	[tilespmem:$0x15500] =	vst v63  }
0x22d: {  	v8 =	vld [tilespmem:s15+$0x10];
	_ =	sdelay $0x4  }
0x22e: {  	v9 =	vshll.u32 v8, $0x1  }
0x22f: {  	v8 =	vand.u32 $0x7, v8;
	v9 =	vand.u32 $0xFFFFFFF0, v9  }
0x230: {  	v8 =	vor.u32 v8, v9  }
0x231: {  	v9 =	vperm.xlane v8, v3;
	_ =	sdelay $0x1  }
0x232: {  	v8 =	vperm.xlane v8, v5;
	v9 =	vadd.s32 v4, v9;
	_ =	sdelay $0x1  }
0x233: {  	v8 =	vadd.s32 v4, v8;
	_ =	sdelay $0x1  }
0x234: {  	s30 =	simm.s32 $0x12500  }
0x235: {  	[tilespmem:s30], [sflag:$0x1] =	stream.indirect_vreg.gather [hbm4b:s1+s4], $0x80, v9, vm0, $0xb8;
	[tilespmem:$0x15500] =	vst v63  }
0x236: {  	_ = 	snop  }
0x237: {  	[tilespmem:s13], [sflag:$0x1] =	stream.indirect_vreg.gather [hbm4b:s1+s4], $0x80, v8, vm0, $0xb8;
	[tilespmem:$0x15500] =	vst v63  }
0x238: {  	v8 =	vld [tilespmem:s15+$0x20];
	_ =	sdelay $0x4  }
0x239: {  	v9 =	vshll.u32 v8, $0x1  }
0x23a: {  	v8 =	vand.u32 $0x7, v8;
	v9 =	vand.u32 $0xFFFFFFF0, v9  }
0x23b: {  	v8 =	vor.u32 v8, v9  }
0x23c: {  	v9 =	vperm.xlane v8, v3;
	_ =	sdelay $0x1  }
0x23d: {  	v8 =	vperm.xlane v8, v5;
	v9 =	vadd.s32 v4, v9;
	_ =	sdelay $0x1  }
0x23e: {  	v8 =	vadd.s32 v4, v8;
	_ =	sdelay $0x2  }
0x23f: {  	[tilespmem:s14], [sflag:$0x1] =	stream.indirect_vreg.gather [hbm4b:s1+s4], $0x80, v9, vm0, $0xb8;
	[tilespmem:$0x15500] =	vst v63  }
0x240: {  	_ = 	snop  }
0x241: {  	[tilespmem:s18], [sflag:$0x1] =	stream.indirect_vreg.gather [hbm4b:s1+s4], $0x80, v8, vm0, $0xb8;
	[tilespmem:$0x15500] =	vst v63  }
0x242: {  	v8 =	vld [tilespmem:s15+$0x30];
	_ =	sdelay $0x4  }
0x243: {  	v9 =	vshll.u32 v8, $0x1  }
0x244: {  	v8 =	vand.u32 $0x7, v8;
	v9 =	vand.u32 $0xFFFFFFF0, v9  }
0x245: {  	v8 =	vor.u32 v8, v9  }
0x246: {  	v9 =	vperm.xlane v8, v3;
	_ =	sdelay $0x1  }
0x247: {  	v8 =	vperm.xlane v8, v5;
	v9 =	vadd.s32 v4, v9;
	_ =	sdelay $0x1  }
0x248: {  	v8 =	vadd.s32 v4, v8;
	_ =	sdelay $0x2  }
0x249: {  	[tilespmem:s19], [sflag:$0x1] =	stream.indirect_vreg.gather [hbm4b:s1+s4], $0x80, v9, vm0, $0xb8;
	[tilespmem:$0x15500] =	vst v63  }
0x24a: {  	s30 =	simm.s32 $0x2800  }
0x24b: {  	[tilespmem:s20], [sflag:$0x1] =	stream.indirect_vreg.gather [hbm4b:s1+s4], $0x80, v8, vm0, $0xb8;
	[tilespmem:$0x15500] =	vst v63  }
0x24c: {  	v8 =	vld [tilespmem:s30+$0x0];
	_ =	sdelay $0x4  }
0x24d: {  	vm2 =	vge.s32 v8, v1;
	vm3 =	vlt.s32 v8, v2  }
0x24e: {  	vm2 =	vmand vm2, vm3  }
0x24f: {  	v9 =	vsel vm2, $0x1, v6  }
0x250: {  	(xrf0) =	vadd.scan.msk.s32 $0xffff, v9;
	_ =	sdelay $0x1  }
0x251: {  	s28 =	sadd.s32 s28, s0  }
0x252: {  	v9 =	vmov s28  }
0x253: {  	v9 =	vadd.s32 $0xFFFFFFFF, v9  }
0x254: {  	v9 =	vbroadcast v9, $0x0  }
0x255: {  	v10, _, _ =	vpop (xrf0)  }
0x256: {  	v9 =	vadd.s32 v10, v9;
	(v2sf) =	vpush v10, $0xF  }
0x257: {  	v8 =	vsub.s32 v8, v1  }
0x258: {  	v8 =	vshll.u32 v8, $0xE  }
0x259: {  	v8 =	vadd.s32 s30, v8  }
0x25a: {  	v8 =	vadd.s32 v0, v8  }
0x25b: {  	s29 =	simm.s32 $0x2810;
	[tilespmem:v9+s2+$0x0] =	vst.idx.msk vm2, v8  }
0x25c: {  	s0 =	simm.s32 $0x2820;
	s8 =	simm.s32 $0x2810;
	v8 =	vld [tilespmem:s29+$0x0]  }
.LBB2_12:
0x25d: {  	p0 =	sne.s32 s0, $0x2FF0;
	_ =	sdelay $0x3  }
0x25e: {  	vm2 =	vge.s32 v8, v1;
	vm3 =	vlt.s32 v8, v2;
	v8 =	vsub.s32 v8, v1  }
0x25f: {  	vm2 =	vmand vm2, vm3  }
0x260: {  	v9 =	vsel vm2, $0x1, v6  }
0x261: {  	(xrf0) =	vadd.scan.msk.s32 $0xffff, v9  }
0x262: {  	s30 =	spop (v2sf)  }
0x263: {  	s28 =	sadd.s32 s28, s30  }
0x264: {  	v9 =	vmov s28  }
0x265: {  	v9 =	vadd.s32 $0xFFFFFFFF, v9  }
0x266: {  	v9 =	vbroadcast v9, $0x0  }
0x267: {  	v10, _, _ =	vpop (xrf0)  }
0x268: {  	v9 =	vadd.s32 v10, v9;
	(v2sf) =	vpush v10, $0xF;
	_ =	sdelay $0x1  }
.Ltmp7:
0x269: {  	v8 =	vshll.u32 v8, $0xE;
	(pc) =	sbr.rel @p0 .LBB2_12-.Ltmp7, $4  }
0x26a: {  	v8 =	vadd.s32 s29, v8;
	s29 =	smov.u32 s0  }
0x26b: {  	v8 =	vadd.s32 v0, v8  }
0x26c: {  	s8 =	sadd.s32 $0x10, s8;
	[tilespmem:v9+s2+$0x0] =	vst.idx.msk vm2, v8  }
0x26d: {  	s0 =	sadd.s32 $0x10, s0;
	v8 =	vld [tilespmem:s8+$0x0]  }
0x26e: {  	_ =	sdelay $0x3  }
0x26f: {  	vm2 =	vge.s32 v8, v1;
	vm3 =	vlt.s32 v8, v2  }
0x270: {  	vm2 =	vmand vm2, vm3  }
0x271: {  	v9 =	vsel vm2, $0x1, v6  }
0x272: {  	(xrf0) =	vadd.scan.msk.s32 $0xffff, v9;
	_ =	sdelay $0x5  }
0x273: {  	v9, _, _ =	vpop (xrf0)  }
0x274: {  	(v2sf) =	vpush v9, $0xF;
	_ =	sdelay $0x3  }
0x275: {  	s0 =	spop (v2sf)  }
0x276: {  	s28 =	sadd.s32 s28, s0  }
0x277: {  	v10 =	vmov s28  }
0x278: {  	v10 =	vadd.s32 $0xFFFFFFFF, v10  }
0x279: {  	v10 =	vbroadcast v10, $0x0;
	_ =	sdelay $0x1  }
0x27a: {  	v9 =	vadd.s32 v9, v10  }
0x27b: {  	v8 =	vsub.s32 v8, v1  }
0x27c: {  	v8 =	vshll.u32 v8, $0xE  }
0x27d: {  	v8 =	vadd.s32 s29, v8  }
0x27e: {  	v8 =	vadd.s32 v0, v8  }
0x27f: {  	[tilespmem:v9+s2+$0x0] =	vst.idx.msk vm2, v8;
	s0 =	spop (v2sf)  }
0x280: {  	_ =	swait.ge [sflag:s3], $0x4000  }
0x281: {  	[sflag:s3] =	ssyncset.done $0x0  }
0x282: {  	s8 =	rddreg [dreg:$0x9];
	[sflag:s3] =	ssyncadd.s32 $0xFFFFC000  }
0x283: {  	[hbm4b:s8+s4] =	stream.linear.scatter [tilespmem:s7], [sflag:$0x2], $0x4000, $0x38;
	[tilespmem:$0x15500] =	vst v63  }
0x284: {  	_ =	swait.ge [sflag:s21], $0x4000  }
0x285: {  	[sflag:s21] =	ssyncset.done $0x0  }
0x286: {  	[sflag:s21] =	ssyncadd.s32 $0xFFFFC000  }
0x287: {  	v8 =	vld [tilespmem:s16+$0x0];
	_ =	sdelay $0x4  }
0x288: {  	v9 =	vshll.u32 v8, $0x1  }
0x289: {  	v8 =	vand.u32 $0x7, v8;
	v9 =	vand.u32 $0xFFFFFFF0, v9  }
0x28a: {  	v8 =	vor.u32 v8, v9  }
0x28b: {  	v9 =	vperm.xlane v8, v3;
	_ =	sdelay $0x1  }
0x28c: {  	v8 =	vperm.xlane v8, v5;
	v9 =	vadd.s32 v4, v9;
	_ =	sdelay $0x1  }
0x28d: {  	v8 =	vadd.s32 v4, v8;
	_ =	sdelay $0x2  }
0x28e: {  	[tilespmem:s24], [sflag:$0x1] =	stream.indirect_vreg.gather [hbm4b:s1+s4], $0x80, v9, vm0, $0xb8;
	[tilespmem:$0x15500] =	vst v63  }
0x28f: {  	_ = 	snop  }
0x290: {  	[tilespmem:s31], [sflag:$0x1] =	stream.indirect_vreg.gather [hbm4b:s1+s4], $0x80, v8, vm0, $0xb8;
	[tilespmem:$0x15500] =	vst v63  }
0x291: {  	v8 =	vld [tilespmem:s16+$0x10];
	_ =	sdelay $0x4  }
0x292: {  	v9 =	vshll.u32 v8, $0x1  }
0x293: {  	v8 =	vand.u32 $0x7, v8;
	v9 =	vand.u32 $0xFFFFFFF0, v9  }
0x294: {  	v8 =	vor.u32 v8, v9  }
0x295: {  	v9 =	vperm.xlane v8, v3;
	_ =	sdelay $0x1  }
0x296: {  	v8 =	vperm.xlane v8, v5;
	v9 =	vadd.s32 v4, v9;
	_ =	sdelay $0x1  }
0x297: {  	v8 =	vadd.s32 v4, v8;
	_ =	sdelay $0x1  }
0x298: {  	s30 =	simm.s32 $0xE500  }
0x299: {  	[tilespmem:s30], [sflag:$0x1] =	stream.indirect_vreg.gather [hbm4b:s1+s4], $0x80, v9, vm0, $0xb8;
	[tilespmem:$0x15500] =	vst v63  }
0x29a: {  	s30 =	simm.s32 $0xED00  }
0x29b: {  	[tilespmem:s30], [sflag:$0x1] =	stream.indirect_vreg.gather [hbm4b:s1+s4], $0x80, v8, vm0, $0xb8;
	[tilespmem:$0x15500] =	vst v63  }
0x29c: {  	v8 =	vld [tilespmem:s16+$0x20];
	_ =	sdelay $0x4  }
0x29d: {  	v9 =	vshll.u32 v8, $0x1  }
0x29e: {  	v8 =	vand.u32 $0x7, v8;
	v9 =	vand.u32 $0xFFFFFFF0, v9  }
0x29f: {  	v8 =	vor.u32 v8, v9  }
0x2a0: {  	v9 =	vperm.xlane v8, v3;
	_ =	sdelay $0x1  }
0x2a1: {  	v8 =	vperm.xlane v8, v5;
	v9 =	vadd.s32 v4, v9;
	_ =	sdelay $0x1  }
0x2a2: {  	v8 =	vadd.s32 v4, v8;
	_ =	sdelay $0x1  }
0x2a3: {  	s30 =	simm.s32 $0xF500  }
0x2a4: {  	[tilespmem:s30], [sflag:$0x1] =	stream.indirect_vreg.gather [hbm4b:s1+s4], $0x80, v9, vm0, $0xb8;
	[tilespmem:$0x15500] =	vst v63  }
0x2a5: {  	s30 =	simm.s32 $0xFD00  }
0x2a6: {  	[tilespmem:s30], [sflag:$0x1] =	stream.indirect_vreg.gather [hbm4b:s1+s4], $0x80, v8, vm0, $0xb8;
	[tilespmem:$0x15500] =	vst v63  }
0x2a7: {  	v8 =	vld [tilespmem:s16+$0x30];
	_ =	sdelay $0x4  }
0x2a8: {  	v9 =	vshll.u32 v8, $0x1  }
0x2a9: {  	v8 =	vand.u32 $0x7, v8;
	v9 =	vand.u32 $0xFFFFFFF0, v9  }
0x2aa: {  	v8 =	vor.u32 v8, v9  }
0x2ab: {  	v9 =	vperm.xlane v8, v3;
	_ =	sdelay $0x1  }
0x2ac: {  	v8 =	vperm.xlane v8, v5;
	v9 =	vadd.s32 v4, v9;
	_ =	sdelay $0x1  }
0x2ad: {  	v8 =	vadd.s32 v4, v8;
	_ =	sdelay $0x1  }
0x2ae: {  	s30 =	simm.s32 $0x10500  }
0x2af: {  	[tilespmem:s30], [sflag:$0x1] =	stream.indirect_vreg.gather [hbm4b:s1+s4], $0x80, v9, vm0, $0xb8;
	[tilespmem:$0x15500] =	vst v63  }
0x2b0: {  	s30 =	simm.s32 $0x10D00  }
0x2b1: {  	[tilespmem:s30], [sflag:$0x1] =	stream.indirect_vreg.gather [hbm4b:s1+s4], $0x80, v8, vm0, $0xb8;
	[tilespmem:$0x15500] =	vst v63  }
0x2b2: {  	s30 =	simm.s32 $0x3000  }
0x2b3: {  	v8 =	vld [tilespmem:s30+$0x0];
	_ =	sdelay $0x4  }
0x2b4: {  	vm2 =	vge.s32 v8, v1;
	vm3 =	vlt.s32 v8, v2  }
0x2b5: {  	vm2 =	vmand vm2, vm3  }
0x2b6: {  	v9 =	vsel vm2, $0x1, v6  }
0x2b7: {  	(xrf0) =	vadd.scan.msk.s32 $0xffff, v9;
	_ =	sdelay $0x1  }
0x2b8: {  	s28 =	sadd.s32 s28, s0  }
0x2b9: {  	v9 =	vmov s28  }
0x2ba: {  	v9 =	vadd.s32 $0xFFFFFFFF, v9  }
0x2bb: {  	v9 =	vbroadcast v9, $0x0  }
0x2bc: {  	v10, _, _ =	vpop (xrf0)  }
0x2bd: {  	v9 =	vadd.s32 v10, v9;
	(v2sf) =	vpush v10, $0xF  }
0x2be: {  	v8 =	vsub.s32 v8, v1  }
0x2bf: {  	v8 =	vshll.u32 v8, $0xE  }
0x2c0: {  	v8 =	vadd.s32 s30, v8  }
0x2c1: {  	v8 =	vadd.s32 v0, v8  }
0x2c2: {  	s29 =	simm.s32 $0x3010;
	[tilespmem:v9+s2+$0x0] =	vst.idx.msk vm2, v8  }
0x2c3: {  	s0 =	simm.s32 $0x3020;
	s8 =	simm.s32 $0x3010;
	v8 =	vld [tilespmem:s29+$0x0]  }
.LBB2_14:
0x2c4: {  	p0 =	sne.s32 s0, $0x37F0;
	_ =	sdelay $0x3  }
0x2c5: {  	vm2 =	vge.s32 v8, v1;
	vm3 =	vlt.s32 v8, v2;
	v8 =	vsub.s32 v8, v1  }
0x2c6: {  	vm2 =	vmand vm2, vm3  }
0x2c7: {  	v9 =	vsel vm2, $0x1, v6  }
0x2c8: {  	(xrf0) =	vadd.scan.msk.s32 $0xffff, v9  }
0x2c9: {  	s30 =	spop (v2sf)  }
0x2ca: {  	s28 =	sadd.s32 s28, s30  }
0x2cb: {  	v9 =	vmov s28  }
0x2cc: {  	v9 =	vadd.s32 $0xFFFFFFFF, v9  }
0x2cd: {  	v9 =	vbroadcast v9, $0x0  }
0x2ce: {  	v10, _, _ =	vpop (xrf0)  }
0x2cf: {  	v9 =	vadd.s32 v10, v9;
	(v2sf) =	vpush v10, $0xF;
	_ =	sdelay $0x1  }
.Ltmp8:
0x2d0: {  	v8 =	vshll.u32 v8, $0xE;
	(pc) =	sbr.rel @p0 .LBB2_14-.Ltmp8, $4  }
0x2d1: {  	v8 =	vadd.s32 s29, v8;
	s29 =	smov.u32 s0  }
0x2d2: {  	v8 =	vadd.s32 v0, v8  }
0x2d3: {  	s8 =	sadd.s32 $0x10, s8;
	[tilespmem:v9+s2+$0x0] =	vst.idx.msk vm2, v8  }
0x2d4: {  	s0 =	sadd.s32 $0x10, s0;
	v8 =	vld [tilespmem:s8+$0x0]  }
0x2d5: {  	_ =	sdelay $0x3  }
0x2d6: {  	vm2 =	vge.s32 v8, v1;
	vm3 =	vlt.s32 v8, v2  }
0x2d7: {  	vm2 =	vmand vm2, vm3  }
0x2d8: {  	v9 =	vsel vm2, $0x1, v6  }
0x2d9: {  	(xrf0) =	vadd.scan.msk.s32 $0xffff, v9;
	_ =	sdelay $0x5  }
0x2da: {  	v9, _, _ =	vpop (xrf0)  }
0x2db: {  	(v2sf) =	vpush v9, $0xF;
	_ =	sdelay $0x3  }
0x2dc: {  	s0 =	spop (v2sf)  }
0x2dd: {  	s28 =	sadd.s32 s28, s0  }
0x2de: {  	v10 =	vmov s28  }
0x2df: {  	v10 =	vadd.s32 $0xFFFFFFFF, v10  }
0x2e0: {  	v10 =	vbroadcast v10, $0x0;
	_ =	sdelay $0x1  }
0x2e1: {  	v9 =	vadd.s32 v9, v10  }
0x2e2: {  	v8 =	vsub.s32 v8, v1  }
0x2e3: {  	v8 =	vshll.u32 v8, $0xE  }
0x2e4: {  	v8 =	vadd.s32 s29, v8  }
0x2e5: {  	v8 =	vadd.s32 v0, v8  }
0x2e6: {  	[tilespmem:v9+s2+$0x0] =	vst.idx.msk vm2, v8;
	s0 =	spop (v2sf)  }
0x2e7: {  	_ =	swait.ge [sflag:s3], $0x4000  }
0x2e8: {  	[sflag:s3] =	ssyncset.done $0x0  }
0x2e9: {  	s8 =	rddreg [dreg:$0xa];
	[sflag:s3] =	ssyncadd.s32 $0xFFFFC000  }
0x2ea: {  	[hbm4b:s8+s4] =	stream.linear.scatter [tilespmem:s24], [sflag:$0x2], $0x4000, $0x38;
	[tilespmem:$0x15500] =	vst v63  }
0x2eb: {  	_ =	swait.ge [sflag:s21], $0x4000  }
0x2ec: {  	[sflag:s21] =	ssyncset.done $0x0  }
0x2ed: {  	[sflag:s21] =	ssyncadd.s32 $0xFFFFC000  }
0x2ee: {  	v8 =	vld [tilespmem:s17+$0x0];
	_ =	sdelay $0x4  }
0x2ef: {  	v9 =	vshll.u32 v8, $0x1  }
0x2f0: {  	v8 =	vand.u32 $0x7, v8;
	v9 =	vand.u32 $0xFFFFFFF0, v9  }
0x2f1: {  	v8 =	vor.u32 v8, v9  }
0x2f2: {  	v9 =	vperm.xlane v8, v3;
	_ =	sdelay $0x1  }
0x2f3: {  	v8 =	vperm.xlane v8, v5;
	v9 =	vadd.s32 v4, v9;
	_ =	sdelay $0x1  }
0x2f4: {  	v8 =	vadd.s32 v4, v8;
	_ =	sdelay $0x2  }
0x2f5: {  	[tilespmem:s7], [sflag:$0x1] =	stream.indirect_vreg.gather [hbm4b:s1+s4], $0x80, v9, vm0, $0xb8;
	[tilespmem:$0x15500] =	vst v63  }
0x2f6: {  	_ = 	snop  }
0x2f7: {  	[tilespmem:s12], [sflag:$0x1] =	stream.indirect_vreg.gather [hbm4b:s1+s4], $0x80, v8, vm0, $0xb8;
	[tilespmem:$0x15500] =	vst v63  }
0x2f8: {  	v8 =	vld [tilespmem:s17+$0x10];
	_ =	sdelay $0x4  }
0x2f9: {  	v9 =	vshll.u32 v8, $0x1  }
0x2fa: {  	v8 =	vand.u32 $0x7, v8;
	v9 =	vand.u32 $0xFFFFFFF0, v9  }
0x2fb: {  	v8 =	vor.u32 v8, v9  }
0x2fc: {  	v9 =	vperm.xlane v8, v3;
	_ =	sdelay $0x1  }
0x2fd: {  	v8 =	vperm.xlane v8, v5;
	v9 =	vadd.s32 v4, v9;
	_ =	sdelay $0x1  }
0x2fe: {  	v8 =	vadd.s32 v4, v8;
	_ =	sdelay $0x1  }
0x2ff: {  	s12 =	simm.s32 $0x12500  }
0x300: {  	[tilespmem:s12], [sflag:$0x1] =	stream.indirect_vreg.gather [hbm4b:s1+s4], $0x80, v9, vm0, $0xb8;
	[tilespmem:$0x15500] =	vst v63  }
0x301: {  	_ = 	snop  }
0x302: {  	[tilespmem:s13], [sflag:$0x1] =	stream.indirect_vreg.gather [hbm4b:s1+s4], $0x80, v8, vm0, $0xb8;
	[tilespmem:$0x15500] =	vst v63  }
0x303: {  	v8 =	vld [tilespmem:s17+$0x20];
	_ =	sdelay $0x4  }
0x304: {  	v9 =	vshll.u32 v8, $0x1  }
0x305: {  	v8 =	vand.u32 $0x7, v8;
	v9 =	vand.u32 $0xFFFFFFF0, v9  }
0x306: {  	v8 =	vor.u32 v8, v9  }
0x307: {  	v9 =	vperm.xlane v8, v3;
	_ =	sdelay $0x1  }
0x308: {  	v8 =	vperm.xlane v8, v5;
	v9 =	vadd.s32 v4, v9;
	_ =	sdelay $0x1  }
0x309: {  	v8 =	vadd.s32 v4, v8;
	_ =	sdelay $0x2  }
0x30a: {  	[tilespmem:s14], [sflag:$0x1] =	stream.indirect_vreg.gather [hbm4b:s1+s4], $0x80, v9, vm0, $0xb8;
	[tilespmem:$0x15500] =	vst v63  }
0x30b: {  	_ = 	snop  }
0x30c: {  	[tilespmem:s18], [sflag:$0x1] =	stream.indirect_vreg.gather [hbm4b:s1+s4], $0x80, v8, vm0, $0xb8;
	[tilespmem:$0x15500] =	vst v63  }
0x30d: {  	v8 =	vld [tilespmem:s17+$0x30];
	_ =	sdelay $0x4  }
0x30e: {  	v9 =	vshll.u32 v8, $0x1  }
0x30f: {  	v8 =	vand.u32 $0x7, v8;
	v9 =	vand.u32 $0xFFFFFFF0, v9  }
0x310: {  	v8 =	vor.u32 v8, v9  }
0x311: {  	v9 =	vperm.xlane v8, v3;
	_ =	sdelay $0x1  }
0x312: {  	v8 =	vperm.xlane v8, v5;
	v9 =	vadd.s32 v4, v9;
	_ =	sdelay $0x1  }
0x313: {  	v8 =	vadd.s32 v4, v8;
	_ =	sdelay $0x2  }
0x314: {  	[tilespmem:s19], [sflag:$0x1] =	stream.indirect_vreg.gather [hbm4b:s1+s4], $0x80, v9, vm0, $0xb8;
	[tilespmem:$0x15500] =	vst v63  }
0x315: {  	s30 =	simm.s32 $0x3800  }
0x316: {  	[tilespmem:s20], [sflag:$0x1] =	stream.indirect_vreg.gather [hbm4b:s1+s4], $0x80, v8, vm0, $0xb8;
	[tilespmem:$0x15500] =	vst v63  }
0x317: {  	v8 =	vld [tilespmem:s30+$0x0];
	_ =	sdelay $0x4  }
0x318: {  	vm2 =	vge.s32 v8, v1;
	vm3 =	vlt.s32 v8, v2  }
0x319: {  	vm2 =	vmand vm2, vm3  }
0x31a: {  	v9 =	vsel vm2, $0x1, v6  }
0x31b: {  	(xrf0) =	vadd.scan.msk.s32 $0xffff, v9;
	_ =	sdelay $0x1  }
0x31c: {  	s28 =	sadd.s32 s28, s0  }
0x31d: {  	v9 =	vmov s28  }
0x31e: {  	v9 =	vadd.s32 $0xFFFFFFFF, v9  }
0x31f: {  	v9 =	vbroadcast v9, $0x0  }
0x320: {  	v10, _, _ =	vpop (xrf0)  }
0x321: {  	v9 =	vadd.s32 v10, v9;
	(v2sf) =	vpush v10, $0xF  }
0x322: {  	v8 =	vsub.s32 v8, v1  }
0x323: {  	v8 =	vshll.u32 v8, $0xE  }
0x324: {  	v8 =	vadd.s32 s30, v8  }
0x325: {  	v8 =	vadd.s32 v0, v8  }
0x326: {  	s29 =	simm.s32 $0x3810;
	[tilespmem:v9+s2+$0x0] =	vst.idx.msk vm2, v8  }
0x327: {  	s0 =	simm.s32 $0x3820;
	s8 =	simm.s32 $0x3810;
	v8 =	vld [tilespmem:s29+$0x0]  }
.LBB2_16:
0x328: {  	p0 =	sne.s32 s0, $0x3FF0;
	_ =	sdelay $0x3  }
0x329: {  	vm2 =	vge.s32 v8, v1;
	vm3 =	vlt.s32 v8, v2;
	v8 =	vsub.s32 v8, v1  }
0x32a: {  	vm2 =	vmand vm2, vm3  }
0x32b: {  	v9 =	vsel vm2, $0x1, v6  }
0x32c: {  	(xrf0) =	vadd.scan.msk.s32 $0xffff, v9  }
0x32d: {  	s30 =	spop (v2sf)  }
0x32e: {  	s28 =	sadd.s32 s28, s30  }
0x32f: {  	v9 =	vmov s28  }
0x330: {  	v9 =	vadd.s32 $0xFFFFFFFF, v9  }
0x331: {  	v9 =	vbroadcast v9, $0x0  }
0x332: {  	v10, _, _ =	vpop (xrf0)  }
0x333: {  	v9 =	vadd.s32 v10, v9;
	(v2sf) =	vpush v10, $0xF;
	_ =	sdelay $0x1  }
.Ltmp9:
0x334: {  	v8 =	vshll.u32 v8, $0xE;
	(pc) =	sbr.rel @p0 .LBB2_16-.Ltmp9, $4  }
0x335: {  	v8 =	vadd.s32 s29, v8;
	s29 =	smov.u32 s0  }
0x336: {  	v8 =	vadd.s32 v0, v8  }
0x337: {  	s8 =	sadd.s32 $0x10, s8;
	[tilespmem:v9+s2+$0x0] =	vst.idx.msk vm2, v8  }
0x338: {  	s0 =	sadd.s32 $0x10, s0;
	v8 =	vld [tilespmem:s8+$0x0]  }
0x339: {  	_ =	sdelay $0x3  }
0x33a: {  	vm2 =	vge.s32 v8, v1;
	vm3 =	vlt.s32 v8, v2  }
0x33b: {  	vm2 =	vmand vm2, vm3  }
0x33c: {  	v9 =	vsel vm2, $0x1, v6  }
0x33d: {  	(xrf0) =	vadd.scan.msk.s32 $0xffff, v9;
	_ =	sdelay $0x5  }
0x33e: {  	v9, _, _ =	vpop (xrf0)  }
0x33f: {  	(v2sf) =	vpush v9, $0xF;
	_ =	sdelay $0x3  }
0x340: {  	s0 =	spop (v2sf)  }
0x341: {  	s28 =	sadd.s32 s28, s0  }
0x342: {  	v10 =	vmov s28  }
0x343: {  	v10 =	vadd.s32 $0xFFFFFFFF, v10  }
0x344: {  	v10 =	vbroadcast v10, $0x0;
	_ =	sdelay $0x1  }
0x345: {  	v9 =	vadd.s32 v9, v10  }
0x346: {  	v8 =	vsub.s32 v8, v1  }
0x347: {  	v8 =	vshll.u32 v8, $0xE  }
0x348: {  	v8 =	vadd.s32 s29, v8  }
0x349: {  	v8 =	vadd.s32 v0, v8  }
0x34a: {  	[tilespmem:v9+s2+$0x0] =	vst.idx.msk vm2, v8;
	s29 =	spop (v2sf)  }
0x34b: {  	_ =	swait.ge [sflag:s3], $0x4000;
	s8 =	sadd.s32 s28, s29  }
0x34c: {  	s0 =	simm.s32 $0x0;
	[sflag:s3] =	ssyncset.done $0x0;
	s8 =	sadd.s32 $0xF, s8  }
0x34d: {  	s12 =	rddreg [dreg:$0xb];
	[sflag:s3] =	ssyncadd.s32 $0xFFFFC000;
	s30 =	sand.u32 $0xF, s8  }
0x34e: {  	[hbm4b:s12+s0] =	stream.linear.scatter [tilespmem:s7], [sflag:$0x2], $0x4000, $0x38;
	[tilespmem:$0x15500] =	vst v63  }
0x34f: {  	p1 =	slt.s32 s8, $0x1;
	p0 =	sne.s32 s30, $0x0;
	s12 =	sshra.s32 s8, $0x1F  }
0x350: {  	s30 =	sshrl.u32 s12, $0x1C;
	p0 =	por !p1, !p0  }
0x351: {  	s8 =	sadd.s32 s30, s8;
	p0 =	por !p0, !p0;
	s30 =	simm.s32 $0x1  }
0x352: {  	s8 =	sshra.s32 s8, $0x4;
	s30 =	simm.s32 @!p0 $0x0  }
0x353: {  	s8 =	ssub.s32 s8, s30  }
0x354: {  	p0 =	slt.s32 s8, $0x1  }
.Ltmp10:
0x355: {  	_ = 	snop;
	(pc) =	sbr.rel @p0 .LBB2_26-.Ltmp10, $1  }
0x356: {  	_ =	sdelay $0x3  }
0x357: {  	s31 =	sadd.s32 s28, s29;
	s0 =	simm.s32 $0x4000  }
0x358: {  	s29 =	simm.s32 $0x4000;
	s30 =	smov.u32 s8;
	s28 =	smov.u32 s31  }
.LBB2_19:
0x359: {  	v8 =	vld [tilespmem:s29+$0x0];
	_ =	sdelay $0x2  }
0x35a: {  	v9 =	vmov s28  }
0x35b: {  	vm2 =	vgt.s32 v9, v0  }
0x35c: {  	v8 =	vnsel vm2, $0x7FFFFFFF, v8  }
0x35d: {  	v62 =	vxor.u32 $0x80000000, v8  }
0x35e: {  	(xrf1) =	vsort.ascd.msk.u32 $0xffff, v62, v8;
	_ =	sdelay $0xd  }
0x35f: {  	v8, _, _ =	vpop (xrf1)  }
0x360: {  	v63 =	vshrl.u32 v8, $0xE  }
0x361: {  	v10 =	vxor.u32 $0x20000, v63  }
0x362: {  	v11 =	vperm.xlane v10, v7;
	_ =	sdelay $0x1  }
0x363: {  	vm2 =	vne.s32 v10, v11  }
0x364: {  	vm3 =	vne.s32 v8, $0xFFFFFFFF;
	vm2 =	vmor vm2, vm1  }
0x365: {  	v9 =	vand.u32 $0x7F, v63;
	v10 =	vand.u32 $0x3FF80, v10;
	vm2 =	vmand vm3, vm2  }
0x366: {  	p0 =	sne.s32 s30, $0x1;
	v9 =	vor.u32 v9, v10  }
.Ltmp11:
0x367: {  	_ = 	snop;
	(pc) =	sbr.rel @p0 .LBB2_19-.Ltmp11, $3  }
0x368: {  	_ =	sdelay $0x1  }
0x369: {  	v8 =	vand.u32 $0x3FFF, v8  }
0x36a: {  	s29 =	sadd.s32 $0x10, s29;
	s28 =	sadd.s32 $0xFFFFFFF0, s28;
	s30 =	sadd.s32 $0xFFFFFFFF, s30;
	[tilespmem:v9+s22+$0x0] =	vst.idx.msk vm2, v8  }
0x36b: {  	p1 =	sne.s32 s8, $0x1  }
.Ltmp12:
0x36c: {  	_ = 	snop;
	(pc) =	sbr.rel @!p1 .LBB2_21-.Ltmp12, $2  }
0x36d: {  	_ =	sdelay $0x2  }
0x36e: {  	s29 =	simm.s32 $0x0;
	v8 =	vld [tilespmem:s0+$0x0];
	s8 =	sadd.s32 $0xFFFFFFFF, s8;
	p0 =	por $0x0, $0x0  }
0x36f: {  	_ =	sdelay $0x2  }
0x370: {  	v9 =	vmov s31  }
0x371: {  	vm2 =	vgt.s32 v9, v0;
	v9 =	vshrl.u32 v8, $0xE  }
0x372: {  	v9 =	vnsel vm2, $0x0, v9;
	_ =	sdelay $0x4  }
0x373: {  	v9 =	vld.idx.msk [tilespmem:v9+s22+$0x0], $0xffff;
	_ =	sdelay $0x3  }
0x374: {  	v10 =	vand.u32 $0x3FFF, v8  }
0x375: {  	vm3 =	veq.s32 v9, v10  }
0x376: {  	vm2 =	vmand vm2, vm3  }
0x377: {  	v9 =	vsel vm2, $0x1, v6  }
0x378: {  	(xrf0) =	vadd.scan.msk.s32 $0xffff, v9;
	_ =	sdelay $0x1  }
0x379: {  	s0 =	simm.s32 $0x10  }
0x37a: {  	v9 =	vmov s0  }
0x37b: {  	v9 =	vadd.s32 $0xFFFFFFFF, v9  }
0x37c: {  	v9 =	vbroadcast v9, $0x0  }
0x37d: {  	v10, _, _ =	vpop (xrf0)  }
0x37e: {  	v9 =	vadd.s32 v10, v9;
	(v2sf) =	vpush v10, $0xF  }
0x37f: {  	p1 =	sne.s32 s8, $0x1  }
.Ltmp13:
0x380: {  	_ = 	snop;
	(pc) =	sbr.rel @!p1 .LBB2_23-.Ltmp13, $3  }
0x381: {  	_ =	sdelay $0x1  }
0x382: {  	s8 =	sadd.s32 $0xFFFFFFFF, s8;
	s0 =	simm.s32 $0x4010;
	[tilespmem:v9+s25+$0x0] =	vst.idx.msk vm2, v8  }
0x383: {  	p0 =	por $0x1, $0x1;
	s28 =	smov.u32 s31;
	s30 =	simm.s32 $0x0;
	v8 =	vld [tilespmem:s0+$0x0]  }
.LBB2_24:
0x384: {  	p1 =	sne.s32 s8, $0x1;
	_ =	sdelay $0x1  }
0x385: {  	s28 =	sadd.s32 $0xFFFFFFF0, s28  }
0x386: {  	v9 =	vmov s28  }
0x387: {  	vm2 =	vgt.s32 v9, v0;
	v9 =	vshrl.u32 v8, $0xE  }
0x388: {  	v9 =	vnsel vm2, $0x0, v9;
	_ =	sdelay $0x2  }
0x389: {  	s12 =	spop (v2sf)  }
0x38a: {  	s30 =	sadd.s32 s30, s12  }
0x38b: {  	v9 =	vld.idx.msk [tilespmem:v9+s22+$0x0], $0xffff;
	s12 =	sadd.s32 $0x10, s30  }
0x38c: {  	v10 =	vmov s12  }
0x38d: {  	v10 =	vadd.s32 $0xFFFFFFFF, v10  }
0x38e: {  	v10 =	vbroadcast v10, $0x0;
	_ =	sdelay $0x1  }
0x38f: {  	v11 =	vand.u32 $0x3FFF, v8  }
0x390: {  	vm3 =	veq.s32 v9, v11  }
0x391: {  	vm2 =	vmand vm2, vm3  }
0x392: {  	v9 =	vsel vm2, $0x1, v6  }
0x393: {  	(xrf0) =	vadd.scan.msk.s32 $0xffff, v9;
	_ =	sdelay $0x5  }
0x394: {  	v9, _, _ =	vpop (xrf0)  }
0x395: {  	v10 =	vadd.s32 v9, v10;
	(v2sf) =	vpush v9, $0xF;
	_ =	sdelay $0x1  }
.Ltmp14:
0x396: {  	(pc) =	sbr.rel @p1 .LBB2_24-.Ltmp14, $3  }
0x397: {  	_ =	sdelay $0x1  }
0x398: {  	s0 =	sadd.s32 $0x10, s0;
	[tilespmem:v10+s25+$0x0] =	vst.idx.msk vm2, v8  }
0x399: {  	s8 =	sadd.s32 $0xFFFFFFFF, s8;
	v8 =	vld [tilespmem:s0+$0x0]  }
.LBB2_25:
0x39a: {  	_ = 	snop  }
0x39b: {  	s0 =	sadd.s32 @p0 $0xFFFFFFF0, s28  }
0x39c: {  	s31 =	smov.u32 @p0 s0  }
0x39d: {  	v9 =	vmov s31  }
0x39e: {  	vm2 =	vgt.s32 v9, v0;
	v61 =	vshrl.u32 v8, $0xE  }
0x39f: {  	v9 =	vnsel vm2, $0x0, v61;
	_ =	sdelay $0x4  }
0x3a0: {  	v9 =	vld.idx.msk [tilespmem:v9+s22+$0x0], $0xffff;
	_ =	sdelay $0x3  }
0x3a1: {  	v10 =	vand.u32 $0x3FFF, v8  }
0x3a2: {  	vm3 =	veq.s32 v9, v10  }
0x3a3: {  	vm2 =	vmand vm2, vm3  }
0x3a4: {  	v62 =	vsel vm2, $0x1, v6  }
0x3a5: {  	(xrf0) =	vadd.scan.msk.s32 $0xffff, v62;
	_ =	sdelay $0x5  }
0x3a6: {  	v9, _, _ =	vpop (xrf0)  }
0x3a7: {  	(v2sf) =	vpush v9, $0xF;
	_ =	sdelay $0x2  }
0x3a8: {  	s0 =	spop @p0 (v2sf)  }
0x3a9: {  	s0 =	sadd.s32 @p0 s30, s0  }
0x3aa: {  	s29 =	smov.u32 @p0 s0  }
0x3ab: {  	s0 =	sadd.s32 $0x10, s29  }
0x3ac: {  	v63 =	vmov s0  }
0x3ad: {  	v10 =	vadd.s32 $0xFFFFFFFF, v63  }
0x3ae: {  	v10 =	vbroadcast v10, $0x0;
	_ =	sdelay $0x1  }
0x3af: {  	v9 =	vadd.s32 v9, v10;
	_ =	sdelay $0x3  }
0x3b0: {  	s30 =	spop (v2sf)  }
0x3b1: {  	s31 =	simm.s32 $0xDD00;
	[tilespmem:v9+s25+$0x0] =	vst.idx.msk vm2, v8;
	s0 =	sadd.s32 s29, s30  }
.LBB2_26:
0x3b2: {  	v8 =	vmov s0  }
0x3b3: {  	[tilespmem:$0x8080] =	vst v8  }
0x3b4: {  	v8 =	vld.msk [tilespmem:$0x8090 ss:$0x0], $0xffff  }
0x3b5: {  	s8 =	sadd.s32 $0xFF, s0  }
0x3b6: {  	s12 =	sand.u32 $0xFF, s8  }
0x3b7: {  	s28 =	sshra.s32 s8, $0x1F;
	p0 =	slt.s32 s8, $0x1;
	p1 =	sne.s32 s12, $0x0  }
0x3b8: {  	s28 =	sshrl.u32 s28, $0x18;
	p0 =	por !p0, !p1  }
0x3b9: {  	s12 =	simm.s32 $0x1;
	s8 =	sadd.s32 s28, s8;
	p0 =	por !p0, !p0;
	[tilespmem:s0+$0x8090] =	vst v8  }
0x3ba: {  	s8 =	sshrl.u32 s8, $0x8;
	s12 =	simm.s32 @!p0 $0x0;
	[tilespmem:s0+$0x80A0] =	vst v8  }
0x3bb: {  	s8 =	ssub.s32 s8, s12;
	[tilespmem:s0+$0x80B0] =	vst v8  }
0x3bc: {  	[tilespmem:s0+$0x80C0] =	vst v8;
	s8 =	sshll.u32 s8, $0x8  }
0x3bd: {  	[tilespmem:s0+$0x80D0] =	vst v8;
	s8 =	sadd.s32 $0x80F, s8  }
0x3be: {  	[tilespmem:s0+$0x80E0] =	vst v8;
	s29 =	sshra.s32 s8, $0x1F  }
0x3bf: {  	[tilespmem:s0+$0x80F0] =	vst v8;
	s30 =	sshrl.u32 s29, $0x15  }
0x3c0: {  	[tilespmem:s0+$0x8100] =	vst v8;
	s8 =	sadd.s32 s30, s8  }
0x3c1: {  	[tilespmem:s0+$0x8110] =	vst v8;
	s8 =	sshra.s32 s8, $0xB  }
0x3c2: {  	[tilespmem:s0+$0x8120] =	vst v8;
	s8 =	sadd.s32 s29, s8  }
0x3c3: {  	[tilespmem:s0+$0x8130] =	vst v8;
	p0 =	slt.s32 s8, $0x1  }
.Ltmp15:
0x3c4: {  	[tilespmem:s0+$0x8140] =	vst v8;
	(pc) =	sbr.rel @p0 .LBB2_30-.Ltmp15, $4  }
0x3c5: {  	[tilespmem:s0+$0x8150] =	vst v8  }
0x3c6: {  	[tilespmem:s0+$0x8160] =	vst v8  }
0x3c7: {  	[tilespmem:s0+$0x8170] =	vst v8  }
0x3c8: {  	[tilespmem:s0+$0x8180] =	vst v8;
	s0 =	simm.s32 $0x8080  }
0x3c9: {  	p0 =	sne.s32 s8, $0x1  }
.Ltmp16:
0x3ca: {  	_ = 	snop;
	(pc) =	sbr.rel @!p0 .LBB2_29-.Ltmp16, $4  }
0x3cb: {  	s28 =	rddreg [dreg:$0xd]  }
0x3cc: {  	[hbm4b:s28+s4] =	stream.linear.scatter [tilespmem:s0], [sflag:$0x3], $0x800, $0x38;
	[tilespmem:$0x15500] =	vst v63  }
0x3cd: {  	_ =	swait.ge [sflag:s23], $0x800  }
0x3ce: {  	s8 =	sadd.s32 $0xFFFFFFFF, s8;
	[sflag:s23] =	ssyncset.done $0x0  }
.LBB2_28:
0x3cf: {  	[sflag:s23] =	ssyncadd.s32 $0xFFFFF800  }
0x3d0: {  	s0 =	sadd.s32 $0x800, s0;
	s28 =	sadd.s32 $0x100, s28;
	p0 =	sne.s32 s8, $0x1  }
.Ltmp17:
0x3d1: {  	s8 =	sadd.s32 $0xFFFFFFFF, s8;
	(pc) =	sbr.rel @p0 .LBB2_28-.Ltmp17, $4  }
0x3d2: {  	_ = 	snop  }
0x3d3: {  	[hbm4b:s28+s4] =	stream.linear.scatter [tilespmem:s0], [sflag:$0x3], $0x800, $0x38;
	[tilespmem:$0x15500] =	vst v63  }
0x3d4: {  	_ =	swait.ge [sflag:s23], $0x800  }
0x3d5: {  	[sflag:s23] =	ssyncset.done $0x0  }
.Ltmp18:
0x3d6: {  	_ = 	snop;
	(pc) =	sbr.rel .LBB2_29-.Ltmp18, $1  }
0x3d7: {  	_ =	sdelay $0x3  }
.LBB2_21:
.Ltmp19:
0x3d8: {  	(pc) =	sbr.rel .LBB2_25-.Ltmp19, $2  }
0x3d9: {  	_ =	sdelay $0x2  }
0x3da: {  	s28 =	smov.u32 s31;
	s30 =	simm.s32 $0x0  }
.LBB2_23:
.Ltmp20:
0x3db: {  	(pc) =	sbr.rel .LBB2_25-.Ltmp20, $2  }
0x3dc: {  	_ =	sdelay $0x2  }
0x3dd: {  	s28 =	smov.u32 s31;
	s30 =	simm.s32 $0x0  }
.LBB2_31:
0x3de: {  	_ =	sfence.sel $0x180000  }
0x3df: {  	[bflag:$0x0] =	sbarrier.arrive $0xFFFF  }
0x3e0: {  	_ =	strace $0x90000047  }
0x3e1: {  	s0 =	stileid.u32;
	[bflag:$0x2] =	sbarrier.arrive $0xFFFF  }
0x3e2: {  	p0 =	sne.s32 s0, $0x0;
	s0 =	rddreg [dreg:$0x3]  }
0x3e3: {  	s0 =	sadd.s32 @!p0 $0x100000, s0  }
0x3e4: {  	[sflag:s0] =	ssyncadd.tile.s32 @!p0 $0x1;
	_ =	shalt  }
.Lfunc_end2:
_tile_overlayer_lowered:
.L_overlay_start_2:
0x3e5: {  	(tag) =	ssettag $0x2  }
0x3e6: {  	s0 =	rddreg [dreg:$0x0];
	s2 =	stileid.u32  }
0x3e7: {  	s1 =	rddreg [dreg:$0x1];
	p0 =	sne.s32 s2, $0x0  }
0x3e8: {  	s3 =	rddreg [dreg:$0x2];
	[bflag:$0x3] =	sbarrier.arrive $0xFFFF;
	s2 =	simm.s32 @!p0 $0x1C03  }
0x3e9: {  	[timem:s3], [sflag:s2] =	dma.local @!p0 [hbm:s0], s1  }
0x3ea: {  	s0 =	simm.s32 @!p0 $0x3  }
0x3eb: {  	_ =	swait.ge @!p0 [sflag:s0], s1  }
0x3ec: {  	s1 =	ssub.s32 @!p0 $0x0, s1;
	[sflag:s0] =	ssyncset.done @!p0 $0x0  }
0x3ed: {  	[sflag:s0] =	ssyncadd.s32 @!p0 s1  }
0x3ee: {  	[bflag:$0x3] =	sbarrier.arrive $0xFFFF  }
0x3ef: {  	_ =	shalt  }

// kernel: kernel.8.cloned.1.call-start
scs
__scs_entry_jumppad:
0x0: {  	(pc) =	sbr.rel $0x88, $3  }
0x1: {  	(tag) =	ssettag $0x0;
	lr =	simm.s32 $0x1  }
0x2: {  	[smem:$0x3F96] =	sst lr;
	_ =	strace $0xD0000000  }
0x3: {  	_ = 	snop  }
0x4: {  	_ = 	snop  }
0x5: {  	_ = 	snop  }
0x6: {  	_ = 	snop  }
0x7: {  	_ = 	snop  }
__scs_overlays_trampoline_lowered:
0x8: {  	[smem:$0x3FA5] =	sst s0  }
0x9: {  	[smem:$0x3FA6] =	sst s1  }
0xa: {  	[smem:$0x3FA7] =	sst s2  }
0xb: {  	[smem:$0x3FA8] =	sst s3  }
0xc: {  	[smem:$0x3FA9] =	sst s4  }
0xd: {  	[smem:$0x3FAA] =	sst s5  }
0xe: {  	[smem:$0x3FAB] =	sst s6  }
0xf: {  	[smem:$0x3FAC] =	sst s7  }
0x10: {  	[smem:$0x3FAD] =	sst s8  }
0x11: {  	[smem:$0x3FAE] =	sst s9;
	s0 =	simm.s32 @!p0 $0x0  }
0x12: {  	s1 =	sld [smem:$0x3F94];
	s0 =	simm.s32 @p0 $0x1  }
0x13: {  	[smem:$0x3FAF] =	sst s0;
	s0 =	simm.s32 @!p1 $0x0  }
0x14: {  	s2 =	sld [smem:$0x3F93];
	s0 =	simm.s32 @p1 $0x1  }
0x15: {  	[smem:$0x3FB0] =	sst s0;
	s0 =	simm.s32 @!p2 $0x0  }
0x16: {  	s3 =	sld [smem:$0x3FDB];
	s0 =	simm.s32 @p2 $0x1  }
0x17: {  	s4 =	simm.s32 $0x1BF5;
	[smem:$0x3FB2] =	sst s0  }
0x18: {  	s0 =	sld [smem:$0x3F95];
	_ =	swait.ge [sflag:s4], $0x0  }
0x19: {  	s7 =	sld [smem:$0x3F96]  }
0x1a: {  	s8 =	sadd.s32 $0xFFFFE003, lr  }
0x1b: {  	s9 =	sadd.s32 $0xFFFFFEF7, lr;
	s5 =	simm.s32 $0xFFFFFFFF;
	p2 =	slt.u32 s8, $0xFFFFF086  }
0x1c: {  	p1 =	slt.u32 s9, $0xF7A;
	s5 =	simm.s32 @!p2 $0x0  }
0x1d: {  	s5 =	simm.s32 @p1 $0x1;
	p0 =	seq.s32 s7, s2  }
0x1e: {  	s7 =	smul.u32 @!p0 $0xF7A, s2;
	p2 =	seq.s32 @!p0 s5, $0x0  }
0x1f: {  	s9 =	smul.u32 $0xF7A, s1;
	s8 =	simm.s32 @!p0 $0x1BF5;
	p2 =	por !p2, p0  }
0x20: {  	[sflag:s8] =	ssyncset.s32 @!p0 $0xFFFFF086;
	s6 =	sadd.s32 @!p0 s3, s7;
	s7 =	simm.s32 @!p0 $0x108  }
0x21: {  	s3 =	sadd.s32 s3, s9;
	s6 =	sadd.s32 @!p0 $0x88, s6;
	s7 =	simm.s32 @p2 $0x1082  }
0x22: {  	[simem:s7], [sflag:s8] =	dma.local @!p0 [hbm:s6], $0xF7A  }
0x23: {  	s9 =	sor.u32 $0xD0000000, s2;
	s6 =	simm.s32 $0x108;
	_ =	swait.ge @!p0 [sflag:s8], $0x0  }
0x24: {  	s3 =	sadd.s32 $0x88, s3;
	s6 =	simm.s32 @!p1 $0x1082;
	[sflag:s4] =	ssyncset.s32 $0xFFFFF086  }
0x25: {  	[simem:s6], [sflag:s4] =	dma.local [hbm:s3], $0xF7A  }
0x26: {  	[smem:$0x3F96] =	sst s1;
	(tag) =	ssettag s2;
	_ =	strace s9  }
0x27: {  	s1 =	sld [smem:$0x3FA6]  }
0x28: {  	s2 =	sld [smem:$0x3FA7]  }
0x29: {  	s4 =	sld [smem:$0x3FA9]  }
0x2a: {  	p0 =	seq.s32 s5, $0x0;
	s5 =	sld [smem:$0x3FAA]  }
0x2b: {  	s6 =	sld [smem:$0x3FAB]  }
0x2c: {  	s7 =	sld [smem:$0x3FAC]  }
0x2d: {  	s3 =	simm.s32 $0x108;
	s8 =	sld [smem:$0x3FAD]  }
0x2e: {  	s3 =	simm.s32 @!p0 $0x1082;
	s9 =	sld [smem:$0x3FAE]  }
0x2f: {  	lr =	sadd.s32 s0, s3;
	s0 =	sld [smem:$0x3FA5]  }
0x30: {  	s3 =	sld [smem:$0x3FA8]  }
0x31: {  	[smem:$0x3FB1] =	sst s10  }
0x32: {  	s10 =	sld [smem:$0x3FAF];
	_ =	sdelay $0x3  }
0x33: {  	p0 =	seq.s32 s10, $0x1;
	s10 =	sld [smem:$0x3FB1];
	_ =	sdelay $0x3  }
0x34: {  	[smem:$0x3FB1] =	sst s10  }
0x35: {  	s10 =	sld [smem:$0x3FB0];
	_ =	sdelay $0x3  }
0x36: {  	p1 =	seq.s32 s10, $0x1;
	s10 =	sld [smem:$0x3FB1];
	_ =	sdelay $0x3  }
0x37: {  	[smem:$0x3FB1] =	sst s10  }
0x38: {  	s10 =	sld [smem:$0x3FB2]  }
0x39: {  	_ = 	snop;
	(pc) =	sbr.ind lr, $3  }
0x3a: {  	_ = 	snop  }
0x3b: {  	_ = 	snop  }
0x3c: {  	p2 =	seq.s32 s10, $0x1;
	s10 =	sld [smem:$0x3FB1]  }
0x3d: {  	_ =	shalt  }
0x3e: {  	_ =	shalt  }
0x3f: {  	_ =	shalt  }
0x40: {  	_ =	shalt  }
0x41: {  	_ =	shalt  }
0x42: {  	_ =	shalt  }
0x43: {  	_ =	shalt  }
0x44: {  	_ =	shalt  }
0x45: {  	_ =	shalt  }
0x46: {  	_ =	shalt  }
0x47: {  	_ =	shalt  }
0x48: {  	_ =	shalt  }
0x49: {  	_ =	shalt  }
0x4a: {  	_ =	shalt  }
0x4b: {  	_ =	shalt  }
0x4c: {  	_ =	shalt  }
0x4d: {  	_ =	shalt  }
0x4e: {  	_ =	shalt  }
0x4f: {  	_ =	shalt  }
0x50: {  	_ =	shalt  }
0x51: {  	_ =	shalt  }
0x52: {  	_ =	shalt  }
0x53: {  	_ =	shalt  }
0x54: {  	_ =	shalt  }
0x55: {  	_ =	shalt  }
0x56: {  	_ =	shalt  }
0x57: {  	_ =	shalt  }
0x58: {  	_ =	shalt  }
0x59: {  	_ =	shalt  }
0x5a: {  	_ =	shalt  }
0x5b: {  	_ =	shalt  }
0x5c: {  	_ =	shalt  }
0x5d: {  	_ =	shalt  }
0x5e: {  	_ =	shalt  }
0x5f: {  	_ =	shalt  }
0x60: {  	_ =	shalt  }
0x61: {  	_ =	shalt  }
0x62: {  	_ =	shalt  }
0x63: {  	_ =	shalt  }
0x64: {  	_ =	shalt  }
0x65: {  	_ =	shalt  }
0x66: {  	_ =	shalt  }
0x67: {  	_ =	shalt  }
0x68: {  	_ =	shalt  }
0x69: {  	_ =	shalt  }
0x6a: {  	_ =	shalt  }
0x6b: {  	_ =	shalt  }
0x6c: {  	_ =	shalt  }
0x6d: {  	_ =	shalt  }
0x6e: {  	_ =	shalt  }
0x6f: {  	_ =	shalt  }
0x70: {  	_ =	shalt  }
0x71: {  	_ =	shalt  }
0x72: {  	_ =	shalt  }
0x73: {  	_ =	shalt  }
0x74: {  	_ =	shalt  }
0x75: {  	_ =	shalt  }
0x76: {  	_ =	shalt  }
0x77: {  	_ =	shalt  }
0x78: {  	_ =	shalt  }
0x79: {  	_ =	shalt  }
0x7a: {  	_ =	shalt  }
0x7b: {  	_ =	shalt  }
0x7c: {  	_ =	shalt  }
0x7d: {  	_ =	shalt  }
0x7e: {  	_ =	shalt  }
0x7f: {  	_ =	shalt  }
0x80: {  	_ =	shalt  }
0x81: {  	_ =	shalt  }
0x82: {  	_ =	shalt  }
0x83: {  	_ =	shalt  }
0x84: {  	_ =	shalt  }
0x85: {  	_ =	shalt  }
0x86: {  	_ =	shalt  }
0x87: {  	_ =	shalt  }
.Lfunc_end0:
.L_simem_size_0:
called_computation.1_lowered:
.L_overlay_start_0:
0x88: {  	s2 =	sld [smem:$0x3FD9]  }
0x89: {  	s3 =	sld [smem:$0x3FFE];
	_ =	sdelay $0x1  }
0x8a: {  	s1 =	srdreg.scid  }
0x8b: {  	s0 =	sand.u32 $0x1, s1  }
0x8c: {  	s17 =	sshll.u32 s0, $0xA;
	s2 =	sadd.s32 s3, s2  }
0x8d: {  	s2 =	sadd.s32 s2, s17  }
0x8e: {  	[smem:$0x3FBD] =	sst s2  }
0x8f: {  	_ = 	snop  }
0x90: {  	s2 =	sld [smem:$0x3FD0];
	(tm) =	ssettm $0x1  }
0x91: {  	s18 =	sld [smem:$0x3FFB];
	_ =	sdelay $0x3  }
0x92: {  	_ =	strace s18  }
0x93: {  	s3 =	sld [smem:$0x3FFC];
	_ =	sdelay $0x3  }
0x94: {  	_ =	strace s3  }
0x95: {  	s3 =	sld [smem:$0x3FFD];
	_ =	sdelay $0x3  }
0x96: {  	_ =	strace s3  }
0x97: {  	_ =	strace $0x8FFFFFFF  }
0x98: {  	s19 =	sld [smem:$0x3FDB];
	_ =	sdelay $0x1  }
0x99: {  	s4 =	simm.s32 $_scs_section_size  }
0x9a: {  	s5 =	simm.s32 $_size__tile_overlayer_lowered;
	s6 =	simm.s32 $_tile_overlayer_lowered  }
0x9b: {  	s22 =	simm.s32 $0x1BFF;
	s21 =	sshll.u32 s6, $0x1;
	s3 =	sadd.s32 s4, s19  }
0x9c: {  	s7 =	simm.s32 $0x0;
	s20 =	sshll.u32 s5, $0x1;
	s5 =	sadd.s32 s21, s3  }
0x9d: {  	[timem:s7], [sflag:s22] =	dma.local [hbm:s5], s20  }
0x9e: {  	_ =	swait.ge [sflag:s22], s20  }
0x9f: {  	s4 =	ssub.s32 $0x0, s20;
	[sflag:s22] =	ssyncset.done $0x0  }
0xa0: {  	[sflag:s22] =	ssyncadd.s32 s4;
	_ =	sdelay $0x1  }
0xa1: {  	s23 =	simm.s32 $0x1B8B  }
0xa2: {  	_ =	swait.ge [sflag:s23], $0x1  }
0xa3: {  	[sflag:s23] =	ssyncset.done $0x0  }
0xa4: {  	s25 =	simm.s32 $0x1B8E;
	s24 =	sld [smem:$0x3FFE];
	[sflag:s23] =	ssyncadd.s32 $0xFFFFFFFF  }
0xa5: {  	s26 =	simm.s32 $execute0_lowered;
	[smem:$0x3FD2] =	sst s25  }
0xa6: {  	s5 =	sshll.u32 s26, $0x1;
	_ =	strace $0x80000049;
	[dreg:$0x1] =	wrdreg $0xFFFFFFFF  }
0xa7: {  	s28 =	simm.s32 $_size_execute0_lowered;
	s3 =	sadd.s32 s3, s5;
	[dreg:$0x0] =	wrdreg $0x0  }
0xa8: {  	s5 =	sshll.u32 s28, $0x1;
	[dreg:$0x2] =	wrdreg s3  }
0xa9: {  	[dreg:$0x3] =	wrdreg s5  }
0xaa: {  	[dreg:$0x4] =	wrdreg $0xC0  }
0xab: {  	_ =	task [dreg:s7], $0x5FFFF  }
0xac: {  	[dreg:$0x1] =	wrdreg $0xFFFFFFFF  }
0xad: {  	[dreg:$0x0] =	wrdreg $0x60  }
0xae: {  	[dreg:$0x2] =	wrdreg s2  }
0xaf: {  	[dreg:$0x3] =	wrdreg s24  }
0xb0: {  	[dreg:$0x4] =	wrdreg $0x9  }
0xb1: {  	_ =	task.clear_ibuf [dreg:s7], $0x5FFFF;
	_ =	strace $0x90000049  }
0xb2: {  	s29 =	simm.s32 $0x9;
	_ =	strace $0x8000004B  }
0xb3: {  	_ =	swait.ge [sflag:s29], $0x1  }
0xb4: {  	[sflag:s29] =	ssyncadd.s32 $0xFFFFFFFF  }
0xb5: {  	_ =	strace $0x9000004B  }
0xb6: {  	_ =	sfence  }
0xb7: {  	s30 =	sld [smem:$0x0];
	_ =	sdelay $0x2  }
0xb8: {  	s31 =	sshll.u32 s1, $0xD;
	s1 =	sshrl.u32 s1, $0x2  }
0xb9: {  	s3 =	sand.u32 $0x4000, s31;
	s1 =	sadd.s32 s1, s30  }
0xba: {  	s0 =	sor.u32 s3, s0;
	s1 =	sshll.u32 s1, $0x11  }
0xbb: {  	s0 =	sor.u32 s1, s0  }
0xbc: {  	s0 =	sadd.s32 $0x8F2B, s0  }
0xbd: {  	[sflag:s0] =	ssyncadd.remote.s32 $0x1  }
0xbe: {  	_ =	sfence.sel $0xFFFF  }
0xbf: {  	[dreg:$0x0] =	wrdreg $0xFFFFFFFF;
	(pc) =	sbr.abs _section_cstart, $3  }
0xc0: {  	[dreg:$0x1] =	wrdreg $0xFFFFFFFF  }
0xc1: {  	_ =	task.clear_ibuf [dreg:s7], $0x2FFFF;
	_ =	strace $0x9FFFFFFF  }
0xc2: {  	(tm) =	ssettm $0x7FFFFFFF  }
0xc3: {  	_ =	shalt  }
tec
execute0_lowered:
.L_overlay_start_1:
0x0: {  	(tag) =	ssettag $0x1  }
0x1: {  	s0 =	srdreg.scid  }
0x2: {  	s4 =	stileid.u32;
	s2 =	rddreg [dreg:$0x0]  }
0x3: {  	s5 =	rddreg [dreg:$0x1];
	s3 =	simm.s32 $0x0;
	s26 =	simm.s32 $0x80  }
0x4: {  	s28 =	simm.s32 $0x9380;
	s29 =	simm.s32 $0x9B80;
	s30 =	simm.s32 $0xA380  }
0x5: {  	s31 =	simm.s32 $0xAB80;
	s10 =	simm.s32 $0xE380;
	s11 =	simm.s32 $0xEB80  }
0x6: {  	s12 =	simm.s32 $0xF380;
	s13 =	simm.s32 $0xFB80;
	s15 =	simm.s32 $0x0  }
0x7: {  	s0 =	sand.u32 $0x1, s0;
	s1 =	sshll.u32 s4, $0x1;
	[smem:$0x7FF] =	sst s3  }
0x8: {  	s7 =	smul.u32 $0x9000, s4;
	s4 =	sadd.s32 $0x2000, s5;
	s5 =	sadd.s32 $0x82000, s5  }
0x9: {  	s1 =	sor.u32 s0, s1;
	s8 =	ssub.s32 $0x2, s0;
	s0 =	smul.u32 $0x4800, s0  }
0xa: {  	_ =	strace $0x8000004A;
	[dreg:$0x3] =	wrdreg s26;
	s6 =	smul.u32 $0x4800, s1  }
0xb: {  	s26 =	simm.s32 $0x8B80;
	s9 =	sshrl.u32 s8, $0x1;
	s23 =	smul.u32 $0xC35, s1  }
0xc: {  	s1 =	simm.s32 $0xB380;
	s8 =	ssub.s32 s8, s9;
	s0 =	sadd.s32 s0, s7  }
0xd: {  	s7 =	simm.s32 $0xD380;
	s9 =	simm.s32 $0xDB80;
	s6 =	sshrl.u32 s6, $0x3  }
.Ltmp0:
0xe: {  	s0 =	sor.u32 $0x10, s0;
	s25 =	smax.u32 s8, $0x1;
	(pc) =	sbr.rel .LBB2_1-.Ltmp0, $4  }
0xf: {  	s8 =	simm.s32 $0x1;
	s24 =	sadd.s32 s5, s6;
	[dreg:$0x5] =	wrdreg s25  }
0x10: {  	v3 =	vlaneseq.u32;
	s0 =	sshrl.u32 s0, $0x3;
	s25 =	simm.s32 $0x8380;
	s6 =	simm.s32 $0xCB80  }
0x11: {  	vm0 =	vmmov $0xffff;
	v1 =	vand.u32 $0x7, v3;
	v2 =	vshrl.u32 v3, $0x3;
	[dreg:$0x4] =	wrdreg s24;
	s0 =	sadd.s32 s0, s5;
	s24 =	simm.s32 $0x7B80  }
0x12: {  	v3 =	vor.u32 $0x8, v3;
	v2 =	vmul.u32 $0x8, v2;
	v0 =	vmov s23;
	s5 =	simm.s32 $0xC380;
	[dreg:$0x6] =	wrdreg s0;
	s0 =	simm.s32 $0xBB80  }
.LBB2_3:
0x13: {  	s15 =	rddreg [dreg:$0x7]  }
0x14: {  	s14 =	rddreg [dreg:$0x5];
	s15 =	sadd.s32 $0x1, s15  }
0x15: {  	p0 =	sne.s32 s15, s14  }
.Ltmp1:
0x16: {  	_ = 	snop;
	(pc) =	sbr.rel @!p0 .LBB2_4-.Ltmp1, $1  }
0x17: {  	_ =	sdelay $0x3  }
.LBB2_1:
0x18: {  	[dreg:$0x7] =	wrdreg s15  }
0x19: {  	s14 =	rddreg [dreg:$0x4]  }
0x1a: {  	[tilespmem:s3], [sflag:$0x1] =	stream.linear.gather [hbm4b:s14+s3], $0x10, $0x38;
	[tilespmem:$0x10380] =	vst v63  }
0x1b: {  	_ =	swait.ge [sflag:s8], $0x10  }
0x1c: {  	[sflag:s8] =	ssyncset.done $0x0  }
0x1d: {  	[sflag:s8] =	ssyncadd.s32 $0xFFFFFFF0  }
0x1e: {  	v4 =	vld [tilespmem:$0x0];
	_ =	sdelay $0x4  }
0x1f: {  	(v2sf) =	vpush v4, $0x0;
	_ =	sdelay $0xe  }
0x20: {  	s21 =	spop (v2sf)  }
0x21: {  	s14 =	sadd.s32 $0xFF, s21  }
0x22: {  	s22 =	sand.u32 $0xFF, s14  }
0x23: {  	s23 =	sshra.s32 s14, $0x1F;
	p1 =	slt.s32 s14, $0x1;
	p0 =	sne.s32 s22, $0x0  }
0x24: {  	s15 =	sshrl.u32 s23, $0x18;
	p0 =	por !p1, !p0  }
0x25: {  	s14 =	sadd.s32 s15, s14;
	s15 =	simm.s32 $0x1;
	p0 =	por !p0, !p0  }
0x26: {  	s14 =	sshra.s32 s14, $0x8;
	s15 =	simm.s32 @!p0 $0x0  }
0x27: {  	s14 =	ssub.s32 s14, s15  }
0x28: {  	p0 =	slt.s32 s14, $0x1  }
.Ltmp2:
0x29: {  	_ = 	snop;
	(pc) =	sbr.rel @p0 .LBB2_3-.Ltmp2, $2  }
0x2a: {  	_ =	sdelay $0x2  }
0x2b: {  	s15 =	rddreg [dreg:$0x6]  }
.LBB2_2:
0x2c: {  	s16 =	rddreg [dreg:$0x3]  }
0x2d: {  	[tilespmem:s16], [sflag:$0x1] =	stream.linear.gather [hbm4b:s15+s3], $0x100, $0x38;
	[tilespmem:$0x10380] =	vst v63  }
0x2e: {  	_ =	swait.ge [sflag:s8], $0x100  }
0x2f: {  	[sflag:s8] =	ssyncset.done $0x0  }
0x30: {  	[sflag:s8] =	ssyncadd.s32 $0xFFFFFF00  }
0x31: {  	v4 =	vld [tilespmem:$0x80];
	_ =	sdelay $0x1  }
0x32: {  	v5 =	vld [tilespmem:$0x90];
	_ =	sdelay $0x1  }
0x33: {  	v6 =	vld [tilespmem:$0xA0]  }
0x34: {  	v7 =	vand.u32 $0x3FFF, v4;
	v4 =	vshrl.u32 v4, $0xE  }
0x35: {  	v51 =	vld [tilespmem:$0xB0];
	[tilespmem:$0x180] =	vst v7;
	v4 =	vadd.s32 v0, v4  }
0x36: {  	[tilespmem:$0x280] =	vst v4;
	v4 =	vand.u32 $0x3FFF, v5;
	v5 =	vshrl.u32 v5, $0xE  }
0x37: {  	[tilespmem:$0x190] =	vst v4;
	v4 =	vadd.s32 v0, v5;
	v5 =	vld [tilespmem:$0xC0]  }
0x38: {  	[tilespmem:$0x290] =	vst v4;
	v4 =	vand.u32 $0x3FFF, v6;
	v6 =	vshrl.u32 v6, $0xE  }
0x39: {  	v52 =	vld [tilespmem:$0xD0];
	[tilespmem:$0x1A0] =	vst v4;
	v4 =	vadd.s32 v0, v6  }
0x3a: {  	v7 =	vshrl.u32 v51, $0xE;
	[tilespmem:$0x2A0] =	vst v4;
	v4 =	vand.u32 $0x3FFF, v51  }
0x3b: {  	v53 =	vld [tilespmem:$0xE0];
	[tilespmem:$0x1B0] =	vst v4;
	v4 =	vadd.s32 v0, v7  }
0x3c: {  	[tilespmem:$0x2B0] =	vst v4;
	v4 =	vand.u32 $0x3FFF, v5;
	v5 =	vshrl.u32 v5, $0xE  }
0x3d: {  	[tilespmem:$0x1C0] =	vst v4;
	v4 =	vadd.s32 v0, v5;
	v5 =	vld [tilespmem:$0xF0]  }
0x3e: {  	v6 =	vshrl.u32 v52, $0xE;
	[tilespmem:$0x2C0] =	vst v4;
	v4 =	vand.u32 $0x3FFF, v52  }
0x3f: {  	v54 =	vld [tilespmem:$0x100];
	[tilespmem:$0x1D0] =	vst v4;
	v4 =	vadd.s32 v0, v6  }
0x40: {  	v7 =	vshrl.u32 v53, $0xE;
	[tilespmem:$0x2D0] =	vst v4;
	v4 =	vand.u32 $0x3FFF, v53  }
0x41: {  	v55 =	vld [tilespmem:$0x110];
	[tilespmem:$0x1E0] =	vst v4;
	v4 =	vadd.s32 v0, v7  }
0x42: {  	[tilespmem:$0x2E0] =	vst v4;
	v4 =	vand.u32 $0x3FFF, v5;
	v5 =	vshrl.u32 v5, $0xE  }
0x43: {  	[tilespmem:$0x1F0] =	vst v4;
	v4 =	vadd.s32 v0, v5;
	v5 =	vld [tilespmem:$0x120]  }
0x44: {  	v8 =	vld [tilespmem:$0x130];
	v6 =	vshrl.u32 v54, $0xE;
	[tilespmem:$0x2F0] =	vst v4;
	v4 =	vand.u32 $0x3FFF, v54  }
0x45: {  	v56 =	vld [tilespmem:$0x140];
	[tilespmem:$0x200] =	vst v4;
	v4 =	vadd.s32 v0, v6  }
0x46: {  	v9 =	vld [tilespmem:$0x180];
	v7 =	vshrl.u32 v55, $0xE;
	[tilespmem:$0x300] =	vst v4;
	v4 =	vand.u32 $0x3FFF, v55  }
0x47: {  	[tilespmem:$0x210] =	vst v4;
	v4 =	vadd.s32 v0, v7  }
0x48: {  	[tilespmem:$0x310] =	vst v4;
	v4 =	vand.u32 $0x3FFF, v5;
	v5 =	vshrl.u32 v5, $0xE  }
0x49: {  	[tilespmem:$0x220] =	vst v4;
	v4 =	vadd.s32 v0, v5;
	v5 =	vld [tilespmem:$0x150]  }
0x4a: {  	v57 =	vshrl.u32 v8, $0xE;
	[tilespmem:$0x320] =	vst v4;
	v4 =	vand.u32 $0x3FFF, v8  }
0x4b: {  	v58 =	vld [tilespmem:$0x160];
	v59 =	vand.u32 $0x3FFF, v56;
	v10 =	vshll.u32 v9, $0x1;
	[tilespmem:$0x230] =	vst v4;
	v4 =	vadd.s32 v0, v57  }
0x4c: {  	v60 =	vand.u32 $0x7, v9;
	v61 =	vand.u32 $0xFFFFFFF0, v10;
	[tilespmem:$0x330] =	vst v4;
	v4 =	vshrl.u32 v56, $0xE  }
0x4d: {  	v62 =	vld [tilespmem:$0x170];
	[tilespmem:$0x240] =	vst v59;
	v6 =	vor.u32 v60, v61;
	v4 =	vadd.s32 v0, v4  }
0x4e: {  	v9 =	vperm.xlane v6, v1;
	[tilespmem:$0x340] =	vst v4;
	v4 =	vand.u32 $0x3FFF, v5;
	v5 =	vshrl.u32 v5, $0xE  }
0x4f: {  	v6 =	vperm.xlane v6, v3;
	[tilespmem:$0x250] =	vst v4;
	v4 =	vadd.s32 v0, v5  }
0x50: {  	v63 =	vadd.s32 v2, v9;
	v5 =	vand.u32 $0x3FFF, v58;
	[tilespmem:$0x350] =	vst v4;
	v4 =	vshrl.u32 v58, $0xE  }
0x51: {  	[tilespmem:$0x260] =	vst v5;
	v4 =	vadd.s32 v0, v4  }
0x52: {  	v6 =	vadd.s32 v2, v6;
	v5 =	vshrl.u32 v62, $0xE;
	[tilespmem:$0x360] =	vst v4;
	v4 =	vand.u32 $0x3FFF, v62  }
0x53: {  	[tilespmem:$0x270] =	vst v4;
	v4 =	vadd.s32 v0, v5  }
0x54: {  	s16 =	simm.s32 $0x380;
	[tilespmem:$0x370] =	vst v4  }
0x55: {  	[tilespmem:s16], [sflag:$0x1] =	stream.indirect_vreg.gather [hbm4b:s4+s3], $0x80, v63, vm0, $0xb8;
	[tilespmem:$0x10380] =	vst v63  }
0x56: {  	s17 =	simm.s32 $0xB80  }
0x57: {  	[tilespmem:s17], [sflag:$0x1] =	stream.indirect_vreg.gather [hbm4b:s4+s3], $0x80, v6, vm0, $0xb8;
	[tilespmem:$0x10380] =	vst v63  }
0x58: {  	v4 =	vld [tilespmem:$0x190];
	_ =	sdelay $0x4  }
0x59: {  	v5 =	vshll.u32 v4, $0x1  }
0x5a: {  	v4 =	vand.u32 $0x7, v4;
	v5 =	vand.u32 $0xFFFFFFF0, v5  }
0x5b: {  	v4 =	vor.u32 v4, v5  }
0x5c: {  	v5 =	vperm.xlane v4, v1;
	_ =	sdelay $0x1  }
0x5d: {  	v4 =	vperm.xlane v4, v3;
	v5 =	vadd.s32 v2, v5;
	_ =	sdelay $0x1  }
0x5e: {  	v4 =	vadd.s32 v2, v4;
	_ =	sdelay $0x1  }
0x5f: {  	s17 =	simm.s32 $0x1380  }
0x60: {  	[tilespmem:s17], [sflag:$0x1] =	stream.indirect_vreg.gather [hbm4b:s4+s3], $0x80, v5, vm0, $0xb8;
	[tilespmem:$0x10380] =	vst v63  }
0x61: {  	s18 =	simm.s32 $0x1B80  }
0x62: {  	[tilespmem:s18], [sflag:$0x1] =	stream.indirect_vreg.gather [hbm4b:s4+s3], $0x80, v4, vm0, $0xb8;
	[tilespmem:$0x10380] =	vst v63  }
0x63: {  	v4 =	vld [tilespmem:$0x1A0];
	_ =	sdelay $0x4  }
0x64: {  	v5 =	vshll.u32 v4, $0x1  }
0x65: {  	v4 =	vand.u32 $0x7, v4;
	v5 =	vand.u32 $0xFFFFFFF0, v5  }
0x66: {  	v4 =	vor.u32 v4, v5  }
0x67: {  	v5 =	vperm.xlane v4, v1;
	_ =	sdelay $0x1  }
0x68: {  	v4 =	vperm.xlane v4, v3;
	v5 =	vadd.s32 v2, v5;
	_ =	sdelay $0x1  }
0x69: {  	v4 =	vadd.s32 v2, v4;
	_ =	sdelay $0x1  }
0x6a: {  	s18 =	simm.s32 $0x2380  }
0x6b: {  	[tilespmem:s18], [sflag:$0x1] =	stream.indirect_vreg.gather [hbm4b:s4+s3], $0x80, v5, vm0, $0xb8;
	[tilespmem:$0x10380] =	vst v63  }
0x6c: {  	s19 =	simm.s32 $0x2B80  }
0x6d: {  	[tilespmem:s19], [sflag:$0x1] =	stream.indirect_vreg.gather [hbm4b:s4+s3], $0x80, v4, vm0, $0xb8;
	[tilespmem:$0x10380] =	vst v63  }
0x6e: {  	v4 =	vld [tilespmem:$0x1B0];
	_ =	sdelay $0x4  }
0x6f: {  	v5 =	vshll.u32 v4, $0x1  }
0x70: {  	v4 =	vand.u32 $0x7, v4;
	v5 =	vand.u32 $0xFFFFFFF0, v5  }
0x71: {  	v4 =	vor.u32 v4, v5  }
0x72: {  	v5 =	vperm.xlane v4, v1;
	_ =	sdelay $0x1  }
0x73: {  	v4 =	vperm.xlane v4, v3;
	v5 =	vadd.s32 v2, v5;
	_ =	sdelay $0x1  }
0x74: {  	v4 =	vadd.s32 v2, v4;
	_ =	sdelay $0x1  }
0x75: {  	s19 =	simm.s32 $0x3380  }
0x76: {  	[tilespmem:s19], [sflag:$0x1] =	stream.indirect_vreg.gather [hbm4b:s4+s3], $0x80, v5, vm0, $0xb8;
	[tilespmem:$0x10380] =	vst v63  }
0x77: {  	s20 =	simm.s32 $0x3B80  }
0x78: {  	[tilespmem:s20], [sflag:$0x1] =	stream.indirect_vreg.gather [hbm4b:s4+s3], $0x80, v4, vm0, $0xb8;
	[tilespmem:$0x10380] =	vst v63  }
0x79: {  	v4 =	vld [tilespmem:$0x1C0];
	_ =	sdelay $0x4  }
0x7a: {  	v5 =	vshll.u32 v4, $0x1  }
0x7b: {  	v4 =	vand.u32 $0x7, v4;
	v5 =	vand.u32 $0xFFFFFFF0, v5  }
0x7c: {  	v4 =	vor.u32 v4, v5  }
0x7d: {  	v5 =	vperm.xlane v4, v1;
	_ =	sdelay $0x1  }
0x7e: {  	v4 =	vperm.xlane v4, v3;
	v5 =	vadd.s32 v2, v5;
	_ =	sdelay $0x1  }
0x7f: {  	v4 =	vadd.s32 v2, v4;
	_ =	sdelay $0x1  }
0x80: {  	s20 =	simm.s32 $0x4380  }
0x81: {  	[tilespmem:s20], [sflag:$0x1] =	stream.indirect_vreg.gather [hbm4b:s4+s3], $0x80, v5, vm0, $0xb8;
	[tilespmem:$0x10380] =	vst v63  }
0x82: {  	s21 =	simm.s32 $0x4B80  }
0x83: {  	[tilespmem:s21], [sflag:$0x1] =	stream.indirect_vreg.gather [hbm4b:s4+s3], $0x80, v4, vm0, $0xb8;
	[tilespmem:$0x10380] =	vst v63  }
0x84: {  	v4 =	vld [tilespmem:$0x1D0];
	_ =	sdelay $0x4  }
0x85: {  	v5 =	vshll.u32 v4, $0x1  }
0x86: {  	v4 =	vand.u32 $0x7, v4;
	v5 =	vand.u32 $0xFFFFFFF0, v5  }
0x87: {  	v4 =	vor.u32 v4, v5  }
0x88: {  	v5 =	vperm.xlane v4, v1;
	_ =	sdelay $0x1  }
0x89: {  	v4 =	vperm.xlane v4, v3;
	v5 =	vadd.s32 v2, v5;
	_ =	sdelay $0x1  }
0x8a: {  	v4 =	vadd.s32 v2, v4;
	_ =	sdelay $0x1  }
0x8b: {  	s21 =	simm.s32 $0x5380  }
0x8c: {  	[tilespmem:s21], [sflag:$0x1] =	stream.indirect_vreg.gather [hbm4b:s4+s3], $0x80, v5, vm0, $0xb8;
	[tilespmem:$0x10380] =	vst v63  }
0x8d: {  	s22 =	simm.s32 $0x5B80  }
0x8e: {  	[tilespmem:s22], [sflag:$0x1] =	stream.indirect_vreg.gather [hbm4b:s4+s3], $0x80, v4, vm0, $0xb8;
	[tilespmem:$0x10380] =	vst v63  }
0x8f: {  	v4 =	vld [tilespmem:$0x1E0];
	_ =	sdelay $0x4  }
0x90: {  	v5 =	vshll.u32 v4, $0x1  }
0x91: {  	v4 =	vand.u32 $0x7, v4;
	v5 =	vand.u32 $0xFFFFFFF0, v5  }
0x92: {  	v4 =	vor.u32 v4, v5  }
0x93: {  	v5 =	vperm.xlane v4, v1;
	_ =	sdelay $0x1  }
0x94: {  	v4 =	vperm.xlane v4, v3;
	v5 =	vadd.s32 v2, v5;
	_ =	sdelay $0x1  }
0x95: {  	v4 =	vadd.s32 v2, v4;
	_ =	sdelay $0x1  }
0x96: {  	s22 =	simm.s32 $0x6380  }
0x97: {  	[tilespmem:s22], [sflag:$0x1] =	stream.indirect_vreg.gather [hbm4b:s4+s3], $0x80, v5, vm0, $0xb8;
	[tilespmem:$0x10380] =	vst v63  }
0x98: {  	s23 =	simm.s32 $0x6B80  }
0x99: {  	[tilespmem:s23], [sflag:$0x1] =	stream.indirect_vreg.gather [hbm4b:s4+s3], $0x80, v4, vm0, $0xb8;
	[tilespmem:$0x10380] =	vst v63  }
0x9a: {  	v4 =	vld [tilespmem:$0x1F0];
	_ =	sdelay $0x4  }
0x9b: {  	v5 =	vshll.u32 v4, $0x1  }
0x9c: {  	v4 =	vand.u32 $0x7, v4;
	v5 =	vand.u32 $0xFFFFFFF0, v5  }
0x9d: {  	v4 =	vor.u32 v4, v5  }
0x9e: {  	v5 =	vperm.xlane v4, v1;
	_ =	sdelay $0x1  }
0x9f: {  	v4 =	vperm.xlane v4, v3;
	v5 =	vadd.s32 v2, v5;
	_ =	sdelay $0x1  }
0xa0: {  	v4 =	vadd.s32 v2, v4;
	_ =	sdelay $0x1  }
0xa1: {  	s23 =	simm.s32 $0x7380  }
0xa2: {  	[tilespmem:s23], [sflag:$0x1] =	stream.indirect_vreg.gather [hbm4b:s4+s3], $0x80, v5, vm0, $0xb8;
	[tilespmem:$0x10380] =	vst v63  }
0xa3: {  	_ = 	snop  }
0xa4: {  	[tilespmem:s24], [sflag:$0x1] =	stream.indirect_vreg.gather [hbm4b:s4+s3], $0x80, v4, vm0, $0xb8;
	[tilespmem:$0x10380] =	vst v63  }
0xa5: {  	v4 =	vld [tilespmem:$0x200];
	_ =	sdelay $0x4  }
0xa6: {  	v5 =	vshll.u32 v4, $0x1  }
0xa7: {  	v4 =	vand.u32 $0x7, v4;
	v5 =	vand.u32 $0xFFFFFFF0, v5  }
0xa8: {  	v4 =	vor.u32 v4, v5  }
0xa9: {  	v5 =	vperm.xlane v4, v1;
	_ =	sdelay $0x1  }
0xaa: {  	v4 =	vperm.xlane v4, v3;
	v5 =	vadd.s32 v2, v5;
	_ =	sdelay $0x1  }
0xab: {  	v4 =	vadd.s32 v2, v4;
	_ =	sdelay $0x2  }
0xac: {  	[tilespmem:s25], [sflag:$0x1] =	stream.indirect_vreg.gather [hbm4b:s4+s3], $0x80, v5, vm0, $0xb8;
	[tilespmem:$0x10380] =	vst v63  }
0xad: {  	_ = 	snop  }
0xae: {  	[tilespmem:s26], [sflag:$0x1] =	stream.indirect_vreg.gather [hbm4b:s4+s3], $0x80, v4, vm0, $0xb8;
	[tilespmem:$0x10380] =	vst v63  }
0xaf: {  	v4 =	vld [tilespmem:$0x210];
	_ =	sdelay $0x4  }
0xb0: {  	v5 =	vshll.u32 v4, $0x1  }
0xb1: {  	v4 =	vand.u32 $0x7, v4;
	v5 =	vand.u32 $0xFFFFFFF0, v5  }
0xb2: {  	v4 =	vor.u32 v4, v5  }
0xb3: {  	v5 =	vperm.xlane v4, v1;
	_ =	sdelay $0x1  }
0xb4: {  	v4 =	vperm.xlane v4, v3;
	v5 =	vadd.s32 v2, v5;
	_ =	sdelay $0x1  }
0xb5: {  	v4 =	vadd.s32 v2, v4;
	_ =	sdelay $0x2  }
0xb6: {  	[tilespmem:s28], [sflag:$0x1] =	stream.indirect_vreg.gather [hbm4b:s4+s3], $0x80, v5, vm0, $0xb8;
	[tilespmem:$0x10380] =	vst v63  }
0xb7: {  	_ = 	snop  }
0xb8: {  	[tilespmem:s29], [sflag:$0x1] =	stream.indirect_vreg.gather [hbm4b:s4+s3], $0x80, v4, vm0, $0xb8;
	[tilespmem:$0x10380] =	vst v63  }
0xb9: {  	v4 =	vld [tilespmem:$0x220];
	_ =	sdelay $0x4  }
0xba: {  	v5 =	vshll.u32 v4, $0x1  }
0xbb: {  	v4 =	vand.u32 $0x7, v4;
	v5 =	vand.u32 $0xFFFFFFF0, v5  }
0xbc: {  	v4 =	vor.u32 v4, v5  }
0xbd: {  	v5 =	vperm.xlane v4, v1;
	_ =	sdelay $0x1  }
0xbe: {  	v4 =	vperm.xlane v4, v3;
	v5 =	vadd.s32 v2, v5;
	_ =	sdelay $0x1  }
0xbf: {  	v4 =	vadd.s32 v2, v4;
	_ =	sdelay $0x2  }
0xc0: {  	[tilespmem:s30], [sflag:$0x1] =	stream.indirect_vreg.gather [hbm4b:s4+s3], $0x80, v5, vm0, $0xb8;
	[tilespmem:$0x10380] =	vst v63  }
0xc1: {  	_ = 	snop  }
0xc2: {  	[tilespmem:s31], [sflag:$0x1] =	stream.indirect_vreg.gather [hbm4b:s4+s3], $0x80, v4, vm0, $0xb8;
	[tilespmem:$0x10380] =	vst v63  }
0xc3: {  	v4 =	vld [tilespmem:$0x230];
	_ =	sdelay $0x4  }
0xc4: {  	v5 =	vshll.u32 v4, $0x1  }
0xc5: {  	v4 =	vand.u32 $0x7, v4;
	v5 =	vand.u32 $0xFFFFFFF0, v5  }
0xc6: {  	v4 =	vor.u32 v4, v5  }
0xc7: {  	v5 =	vperm.xlane v4, v1;
	_ =	sdelay $0x1  }
0xc8: {  	v4 =	vperm.xlane v4, v3;
	v5 =	vadd.s32 v2, v5;
	_ =	sdelay $0x1  }
0xc9: {  	v4 =	vadd.s32 v2, v4;
	_ =	sdelay $0x2  }
0xca: {  	[tilespmem:s1], [sflag:$0x1] =	stream.indirect_vreg.gather [hbm4b:s4+s3], $0x80, v5, vm0, $0xb8;
	[tilespmem:$0x10380] =	vst v63  }
0xcb: {  	_ = 	snop  }
0xcc: {  	[tilespmem:s0], [sflag:$0x1] =	stream.indirect_vreg.gather [hbm4b:s4+s3], $0x80, v4, vm0, $0xb8;
	[tilespmem:$0x10380] =	vst v63  }
0xcd: {  	v4 =	vld [tilespmem:$0x240];
	_ =	sdelay $0x4  }
0xce: {  	v5 =	vshll.u32 v4, $0x1  }
0xcf: {  	v4 =	vand.u32 $0x7, v4;
	v5 =	vand.u32 $0xFFFFFFF0, v5  }
0xd0: {  	v4 =	vor.u32 v4, v5  }
0xd1: {  	v5 =	vperm.xlane v4, v1;
	_ =	sdelay $0x1  }
0xd2: {  	v4 =	vperm.xlane v4, v3;
	v5 =	vadd.s32 v2, v5;
	_ =	sdelay $0x1  }
0xd3: {  	v4 =	vadd.s32 v2, v4;
	_ =	sdelay $0x2  }
0xd4: {  	[tilespmem:s5], [sflag:$0x1] =	stream.indirect_vreg.gather [hbm4b:s4+s3], $0x80, v5, vm0, $0xb8;
	[tilespmem:$0x10380] =	vst v63  }
0xd5: {  	_ = 	snop  }
0xd6: {  	[tilespmem:s6], [sflag:$0x1] =	stream.indirect_vreg.gather [hbm4b:s4+s3], $0x80, v4, vm0, $0xb8;
	[tilespmem:$0x10380] =	vst v63  }
0xd7: {  	v4 =	vld [tilespmem:$0x250];
	_ =	sdelay $0x4  }
0xd8: {  	v5 =	vshll.u32 v4, $0x1  }
0xd9: {  	v4 =	vand.u32 $0x7, v4;
	v5 =	vand.u32 $0xFFFFFFF0, v5  }
0xda: {  	v4 =	vor.u32 v4, v5  }
0xdb: {  	v5 =	vperm.xlane v4, v1;
	_ =	sdelay $0x1  }
0xdc: {  	v4 =	vperm.xlane v4, v3;
	v5 =	vadd.s32 v2, v5;
	_ =	sdelay $0x1  }
0xdd: {  	v4 =	vadd.s32 v2, v4;
	_ =	sdelay $0x2  }
0xde: {  	[tilespmem:s7], [sflag:$0x1] =	stream.indirect_vreg.gather [hbm4b:s4+s3], $0x80, v5, vm0, $0xb8;
	[tilespmem:$0x10380] =	vst v63  }
0xdf: {  	_ = 	snop  }
0xe0: {  	[tilespmem:s9], [sflag:$0x1] =	stream.indirect_vreg.gather [hbm4b:s4+s3], $0x80, v4, vm0, $0xb8;
	[tilespmem:$0x10380] =	vst v63  }
0xe1: {  	v4 =	vld [tilespmem:$0x260];
	_ =	sdelay $0x4  }
0xe2: {  	v5 =	vshll.u32 v4, $0x1  }
0xe3: {  	v4 =	vand.u32 $0x7, v4;
	v5 =	vand.u32 $0xFFFFFFF0, v5  }
0xe4: {  	v4 =	vor.u32 v4, v5  }
0xe5: {  	v5 =	vperm.xlane v4, v1;
	_ =	sdelay $0x1  }
0xe6: {  	v4 =	vperm.xlane v4, v3;
	v5 =	vadd.s32 v2, v5;
	_ =	sdelay $0x1  }
0xe7: {  	v4 =	vadd.s32 v2, v4;
	_ =	sdelay $0x2  }
0xe8: {  	[tilespmem:s10], [sflag:$0x1] =	stream.indirect_vreg.gather [hbm4b:s4+s3], $0x80, v5, vm0, $0xb8;
	[tilespmem:$0x10380] =	vst v63  }
0xe9: {  	_ = 	snop  }
0xea: {  	[tilespmem:s11], [sflag:$0x1] =	stream.indirect_vreg.gather [hbm4b:s4+s3], $0x80, v4, vm0, $0xb8;
	[tilespmem:$0x10380] =	vst v63  }
0xeb: {  	v4 =	vld [tilespmem:$0x270];
	_ =	sdelay $0x4  }
0xec: {  	v5 =	vshll.u32 v4, $0x1  }
0xed: {  	v4 =	vand.u32 $0x7, v4;
	v5 =	vand.u32 $0xFFFFFFF0, v5  }
0xee: {  	v4 =	vor.u32 v4, v5  }
0xef: {  	v5 =	vperm.xlane v4, v1;
	_ =	sdelay $0x1  }
0xf0: {  	v4 =	vperm.xlane v4, v3;
	v5 =	vadd.s32 v2, v5;
	_ =	sdelay $0x1  }
0xf1: {  	v4 =	vadd.s32 v2, v4;
	_ =	sdelay $0x2  }
0xf2: {  	[tilespmem:s12], [sflag:$0x1] =	stream.indirect_vreg.gather [hbm4b:s4+s3], $0x80, v5, vm0, $0xb8;
	[tilespmem:$0x10380] =	vst v63  }
0xf3: {  	_ = 	snop  }
0xf4: {  	[tilespmem:s13], [sflag:$0x1] =	stream.indirect_vreg.gather [hbm4b:s4+s3], $0x80, v4, vm0, $0xb8;
	[tilespmem:$0x10380] =	vst v63  }
0xf5: {  	_ =	swait.ge [sflag:s8], $0x10000  }
0xf6: {  	[sflag:s8] =	ssyncset.done $0x0  }
0xf7: {  	[sflag:s8] =	ssyncadd.s32 $0xFFFF0000  }
0xf8: {  	v4 =	vld [tilespmem:$0x280];
	_ =	sdelay $0x4  }
0xf9: {  	v5 =	vshll.u32 v4, $0x1  }
0xfa: {  	v4 =	vand.u32 $0x7, v4;
	v5 =	vand.u32 $0xFFFFFFF0, v5  }
0xfb: {  	v4 =	vor.u32 v4, v5  }
0xfc: {  	v5 =	vperm.xlane v4, v1;
	_ =	sdelay $0x1  }
0xfd: {  	v4 =	vperm.xlane v4, v3;
	v5 =	vadd.s32 v2, v5;
	_ =	sdelay $0x1  }
0xfe: {  	v4 =	vadd.s32 v2, v4;
	_ =	sdelay $0x2  }
0xff: {  	[hbm4b:s2+s3] =	stream.indirect_vreg.scatter [tilespmem:s16], [sflag:$0x1], $0x80, v5, vm0, $0xb8;
	[tilespmem:$0x10380] =	vst v63  }
0x100: {  	s16 =	simm.s32 $0xB80  }
0x101: {  	[hbm4b:s2+s3] =	stream.indirect_vreg.scatter [tilespmem:s16], [sflag:$0x1], $0x80, v4, vm0, $0xb8;
	[tilespmem:$0x10380] =	vst v63  }
0x102: {  	v4 =	vld [tilespmem:$0x290];
	_ =	sdelay $0x4  }
0x103: {  	v5 =	vshll.u32 v4, $0x1  }
0x104: {  	v4 =	vand.u32 $0x7, v4;
	v5 =	vand.u32 $0xFFFFFFF0, v5  }
0x105: {  	v4 =	vor.u32 v4, v5  }
0x106: {  	v5 =	vperm.xlane v4, v1;
	_ =	sdelay $0x1  }
0x107: {  	v4 =	vperm.xlane v4, v3;
	v5 =	vadd.s32 v2, v5;
	_ =	sdelay $0x1  }
0x108: {  	v4 =	vadd.s32 v2, v4;
	_ =	sdelay $0x2  }
0x109: {  	[hbm4b:s2+s3] =	stream.indirect_vreg.scatter [tilespmem:s17], [sflag:$0x1], $0x80, v5, vm0, $0xb8;
	[tilespmem:$0x10380] =	vst v63  }
0x10a: {  	s16 =	simm.s32 $0x1B80  }
0x10b: {  	[hbm4b:s2+s3] =	stream.indirect_vreg.scatter [tilespmem:s16], [sflag:$0x1], $0x80, v4, vm0, $0xb8;
	[tilespmem:$0x10380] =	vst v63  }
0x10c: {  	v4 =	vld [tilespmem:$0x2A0];
	_ =	sdelay $0x4  }
0x10d: {  	v5 =	vshll.u32 v4, $0x1  }
0x10e: {  	v4 =	vand.u32 $0x7, v4;
	v5 =	vand.u32 $0xFFFFFFF0, v5  }
0x10f: {  	v4 =	vor.u32 v4, v5  }
0x110: {  	v5 =	vperm.xlane v4, v1;
	_ =	sdelay $0x1  }
0x111: {  	v4 =	vperm.xlane v4, v3;
	v5 =	vadd.s32 v2, v5;
	_ =	sdelay $0x1  }
0x112: {  	v4 =	vadd.s32 v2, v4;
	_ =	sdelay $0x2  }
0x113: {  	[hbm4b:s2+s3] =	stream.indirect_vreg.scatter [tilespmem:s18], [sflag:$0x1], $0x80, v5, vm0, $0xb8;
	[tilespmem:$0x10380] =	vst v63  }
0x114: {  	s17 =	simm.s32 $0x2B80  }
0x115: {  	[hbm4b:s2+s3] =	stream.indirect_vreg.scatter [tilespmem:s17], [sflag:$0x1], $0x80, v4, vm0, $0xb8;
	[tilespmem:$0x10380] =	vst v63  }
0x116: {  	v4 =	vld [tilespmem:$0x2B0];
	_ =	sdelay $0x4  }
0x117: {  	v5 =	vshll.u32 v4, $0x1  }
0x118: {  	v4 =	vand.u32 $0x7, v4;
	v5 =	vand.u32 $0xFFFFFFF0, v5  }
0x119: {  	v4 =	vor.u32 v4, v5  }
0x11a: {  	v5 =	vperm.xlane v4, v1;
	_ =	sdelay $0x1  }
0x11b: {  	v4 =	vperm.xlane v4, v3;
	v5 =	vadd.s32 v2, v5;
	_ =	sdelay $0x1  }
0x11c: {  	v4 =	vadd.s32 v2, v4;
	_ =	sdelay $0x2  }
0x11d: {  	[hbm4b:s2+s3] =	stream.indirect_vreg.scatter [tilespmem:s19], [sflag:$0x1], $0x80, v5, vm0, $0xb8;
	[tilespmem:$0x10380] =	vst v63  }
0x11e: {  	s18 =	simm.s32 $0x3B80  }
0x11f: {  	[hbm4b:s2+s3] =	stream.indirect_vreg.scatter [tilespmem:s18], [sflag:$0x1], $0x80, v4, vm0, $0xb8;
	[tilespmem:$0x10380] =	vst v63  }
0x120: {  	v4 =	vld [tilespmem:$0x2C0];
	_ =	sdelay $0x4  }
0x121: {  	v5 =	vshll.u32 v4, $0x1  }
0x122: {  	v4 =	vand.u32 $0x7, v4;
	v5 =	vand.u32 $0xFFFFFFF0, v5  }
0x123: {  	v4 =	vor.u32 v4, v5  }
0x124: {  	v5 =	vperm.xlane v4, v1;
	_ =	sdelay $0x1  }
0x125: {  	v4 =	vperm.xlane v4, v3;
	v5 =	vadd.s32 v2, v5;
	_ =	sdelay $0x1  }
0x126: {  	v4 =	vadd.s32 v2, v4;
	_ =	sdelay $0x2  }
0x127: {  	[hbm4b:s2+s3] =	stream.indirect_vreg.scatter [tilespmem:s20], [sflag:$0x1], $0x80, v5, vm0, $0xb8;
	[tilespmem:$0x10380] =	vst v63  }
0x128: {  	s19 =	simm.s32 $0x4B80  }
0x129: {  	[hbm4b:s2+s3] =	stream.indirect_vreg.scatter [tilespmem:s19], [sflag:$0x1], $0x80, v4, vm0, $0xb8;
	[tilespmem:$0x10380] =	vst v63  }
0x12a: {  	v4 =	vld [tilespmem:$0x2D0];
	_ =	sdelay $0x4  }
0x12b: {  	v5 =	vshll.u32 v4, $0x1  }
0x12c: {  	v4 =	vand.u32 $0x7, v4;
	v5 =	vand.u32 $0xFFFFFFF0, v5  }
0x12d: {  	v4 =	vor.u32 v4, v5  }
0x12e: {  	v5 =	vperm.xlane v4, v1;
	_ =	sdelay $0x1  }
0x12f: {  	v4 =	vperm.xlane v4, v3;
	v5 =	vadd.s32 v2, v5;
	_ =	sdelay $0x1  }
0x130: {  	v4 =	vadd.s32 v2, v4;
	_ =	sdelay $0x2  }
0x131: {  	[hbm4b:s2+s3] =	stream.indirect_vreg.scatter [tilespmem:s21], [sflag:$0x1], $0x80, v5, vm0, $0xb8;
	[tilespmem:$0x10380] =	vst v63  }
0x132: {  	s20 =	simm.s32 $0x5B80  }
0x133: {  	[hbm4b:s2+s3] =	stream.indirect_vreg.scatter [tilespmem:s20], [sflag:$0x1], $0x80, v4, vm0, $0xb8;
	[tilespmem:$0x10380] =	vst v63  }
0x134: {  	v4 =	vld [tilespmem:$0x2E0];
	_ =	sdelay $0x4  }
0x135: {  	v5 =	vshll.u32 v4, $0x1  }
0x136: {  	v4 =	vand.u32 $0x7, v4;
	v5 =	vand.u32 $0xFFFFFFF0, v5  }
0x137: {  	v4 =	vor.u32 v4, v5  }
0x138: {  	v5 =	vperm.xlane v4, v1;
	_ =	sdelay $0x1  }
0x139: {  	v4 =	vperm.xlane v4, v3;
	v5 =	vadd.s32 v2, v5;
	_ =	sdelay $0x1  }
0x13a: {  	v4 =	vadd.s32 v2, v4;
	_ =	sdelay $0x2  }
0x13b: {  	[hbm4b:s2+s3] =	stream.indirect_vreg.scatter [tilespmem:s22], [sflag:$0x1], $0x80, v5, vm0, $0xb8;
	[tilespmem:$0x10380] =	vst v63  }
0x13c: {  	s21 =	simm.s32 $0x6B80  }
0x13d: {  	[hbm4b:s2+s3] =	stream.indirect_vreg.scatter [tilespmem:s21], [sflag:$0x1], $0x80, v4, vm0, $0xb8;
	[tilespmem:$0x10380] =	vst v63  }
0x13e: {  	v4 =	vld [tilespmem:$0x2F0];
	_ =	sdelay $0x4  }
0x13f: {  	v5 =	vshll.u32 v4, $0x1  }
0x140: {  	v4 =	vand.u32 $0x7, v4;
	v5 =	vand.u32 $0xFFFFFFF0, v5  }
0x141: {  	v4 =	vor.u32 v4, v5  }
0x142: {  	v5 =	vperm.xlane v4, v1;
	_ =	sdelay $0x1  }
0x143: {  	v4 =	vperm.xlane v4, v3;
	v5 =	vadd.s32 v2, v5;
	_ =	sdelay $0x1  }
0x144: {  	v4 =	vadd.s32 v2, v4;
	_ =	sdelay $0x2  }
0x145: {  	[hbm4b:s2+s3] =	stream.indirect_vreg.scatter [tilespmem:s23], [sflag:$0x1], $0x80, v5, vm0, $0xb8;
	[tilespmem:$0x10380] =	vst v63  }
0x146: {  	_ = 	snop  }
0x147: {  	[hbm4b:s2+s3] =	stream.indirect_vreg.scatter [tilespmem:s24], [sflag:$0x1], $0x80, v4, vm0, $0xb8;
	[tilespmem:$0x10380] =	vst v63  }
0x148: {  	v4 =	vld [tilespmem:$0x300];
	_ =	sdelay $0x4  }
0x149: {  	v5 =	vshll.u32 v4, $0x1  }
0x14a: {  	v4 =	vand.u32 $0x7, v4;
	v5 =	vand.u32 $0xFFFFFFF0, v5  }
0x14b: {  	v4 =	vor.u32 v4, v5  }
0x14c: {  	v5 =	vperm.xlane v4, v1;
	_ =	sdelay $0x1  }
0x14d: {  	v4 =	vperm.xlane v4, v3;
	v5 =	vadd.s32 v2, v5;
	_ =	sdelay $0x1  }
0x14e: {  	v4 =	vadd.s32 v2, v4;
	_ =	sdelay $0x2  }
0x14f: {  	[hbm4b:s2+s3] =	stream.indirect_vreg.scatter [tilespmem:s25], [sflag:$0x1], $0x80, v5, vm0, $0xb8;
	[tilespmem:$0x10380] =	vst v63  }
0x150: {  	_ = 	snop  }
0x151: {  	[hbm4b:s2+s3] =	stream.indirect_vreg.scatter [tilespmem:s26], [sflag:$0x1], $0x80, v4, vm0, $0xb8;
	[tilespmem:$0x10380] =	vst v63  }
0x152: {  	v4 =	vld [tilespmem:$0x310];
	_ =	sdelay $0x4  }
0x153: {  	v5 =	vshll.u32 v4, $0x1  }
0x154: {  	v4 =	vand.u32 $0x7, v4;
	v5 =	vand.u32 $0xFFFFFFF0, v5  }
0x155: {  	v4 =	vor.u32 v4, v5  }
0x156: {  	v5 =	vperm.xlane v4, v1;
	_ =	sdelay $0x1  }
0x157: {  	v4 =	vperm.xlane v4, v3;
	v5 =	vadd.s32 v2, v5;
	_ =	sdelay $0x1  }
0x158: {  	v4 =	vadd.s32 v2, v4;
	_ =	sdelay $0x2  }
0x159: {  	[hbm4b:s2+s3] =	stream.indirect_vreg.scatter [tilespmem:s28], [sflag:$0x1], $0x80, v5, vm0, $0xb8;
	[tilespmem:$0x10380] =	vst v63  }
0x15a: {  	_ = 	snop  }
0x15b: {  	[hbm4b:s2+s3] =	stream.indirect_vreg.scatter [tilespmem:s29], [sflag:$0x1], $0x80, v4, vm0, $0xb8;
	[tilespmem:$0x10380] =	vst v63  }
0x15c: {  	v4 =	vld [tilespmem:$0x320];
	_ =	sdelay $0x4  }
0x15d: {  	v5 =	vshll.u32 v4, $0x1  }
0x15e: {  	v4 =	vand.u32 $0x7, v4;
	v5 =	vand.u32 $0xFFFFFFF0, v5  }
0x15f: {  	v4 =	vor.u32 v4, v5  }
0x160: {  	v5 =	vperm.xlane v4, v1;
	_ =	sdelay $0x1  }
0x161: {  	v4 =	vperm.xlane v4, v3;
	v5 =	vadd.s32 v2, v5;
	_ =	sdelay $0x1  }
0x162: {  	v4 =	vadd.s32 v2, v4;
	_ =	sdelay $0x2  }
0x163: {  	[hbm4b:s2+s3] =	stream.indirect_vreg.scatter [tilespmem:s30], [sflag:$0x1], $0x80, v5, vm0, $0xb8;
	[tilespmem:$0x10380] =	vst v63  }
0x164: {  	_ = 	snop  }
0x165: {  	[hbm4b:s2+s3] =	stream.indirect_vreg.scatter [tilespmem:s31], [sflag:$0x1], $0x80, v4, vm0, $0xb8;
	[tilespmem:$0x10380] =	vst v63  }
0x166: {  	v4 =	vld [tilespmem:$0x330];
	_ =	sdelay $0x4  }
0x167: {  	v5 =	vshll.u32 v4, $0x1  }
0x168: {  	v4 =	vand.u32 $0x7, v4;
	v5 =	vand.u32 $0xFFFFFFF0, v5  }
0x169: {  	v4 =	vor.u32 v4, v5  }
0x16a: {  	v5 =	vperm.xlane v4, v1;
	_ =	sdelay $0x1  }
0x16b: {  	v4 =	vperm.xlane v4, v3;
	v5 =	vadd.s32 v2, v5;
	_ =	sdelay $0x1  }
0x16c: {  	v4 =	vadd.s32 v2, v4;
	_ =	sdelay $0x2  }
0x16d: {  	[hbm4b:s2+s3] =	stream.indirect_vreg.scatter [tilespmem:s1], [sflag:$0x1], $0x80, v5, vm0, $0xb8;
	[tilespmem:$0x10380] =	vst v63  }
0x16e: {  	_ = 	snop  }
0x16f: {  	[hbm4b:s2+s3] =	stream.indirect_vreg.scatter [tilespmem:s0], [sflag:$0x1], $0x80, v4, vm0, $0xb8;
	[tilespmem:$0x10380] =	vst v63  }
0x170: {  	v4 =	vld [tilespmem:$0x340];
	_ =	sdelay $0x4  }
0x171: {  	v5 =	vshll.u32 v4, $0x1  }
0x172: {  	v4 =	vand.u32 $0x7, v4;
	v5 =	vand.u32 $0xFFFFFFF0, v5  }
0x173: {  	v4 =	vor.u32 v4, v5  }
0x174: {  	v5 =	vperm.xlane v4, v1;
	_ =	sdelay $0x1  }
0x175: {  	v4 =	vperm.xlane v4, v3;
	v5 =	vadd.s32 v2, v5;
	_ =	sdelay $0x1  }
0x176: {  	v4 =	vadd.s32 v2, v4;
	_ =	sdelay $0x2  }
0x177: {  	[hbm4b:s2+s3] =	stream.indirect_vreg.scatter [tilespmem:s5], [sflag:$0x1], $0x80, v5, vm0, $0xb8;
	[tilespmem:$0x10380] =	vst v63  }
0x178: {  	_ = 	snop  }
0x179: {  	[hbm4b:s2+s3] =	stream.indirect_vreg.scatter [tilespmem:s6], [sflag:$0x1], $0x80, v4, vm0, $0xb8;
	[tilespmem:$0x10380] =	vst v63  }
0x17a: {  	v4 =	vld [tilespmem:$0x350];
	_ =	sdelay $0x4  }
0x17b: {  	v5 =	vshll.u32 v4, $0x1  }
0x17c: {  	v4 =	vand.u32 $0x7, v4;
	v5 =	vand.u32 $0xFFFFFFF0, v5  }
0x17d: {  	v4 =	vor.u32 v4, v5  }
0x17e: {  	v5 =	vperm.xlane v4, v1;
	_ =	sdelay $0x1  }
0x17f: {  	v4 =	vperm.xlane v4, v3;
	v5 =	vadd.s32 v2, v5;
	_ =	sdelay $0x1  }
0x180: {  	v4 =	vadd.s32 v2, v4;
	_ =	sdelay $0x2  }
0x181: {  	[hbm4b:s2+s3] =	stream.indirect_vreg.scatter [tilespmem:s7], [sflag:$0x1], $0x80, v5, vm0, $0xb8;
	[tilespmem:$0x10380] =	vst v63  }
0x182: {  	_ = 	snop  }
0x183: {  	[hbm4b:s2+s3] =	stream.indirect_vreg.scatter [tilespmem:s9], [sflag:$0x1], $0x80, v4, vm0, $0xb8;
	[tilespmem:$0x10380] =	vst v63  }
0x184: {  	v4 =	vld [tilespmem:$0x360];
	_ =	sdelay $0x4  }
0x185: {  	v5 =	vshll.u32 v4, $0x1  }
0x186: {  	v4 =	vand.u32 $0x7, v4;
	v5 =	vand.u32 $0xFFFFFFF0, v5  }
0x187: {  	v4 =	vor.u32 v4, v5  }
0x188: {  	v5 =	vperm.xlane v4, v1;
	_ =	sdelay $0x1  }
0x189: {  	v4 =	vperm.xlane v4, v3;
	v5 =	vadd.s32 v2, v5;
	_ =	sdelay $0x1  }
0x18a: {  	v4 =	vadd.s32 v2, v4;
	_ =	sdelay $0x2  }
0x18b: {  	[hbm4b:s2+s3] =	stream.indirect_vreg.scatter [tilespmem:s10], [sflag:$0x1], $0x80, v5, vm0, $0xb8;
	[tilespmem:$0x10380] =	vst v63  }
0x18c: {  	_ = 	snop  }
0x18d: {  	[hbm4b:s2+s3] =	stream.indirect_vreg.scatter [tilespmem:s11], [sflag:$0x1], $0x80, v4, vm0, $0xb8;
	[tilespmem:$0x10380] =	vst v63  }
0x18e: {  	v4 =	vld [tilespmem:$0x370];
	_ =	sdelay $0x4  }
0x18f: {  	v5 =	vshll.u32 v4, $0x1  }
0x190: {  	v4 =	vand.u32 $0x7, v4;
	v5 =	vand.u32 $0xFFFFFFF0, v5  }
0x191: {  	v4 =	vor.u32 v4, v5  }
0x192: {  	v5 =	vperm.xlane v4, v1;
	_ =	sdelay $0x1  }
0x193: {  	v4 =	vperm.xlane v4, v3;
	v5 =	vadd.s32 v2, v5;
	_ =	sdelay $0x1  }
0x194: {  	v4 =	vadd.s32 v2, v4;
	_ =	sdelay $0x1  }
0x195: {  	p0 =	sne.s32 s14, $0x1  }
0x196: {  	[hbm4b:s2+s3] =	stream.indirect_vreg.scatter [tilespmem:s12], [sflag:$0x1], $0x80, v5, vm0, $0xb8;
	[tilespmem:$0x10380] =	vst v63  }
.Ltmp3:
0x197: {  	_ = 	snop;
	(pc) =	sbr.rel @p0 .LBB2_2-.Ltmp3, $4  }
0x198: {  	[hbm4b:s2+s3] =	stream.indirect_vreg.scatter [tilespmem:s13], [sflag:$0x1], $0x80, v4, vm0, $0xb8;
	[tilespmem:$0x10380] =	vst v63  }
0x199: {  	_ =	swait.ge [sflag:s8], $0x10000  }
0x19a: {  	[sflag:s8] =	ssyncset.done $0x0  }
0x19b: {  	s14 =	sadd.s32 $0xFFFFFFFF, s14;
	s15 =	sadd.s32 $0x20, s15;
	[sflag:s8] =	ssyncadd.s32 $0xFFFF0000  }
.Ltmp4:
0x19c: {  	_ = 	snop;
	(pc) =	sbr.rel .LBB2_3-.Ltmp4, $1  }
0x19d: {  	_ =	sdelay $0x3  }
.LBB2_4:
0x19e: {  	_ =	sfence.sel $0x180000  }
0x19f: {  	[bflag:$0x0] =	sbarrier.arrive $0xFFFF  }
0x1a0: {  	_ =	strace $0x9000004A  }
0x1a1: {  	s0 =	stileid.u32;
	[bflag:$0x2] =	sbarrier.arrive $0xFFFF  }
0x1a2: {  	p0 =	sne.s32 s0, $0x0;
	s0 =	rddreg [dreg:$0x2]  }
0x1a3: {  	s0 =	sadd.s32 @!p0 $0x100000, s0  }
0x1a4: {  	[sflag:s0] =	ssyncadd.tile.s32 @!p0 $0x1;
	_ =	shalt  }
.Lfunc_end2:
_tile_overlayer_lowered:
.L_overlay_start_2:
0x1a5: {  	(tag) =	ssettag $0x2  }
0x1a6: {  	s0 =	rddreg [dreg:$0x0];
	s2 =	stileid.u32  }
0x1a7: {  	s1 =	rddreg [dreg:$0x1];
	p0 =	sne.s32 s2, $0x0  }
0x1a8: {  	s3 =	rddreg [dreg:$0x2];
	[bflag:$0x3] =	sbarrier.arrive $0xFFFF;
	s2 =	simm.s32 @!p0 $0x1C01  }
0x1a9: {  	[timem:s3], [sflag:s2] =	dma.local @!p0 [hbm:s0], s1  }
0x1aa: {  	s0 =	simm.s32 @!p0 $0x1  }
0x1ab: {  	_ =	swait.ge @!p0 [sflag:s0], s1  }
0x1ac: {  	s1 =	ssub.s32 @!p0 $0x0, s1;
	[sflag:s0] =	ssyncset.done @!p0 $0x0  }
0x1ad: {  	[sflag:s0] =	ssyncadd.s32 @!p0 s1  }
0x1ae: {  	[bflag:$0x3] =	sbarrier.arrive $0xFFFF  }
0x1af: {  	_ =	shalt  }

</sc_bundles>
